<compile_context>
chip_gen: v7x
topology: tpu7x:2x2x1
jax: 0.10.2.dev20260603
libtpu: 0.0.44.dev20260713+nightly
codegen_flags: <defaults>
</compile_context>

<pallas_src>
import functools

import jax
import jax.numpy as jnp
from jax import lax
from jax.experimental import pallas as pl
from jax.experimental.pallas import tpu as pltpu
from jax.experimental.pallas import tpu_sc as plsc

N = 10000
E = 320000
D = 128

NC = 2
NS = 16
CHUNK = 128
K2 = 160
E_PAD = NS * K2 * CHUNK
NBUF = 4
GSEG = 8
NSEG = K2 // GSEG

G_ROWS = 10240
HALF = G_ROWS // NC
ACC_H = HALF + CHUNK
DUMMY = HALF
ACC_PER_TILE = ACC_H // NS
DEG_PER_TILE = G_ROWS // NS
TCB = 1024


def _zero_vmem_2d(ref, rows, cols):
  zero = jnp.zeros((16,), jnp.float32)

  @pl.loop(0, rows)
  def _(r):
    for k in range(cols // 16):
      ref[r, pl.ds(k * 16, 16)] = zero


def _sc_deg_body(dst_hbm, out_hbm, idx_d, ones_v, acc, sem):
  cid = lax.axis_index("c")
  sid = lax.axis_index("s")

  pltpu.sync_copy(dst_hbm.at[sid], idx_d)

  _zero_vmem_2d(ones_v, CHUNK, D)
  base = sid * DEG_PER_TILE
  for t in range(DEG_PER_TILE // CHUNK):
    pltpu.sync_copy(ones_v, acc.at[pl.ds(base + t * CHUNK, CHUNK)])
  one = jnp.ones((16,), jnp.float32)

  @pl.loop(0, CHUNK)
  def _(r):
    for k in range(D // 16):
      ones_v[r, pl.ds(k * 16, 16)] = one

  plsc.subcore_barrier()

  GRP = 8
  half = K2 // NC
  cbase = cid * half

  @pl.loop(0, half, step=GRP)
  def _(j0):
    for b in range(GRP):
      pltpu.async_copy(ones_v, acc.at[idx_d.at[cbase + j0 + b]], sem,
                       add=True)
    for b in range(GRP):
      pltpu.make_async_copy(ones_v, acc.at[idx_d.at[cbase + j0 + b]],
                            sem).wait()

  plsc.subcore_barrier()
  pltpu.sync_copy(acc.at[pl.ds(base, DEG_PER_TILE)],
                  out_hbm.at[cid, pl.ds(base, DEG_PER_TILE)])


def _sc_agg_body(g_hbm, src_hbm, dst_hbm, out_hbm, idx_sg, idx_d, bufs, acc,
                 sgs, gs, ss):
  cid = lax.axis_index("c")
  sid = lax.axis_index("s")
  base_row = cid * HALF

  pltpu.sync_copy(dst_hbm.at[cid, sid], idx_d)

  @pl.loop(0, K2)
  def _(r):
    for k in range(CHUNK // 16):
      d = idx_d[r, pl.ds(k * 16, 16)]
      m = (d >= base_row) & (d < base_row + HALF)
      idx_d[r, pl.ds(k * 16, 16)] = jnp.where(m, d - base_row, DUMMY + (d & 127))

  _zero_vmem_2d(bufs.at[0], CHUNK, D)
  zb = sid * ACC_PER_TILE
  for t in range(ACC_PER_TILE // CHUNK):
    pltpu.sync_copy(bufs.at[0], acc.at[pl.ds(zb + t * CHUNK, CHUNK)])
  _REM = ACC_PER_TILE % CHUNK
  if _REM:
    pltpu.sync_copy(
        bufs.at[0, pl.ds(0, _REM)],
        acc.at[pl.ds(zb + (ACC_PER_TILE // CHUNK) * CHUNK, _REM)])
  plsc.subcore_barrier()

  pltpu.async_copy(src_hbm.at[cid, sid, pl.ds(0, GSEG)], idx_sg.at[0],
                   sgs[0])
  pltpu.async_copy(src_hbm.at[cid, sid, pl.ds(GSEG, GSEG)], idx_sg.at[1],
                   sgs[1])
  pltpu.make_async_copy(src_hbm.at[cid, sid, pl.ds(0, GSEG)], idx_sg.at[0],
                        sgs[0]).wait()
  for b in range(NBUF):
    pltpu.async_copy(g_hbm.at[idx_sg.at[0, b]], bufs.at[b], gs[b])

  def _segment(s, slot, nslot):
    for r in range(GSEG):
      b = r % NBUF
      j = s * GSEG + r
      pltpu.make_async_copy(g_hbm.at[idx_sg.at[slot, r]], bufs.at[b],
                            gs[b]).wait()
      pltpu.async_copy(bufs.at[b], acc.at[idx_d.at[j]], ss[b], add=True)
      pltpu.make_async_copy(bufs.at[b], acc.at[idx_d.at[j]], ss[b]).wait()
      if r == GSEG - NBUF:
        @pl.when(s < NSEG - 1)
        def _():
          pltpu.make_async_copy(
              src_hbm.at[cid, sid, pl.ds((s + 1) * GSEG, GSEG)],
              idx_sg.at[nslot], sgs[nslot]).wait()
      jn = j + NBUF

      if r < GSEG - NBUF:
        @pl.when(jn < K2)
        def _():
          pltpu.async_copy(g_hbm.at[idx_sg.at[slot, r + NBUF]], bufs.at[b],
                           gs[b])
      else:
        @pl.when(jn < K2)
        def _():
          pltpu.async_copy(
              g_hbm.at[idx_sg.at[nslot, r + NBUF - GSEG]], bufs.at[b], gs[b])

    @pl.when(s < NSEG - 2)
    def _():
      pltpu.async_copy(src_hbm.at[cid, sid, pl.ds((s + 2) * GSEG, GSEG)],
                       idx_sg.at[slot], sgs[slot])

  @pl.loop(0, NSEG, step=2)
  def _(s0):
    _segment(s0, 0, 1)
    _segment(s0 + 1, 1, 0)

  plsc.subcore_barrier()
  pltpu.sync_copy(acc.at[pl.ds(zb, ACC_PER_TILE)],
                  out_hbm.at[cid, pl.ds(zb, ACC_PER_TILE)])


def _make_sc_kernels():
  mesh = plsc.VectorSubcoreMesh(core_axis_name="c", subcore_axis_name="s")
  deg_k = functools.partial(
      pl.kernel,
      out_type=pltpu.HBM((NC, G_ROWS, D), jnp.float32),
      mesh=mesh,
      scratch_types=[
          pltpu.VMEM((K2, CHUNK), jnp.int32),
          pltpu.VMEM((CHUNK, D), jnp.float32),
          pltpu.VMEM_SHARED((G_ROWS, D), jnp.float32),
          pltpu.SemaphoreType.DMA,
      ],
  )(_sc_deg_body)

  agg_k = functools.partial(
      pl.kernel,
      out_type=pltpu.HBM((NC, ACC_H, D), jnp.float32),
      mesh=mesh,
      scratch_types=[
          pltpu.VMEM((2, GSEG, CHUNK), jnp.int32),
          pltpu.VMEM((K2, CHUNK), jnp.int32),
          pltpu.VMEM((NBUF, CHUNK, D), jnp.float32),
          pltpu.VMEM_SHARED((ACC_H, D), jnp.float32),
          [pltpu.SemaphoreType.DMA] * 2,
          [pltpu.SemaphoreType.DMA] * NBUF,
          [pltpu.SemaphoreType.DMA] * NBUF,
      ],
  )(_sc_agg_body)
  return deg_k, agg_k


_SC_DEG, _SC_AGG = _make_sc_kernels()


def _row_mask(i):
  rows = i * TCB + lax.broadcasted_iota(jnp.int32, (TCB, 1), 0)
  return rows < N


def _tc0_body(x_ref, w_ref, dga_ref, g_ref, dinv_ref):
  i = pl.program_id(0)
  deg = dga_ref[0, :, 0:1] + dga_ref[1, :, 0:1] + 1.0
  dinv = lax.rsqrt(deg)
  valid = _row_mask(i)
  h = jnp.dot(x_ref[...], w_ref[...], preferred_element_type=jnp.float32)
  g_ref[...] = jnp.where(valid, dinv * h, 0.0)
  dinv_ref[...] = jnp.where(valid, dinv, 0.0)


def _tc_mid_body(acc_ref, g_ref, dinv_ref, w_ref, b_ref, z_ref, gout_ref):
  i = pl.program_id(0)
  dinv = dinv_ref[...]
  z = dinv * (acc_ref[0] + g_ref[...]) + b_ref[...]
  z_ref[...] = z
  h = z * (1.0 / (1.0 + jnp.exp(-z)))
  g2 = dinv * jnp.dot(h, w_ref[...], preferred_element_type=jnp.float32)
  gout_ref[...] = jnp.where(_row_mask(i), g2, 0.0)


_GRID = G_ROWS // TCB
_BLK_PER_CORE = HALF // TCB

_full_w = pl.BlockSpec((D, D), lambda i: (0, 0))
_full_b = pl.BlockSpec((1, D), lambda i: (0, 0))
_rows_feat = pl.BlockSpec((TCB, D), lambda i: (i, 0))
_rows_one = pl.BlockSpec((TCB, 1), lambda i: (i, 0))
_rows_acc = pl.BlockSpec(
    (1, TCB, D), lambda i: (i // _BLK_PER_CORE, i % _BLK_PER_CORE, 0))
_rows_deg = pl.BlockSpec((NC, TCB, D), lambda i: (0, i, 0))

_TC0 = pl.pallas_call(
    _tc0_body,
    grid=(_GRID,),
    in_specs=[_rows_feat, _full_w, _rows_deg],
    out_specs=[_rows_feat, _rows_one],
    out_shape=[
        jax.ShapeDtypeStruct((G_ROWS, D), jnp.float32),
        jax.ShapeDtypeStruct((G_ROWS, 1), jnp.float32),
    ],
)

_TC_MID = pl.pallas_call(
    _tc_mid_body,
    grid=(_GRID,),
    in_specs=[_rows_acc, _rows_feat, _rows_one, _full_w, _full_b],
    out_specs=[_rows_feat, _rows_feat],
    out_shape=[
        jax.ShapeDtypeStruct((G_ROWS, D), jnp.float32),
        jax.ShapeDtypeStruct((G_ROWS, D), jnp.float32),
    ],
)


def kernel(x, edge_index, W0, b0, W1, b1, W2, b2, W3, b3, W4, b4):
  src = edge_index[0].astype(jnp.int32)
  dst = edge_index[1].astype(jnp.int32)
  pad = N + jnp.arange(E_PAD - E, dtype=jnp.int32) % (G_ROWS - N)
  src3 = jnp.concatenate([src, pad]).reshape(NS, K2, CHUNK)
  dst3 = jnp.concatenate([dst, pad]).reshape(NS, K2, CHUNK)

  src3w = jnp.stack([src3, jnp.roll(src3, -(K2 // 2), axis=1)])
  dst3w = jnp.stack([dst3, jnp.roll(dst3, -(K2 // 2), axis=1)])

  degacc = _SC_DEG(dst3)
  g0, dinv = _TC0(x, W0, degacc)

  Ws = jnp.stack([W1, W2, W3, W4, W4])
  bs = jnp.stack([b0, b1, b2, b3, b4]).reshape(5, 1, D)

  def step(carry, wb):
    g, _ = carry
    W_next, b_i = wb
    acc = _SC_AGG(g, src3w, dst3w)
    z, g_new = _TC_MID(acc, g, dinv, W_next, b_i)
    return (g_new, z), None

  (_, z_last), _ = lax.scan(step, (g0, jnp.zeros_like(g0)), (Ws, bs))
  return z_last[:N]

# --- scband reference (transcript-rebuilt; emitter-appended) ---
"""Pipeline reference for scband-gcn-4097398800598 (READ-ONLY COPY).

The authoritative reference and input builder live on the scoring server;
editing this copy changes nothing except your own understanding.
"""

import jax, jax.numpy as jnp
import numpy as np

N = 10000
E = 320000
D = 128
NUM_LAYERS = 5  # conv(in,hid) + 3x conv(hid,hid) + conv(hid,out)


def gcn_conv(x, edge_index, W, b):
    n = x.shape[0]
    sl = jnp.arange(n, dtype=edge_index.dtype)
    src = jnp.concatenate([edge_index[0], sl])
    dst = jnp.concatenate([edge_index[1], sl])
    deg = jax.ops.segment_sum(jnp.ones_like(dst, dtype=x.dtype), dst, num_segments=n)
    dinv = jnp.where(deg > 0, 1.0 / jnp.sqrt(deg), 0.0)
    norm = dinv[src] * dinv[dst]
    h = x @ W
    msg = h[src] * norm[:, None]
    out = jax.ops.segment_sum(msg, dst, num_segments=n)
    return out + b


def setup_inputs(seed: int = 0) -> dict:
    key = jax.random.key(seed)
    ks = jax.random.split(key, 2 + 2 * NUM_LAYERS)
    inp = {}
    inp["x"] = jax.random.normal(ks[0], (N, D), dtype=jnp.float32)
    inp["edge_index"] = jax.random.randint(ks[1], (2, E), 0, N, dtype=jnp.int64)
    for i in range(NUM_LAYERS):
        inp[f"W{i}"] = jax.random.normal(ks[2 + 2 * i], (D, D), dtype=jnp.float32) * (1.0 / np.sqrt(D))
        inp[f"b{i}"] = jax.random.normal(ks[3 + 2 * i], (D,), dtype=jnp.float32) * 0.01
    return inp


def reference(x, edge_index, W0, b0, W1, b1, W2, b2, W3, b3, W4, b4):
    params = [(W0, b0), (W1, b1), (W2, b2), (W3, b3), (W4, b4)]
    h = x
    for i, (W, b) in enumerate(params):
        h = gcn_conv(h, edge_index, W, b)
        if i < len(params) - 1:
            h = jax.nn.silu(h)
    return h

if __name__ == "__main__":
    import jax
    _d = setup_inputs()
    print(jax.jit(kernel)(*tuple(_d.values())))

</pallas_src>

<mosaic_0001>
#map = affine_map<(d0, d1) -> (0, 0, 0)>
module attributes {stable_mosaic.version = 14 : i64} {
  func.func @_sc_deg_body(%arg0: i32, %arg1: i32, %arg2: memref<16x160x128xi32, #tpu.memory_space<hbm>>, %arg3: memref<2x10240x128xf32, #tpu.memory_space<hbm>>, %arg4: memref<160x128xi32, #tpu.memory_space<vmem>>, %arg5: memref<128x128xf32, #tpu.memory_space<vmem>>, %arg6: memref<10240x128xf32, #tpu.memory_space<vmem_shared>>, %arg7: memref<!tpu.dma_semaphore, #tpu.memory_space<semaphore_mem>>) attributes {dimension_semantics = [#tpu.dimension_semantics<core_parallel>, #tpu.dimension_semantics<subcore_parallel>], iteration_bounds = array<i64: 2, 16>, scalar_prefetch = 0 : i64, scratch_operands = 4 : i64, tpu.core_type = #tpu.core_type<sc_vector_subcore>, window_params = [{transform_indices = #map}, {transform_indices = #map}]} {
    "tpu.region"() ({
      %run_scoped3A = tpu.sem_alloc : memref<!tpu.dma_semaphore, #tpu.memory_space<semaphore_mem>>
      %dma_start3A = arith.constant 0 : i32
      %dma_start3A_30 = arith.constant 0 : i32
      %dma_start3A_31 = tpu.memref_slice %arg2[%arg1, %dma_start3A, %dma_start3A_30] : memref<16x160x128xi32, #tpu.memory_space<hbm>> -> memref<1x160x128xi32, #tpu.memory_space<hbm>>
      %dma_start3A_32 = tpu.memref_squeeze %dma_start3A_31 : memref<1x160x128xi32, #tpu.memory_space<hbm>> -> memref<160x128xi32, #tpu.memory_space<hbm>>
      %dma_start3A_33 = arith.constant 0 : i32
      %dma_start3A_34 = arith.constant 0 : i32
      %dma_start3A_35 = tpu.memref_slice %arg2[%arg1, %dma_start3A_33, %dma_start3A_34] : memref<16x160x128xi32, #tpu.memory_space<hbm>> -> memref<1x160x128xi32, #tpu.memory_space<hbm>>
      %dma_start3A_36 = tpu.memref_squeeze %dma_start3A_35 : memref<1x160x128xi32, #tpu.memory_space<hbm>> -> memref<160x128xi32, #tpu.memory_space<hbm>>
      tpu.enqueue_dma source(%dma_start3A_36 : memref<160x128xi32, #tpu.memory_space<hbm>>) target(%arg4 : memref<160x128xi32, #tpu.memory_space<vmem>>) target_semaphore(%run_scoped3A : memref<!tpu.dma_semaphore, #tpu.memory_space<semaphore_mem>>)
      %dma_wait3A = arith.constant 0 : i32
      %dma_wait3A_37 = arith.constant 0 : i32
      %dma_wait3A_38 = tpu.memref_slice %arg2[%arg1, %dma_wait3A, %dma_wait3A_37] : memref<16x160x128xi32, #tpu.memory_space<hbm>> -> memref<1x160x128xi32, #tpu.memory_space<hbm>>
      %dma_wait3A_39 = tpu.memref_squeeze %dma_wait3A_38 : memref<1x160x128xi32, #tpu.memory_space<hbm>> -> memref<160x128xi32, #tpu.memory_space<hbm>>
      %dma_wait3A_40 = arith.constant 0 : i32
      %dma_wait3A_41 = arith.constant 0 : i32
      %dma_wait3A_42 = tpu.memref_slice %arg2[%arg1, %dma_wait3A_40, %dma_wait3A_41] : memref<16x160x128xi32, #tpu.memory_space<hbm>> -> memref<1x160x128xi32, #tpu.memory_space<hbm>>
      %dma_wait3A_43 = tpu.memref_squeeze %dma_wait3A_42 : memref<1x160x128xi32, #tpu.memory_space<hbm>> -> memref<160x128xi32, #tpu.memory_space<hbm>>
      tpu.wait_dma2 semaphore(%run_scoped3A : memref<!tpu.dma_semaphore, #tpu.memory_space<semaphore_mem>>) src(%dma_wait3A_43 : memref<160x128xi32, #tpu.memory_space<hbm>>) dst(%arg4 : memref<160x128xi32, #tpu.memory_space<vmem>>)
      tpu.yield
    }) : () -> ()
    %broadcast_in_dim3A = arith.constant 0.000000e+00 : f32
    %broadcast_in_dim3A_0 = vector.broadcast %broadcast_in_dim3A : f32 to vector<16xf32>
    %scan3A = arith.constant 0 : i32
    %scan3A_1 = arith.constant 128 : i32
    %scan3A_2 = arith.addi %scan3A, %scan3A_1 : i32
    %scan3A_3 = arith.constant 1 : i32
    scf.for %scan3A_30 = %scan3A to %scan3A_2 step %scan3A_3  : i32 {
      %mul3A_31 = arith.constant 1 : i32
      %mul3A_32 = arith.muli %scan3A_30, %mul3A_31 : i32
      %add3A_33 = arith.constant 0 : i32
      %add3A_34 = arith.addi %add3A_33, %mul3A_32 : i32
      %swap3A = arith.index_cast %add3A_34 : i32 to index
      %swap3A_35 = arith.constant 0 : index
      %swap3A_36 = tpu.vector_load %arg5[%swap3A, %swap3A_35] {strides = array<i32>} : memref<128x128xf32, #tpu.memory_space<vmem>>, vector<1x16xf32>,
      %swap3A_37 = vector.shape_cast %swap3A_36 : vector<1x16xf32> to vector<16xf32>
      %swap3A_38 = vector.shape_cast %broadcast_in_dim3A_0 : vector<16xf32> to vector<1x16xf32>
      tpu.vector_store %arg5[%swap3A, %swap3A_35], %swap3A_38 {strides = array<i32>} : memref<128x128xf32, #tpu.memory_space<vmem>>, vector<1x16xf32>,
      %swap3A_39 = arith.index_cast %add3A_34 : i32 to index
      %swap3A_40 = arith.constant 16 : index
      %swap3A_41 = tpu.vector_load %arg5[%swap3A_39, %swap3A_40] {strides = array<i32>} : memref<128x128xf32, #tpu.memory_space<vmem>>, vector<1x16xf32>,
      %swap3A_42 = vector.shape_cast %swap3A_41 : vector<1x16xf32> to vector<16xf32>
      %swap3A_43 = vector.shape_cast %broadcast_in_dim3A_0 : vector<16xf32> to vector<1x16xf32>
      tpu.vector_store %arg5[%swap3A_39, %swap3A_40], %swap3A_43 {strides = array<i32>} : memref<128x128xf32, #tpu.memory_space<vmem>>, vector<1x16xf32>,
      %swap3A_44 = arith.index_cast %add3A_34 : i32 to index
      %swap3A_45 = arith.constant 32 : index
      %swap3A_46 = tpu.vector_load %arg5[%swap3A_44, %swap3A_45] {strides = array<i32>} : memref<128x128xf32, #tpu.memory_space<vmem>>, vector<1x16xf32>,
      %swap3A_47 = vector.shape_cast %swap3A_46 : vector<1x16xf32> to vector<16xf32>
      %swap3A_48 = vector.shape_cast %broadcast_in_dim3A_0 : vector<16xf32> to vector<1x16xf32>
      tpu.vector_store %arg5[%swap3A_44, %swap3A_45], %swap3A_48 {strides = array<i32>} : memref<128x128xf32, #tpu.memory_space<vmem>>, vector<1x16xf32>,
      %swap3A_49 = arith.index_cast %add3A_34 : i32 to index
      %swap3A_50 = arith.constant 48 : index
      %swap3A_51 = tpu.vector_load %arg5[%swap3A_49, %swap3A_50] {strides = array<i32>} : memref<128x128xf32, #tpu.memory_space<vmem>>, vector<1x16xf32>,
      %swap3A_52 = vector.shape_cast %swap3A_51 : vector<1x16xf32> to vector<16xf32>
      %swap3A_53 = vector.shape_cast %broadcast_in_dim3A_0 : vector<16xf32> to vector<1x16xf32>
      tpu.vector_store %arg5[%swap3A_49, %swap3A_50], %swap3A_53 {strides = array<i32>} : memref<128x128xf32, #tpu.memory_space<vmem>>, vector<1x16xf32>,
      %swap3A_54 = arith.index_cast %add3A_34 : i32 to index
      %swap3A_55 = arith.constant 64 : index
      %swap3A_56 = tpu.vector_load %arg5[%swap3A_54, %swap3A_55] {strides = array<i32>} : memref<128x128xf32, #tpu.memory_space<vmem>>, vector<1x16xf32>,
      %swap3A_57 = vector.shape_cast %swap3A_56 : vector<1x16xf32> to vector<16xf32>
      %swap3A_58 = vector.shape_cast %broadcast_in_dim3A_0 : vector<16xf32> to vector<1x16xf32>
      tpu.vector_store %arg5[%swap3A_54, %swap3A_55], %swap3A_58 {strides = array<i32>} : memref<128x128xf32, #tpu.memory_space<vmem>>, vector<1x16xf32>,
      %swap3A_59 = arith.index_cast %add3A_34 : i32 to index
      %swap3A_60 = arith.constant 80 : index
      %swap3A_61 = tpu.vector_load %arg5[%swap3A_59, %swap3A_60] {strides = array<i32>} : memref<128x128xf32, #tpu.memory_space<vmem>>, vector<1x16xf32>,
      %swap3A_62 = vector.shape_cast %swap3A_61 : vector<1x16xf32> to vector<16xf32>
      %swap3A_63 = vector.shape_cast %broadcast_in_dim3A_0 : vector<16xf32> to vector<1x16xf32>
      tpu.vector_store %arg5[%swap3A_59, %swap3A_60], %swap3A_63 {strides = array<i32>} : memref<128x128xf32, #tpu.memory_space<vmem>>, vector<1x16xf32>,
      %swap3A_64 = arith.index_cast %add3A_34 : i32 to index
      %swap3A_65 = arith.constant 96 : index
      %swap3A_66 = tpu.vector_load %arg5[%swap3A_64, %swap3A_65] {strides = array<i32>} : memref<128x128xf32, #tpu.memory_space<vmem>>, vector<1x16xf32>,
      %swap3A_67 = vector.shape_cast %swap3A_66 : vector<1x16xf32> to vector<16xf32>
      %swap3A_68 = vector.shape_cast %broadcast_in_dim3A_0 : vector<16xf32> to vector<1x16xf32>
      tpu.vector_store %arg5[%swap3A_64, %swap3A_65], %swap3A_68 {strides = array<i32>} : memref<128x128xf32, #tpu.memory_space<vmem>>, vector<1x16xf32>,
      %swap3A_69 = arith.index_cast %add3A_34 : i32 to index
      %swap3A_70 = arith.constant 112 : index
      %swap3A_71 = tpu.vector_load %arg5[%swap3A_69, %swap3A_70] {strides = array<i32>} : memref<128x128xf32, #tpu.memory_space<vmem>>, vector<1x16xf32>,
      %swap3A_72 = vector.shape_cast %swap3A_71 : vector<1x16xf32> to vector<16xf32>
      %swap3A_73 = vector.shape_cast %broadcast_in_dim3A_0 : vector<16xf32> to vector<1x16xf32>
      tpu.vector_store %arg5[%swap3A_69, %swap3A_70], %swap3A_73 {strides = array<i32>} : memref<128x128xf32, #tpu.memory_space<vmem>>, vector<1x16xf32>,
    }
    %scan3A_4 = arith.constant 128 : i32
    %mul3A = arith.constant 640 : i32
    %mul3A_5 = arith.muli %arg1, %mul3A : i32
    %add3A = arith.constant 0 : i32
    %add3A_6 = arith.addi %mul3A_5, %add3A : i32
    "tpu.region"() ({
      %run_scoped3A = tpu.sem_alloc : memref<!tpu.dma_semaphore, #tpu.memory_space<semaphore_mem>>
      %dma_start3A = arith.constant 0 : i32
      %dma_start3A_30 = tpu.memref_slice %arg6[%add3A_6, %dma_start3A] : memref<10240x128xf32, #tpu.memory_space<vmem_shared>> -> memref<128x128xf32, #tpu.memory_space<vmem_shared>>
      %dma_start3A_31 = arith.constant 0 : i32
      %dma_start3A_32 = tpu.memref_slice %arg6[%add3A_6, %dma_start3A_31] : memref<10240x128xf32, #tpu.memory_space<vmem_shared>> -> memref<128x128xf32, #tpu.memory_space<vmem_shared>>
      tpu.enqueue_dma source(%arg5 : memref<128x128xf32, #tpu.memory_space<vmem>>) target(%dma_start3A_32 : memref<128x128xf32, #tpu.memory_space<vmem_shared>>) target_semaphore(%run_scoped3A : memref<!tpu.dma_semaphore, #tpu.memory_space<semaphore_mem>>)
      %dma_wait3A = arith.constant 0 : i32
      %dma_wait3A_33 = tpu.memref_slice %arg6[%add3A_6, %dma_wait3A] : memref<10240x128xf32, #tpu.memory_space<vmem_shared>> -> memref<128x128xf32, #tpu.memory_space<vmem_shared>>
      %dma_wait3A_34 = arith.constant 0 : i32
      %dma_wait3A_35 = tpu.memref_slice %arg6[%add3A_6, %dma_wait3A_34] : memref<10240x128xf32, #tpu.memory_space<vmem_shared>> -> memref<128x128xf32, #tpu.memory_space<vmem_shared>>
      tpu.wait_dma2 semaphore(%run_scoped3A : memref<!tpu.dma_semaphore, #tpu.memory_space<semaphore_mem>>) src(%arg5 : memref<128x128xf32, #tpu.memory_space<vmem>>) dst(%dma_wait3A_35 : memref<128x128xf32, #tpu.memory_space<vmem_shared>>)
      tpu.yield
    }) : () -> ()
    %add3A_7 = arith.constant 128 : i32
    %add3A_8 = arith.addi %mul3A_5, %add3A_7 : i32
    "tpu.region"() ({
      %run_scoped3A = tpu.sem_alloc : memref<!tpu.dma_semaphore, #tpu.memory_space<semaphore_mem>>
      %dma_start3A = arith.constant 0 : i32
      %dma_start3A_30 = tpu.memref_slice %arg6[%add3A_8, %dma_start3A] : memref<10240x128xf32, #tpu.memory_space<vmem_shared>> -> memref<128x128xf32, #tpu.memory_space<vmem_shared>>
      %dma_start3A_31 = arith.constant 0 : i32
      %dma_start3A_32 = tpu.memref_slice %arg6[%add3A_8, %dma_start3A_31] : memref<10240x128xf32, #tpu.memory_space<vmem_shared>> -> memref<128x128xf32, #tpu.memory_space<vmem_shared>>
      tpu.enqueue_dma source(%arg5 : memref<128x128xf32, #tpu.memory_space<vmem>>) target(%dma_start3A_32 : memref<128x128xf32, #tpu.memory_space<vmem_shared>>) target_semaphore(%run_scoped3A : memref<!tpu.dma_semaphore, #tpu.memory_space<semaphore_mem>>)
      %dma_wait3A = arith.constant 0 : i32
      %dma_wait3A_33 = tpu.memref_slice %arg6[%add3A_8, %dma_wait3A] : memref<10240x128xf32, #tpu.memory_space<vmem_shared>> -> memref<128x128xf32, #tpu.memory_space<vmem_shared>>
      %dma_wait3A_34 = arith.constant 0 : i32
      %dma_wait3A_35 = tpu.memref_slice %arg6[%add3A_8, %dma_wait3A_34] : memref<10240x128xf32, #tpu.memory_space<vmem_shared>> -> memref<128x128xf32, #tpu.memory_space<vmem_shared>>
      tpu.wait_dma2 semaphore(%run_scoped3A : memref<!tpu.dma_semaphore, #tpu.memory_space<semaphore_mem>>) src(%arg5 : memref<128x128xf32, #tpu.memory_space<vmem>>) dst(%dma_wait3A_35 : memref<128x128xf32, #tpu.memory_space<vmem_shared>>)
      tpu.yield
    }) : () -> ()
    %add3A_9 = arith.constant 256 : i32
    %add3A_10 = arith.addi %mul3A_5, %add3A_9 : i32
    "tpu.region"() ({
      %run_scoped3A = tpu.sem_alloc : memref<!tpu.dma_semaphore, #tpu.memory_space<semaphore_mem>>
      %dma_start3A = arith.constant 0 : i32
      %dma_start3A_30 = tpu.memref_slice %arg6[%add3A_10, %dma_start3A] : memref<10240x128xf32, #tpu.memory_space<vmem_shared>> -> memref<128x128xf32, #tpu.memory_space<vmem_shared>>
      %dma_start3A_31 = arith.constant 0 : i32
      %dma_start3A_32 = tpu.memref_slice %arg6[%add3A_10, %dma_start3A_31] : memref<10240x128xf32, #tpu.memory_space<vmem_shared>> -> memref<128x128xf32, #tpu.memory_space<vmem_shared>>
      tpu.enqueue_dma source(%arg5 : memref<128x128xf32, #tpu.memory_space<vmem>>) target(%dma_start3A_32 : memref<128x128xf32, #tpu.memory_space<vmem_shared>>) target_semaphore(%run_scoped3A : memref<!tpu.dma_semaphore, #tpu.memory_space<semaphore_mem>>)
      %dma_wait3A = arith.constant 0 : i32
      %dma_wait3A_33 = tpu.memref_slice %arg6[%add3A_10, %dma_wait3A] : memref<10240x128xf32, #tpu.memory_space<vmem_shared>> -> memref<128x128xf32, #tpu.memory_space<vmem_shared>>
      %dma_wait3A_34 = arith.constant 0 : i32
      %dma_wait3A_35 = tpu.memref_slice %arg6[%add3A_10, %dma_wait3A_34] : memref<10240x128xf32, #tpu.memory_space<vmem_shared>> -> memref<128x128xf32, #tpu.memory_space<vmem_shared>>
      tpu.wait_dma2 semaphore(%run_scoped3A : memref<!tpu.dma_semaphore, #tpu.memory_space<semaphore_mem>>) src(%arg5 : memref<128x128xf32, #tpu.memory_space<vmem>>) dst(%dma_wait3A_35 : memref<128x128xf32, #tpu.memory_space<vmem_shared>>)
      tpu.yield
    }) : () -> ()
    %add3A_11 = arith.constant 384 : i32
    %add3A_12 = arith.addi %mul3A_5, %add3A_11 : i32
    "tpu.region"() ({
      %run_scoped3A = tpu.sem_alloc : memref<!tpu.dma_semaphore, #tpu.memory_space<semaphore_mem>>
      %dma_start3A = arith.constant 0 : i32
      %dma_start3A_30 = tpu.memref_slice %arg6[%add3A_12, %dma_start3A] : memref<10240x128xf32, #tpu.memory_space<vmem_shared>> -> memref<128x128xf32, #tpu.memory_space<vmem_shared>>
      %dma_start3A_31 = arith.constant 0 : i32
      %dma_start3A_32 = tpu.memref_slice %arg6[%add3A_12, %dma_start3A_31] : memref<10240x128xf32, #tpu.memory_space<vmem_shared>> -> memref<128x128xf32, #tpu.memory_space<vmem_shared>>
      tpu.enqueue_dma source(%arg5 : memref<128x128xf32, #tpu.memory_space<vmem>>) target(%dma_start3A_32 : memref<128x128xf32, #tpu.memory_space<vmem_shared>>) target_semaphore(%run_scoped3A : memref<!tpu.dma_semaphore, #tpu.memory_space<semaphore_mem>>)
      %dma_wait3A = arith.constant 0 : i32
      %dma_wait3A_33 = tpu.memref_slice %arg6[%add3A_12, %dma_wait3A] : memref<10240x128xf32, #tpu.memory_space<vmem_shared>> -> memref<128x128xf32, #tpu.memory_space<vmem_shared>>
      %dma_wait3A_34 = arith.constant 0 : i32
      %dma_wait3A_35 = tpu.memref_slice %arg6[%add3A_12, %dma_wait3A_34] : memref<10240x128xf32, #tpu.memory_space<vmem_shared>> -> memref<128x128xf32, #tpu.memory_space<vmem_shared>>
      tpu.wait_dma2 semaphore(%run_scoped3A : memref<!tpu.dma_semaphore, #tpu.memory_space<semaphore_mem>>) src(%arg5 : memref<128x128xf32, #tpu.memory_space<vmem>>) dst(%dma_wait3A_35 : memref<128x128xf32, #tpu.memory_space<vmem_shared>>)
      tpu.yield
    }) : () -> ()
    %add3A_13 = arith.constant 512 : i32
    %add3A_14 = arith.addi %mul3A_5, %add3A_13 : i32
    "tpu.region"() ({
      %run_scoped3A = tpu.sem_alloc : memref<!tpu.dma_semaphore, #tpu.memory_space<semaphore_mem>>
      %dma_start3A = arith.constant 0 : i32
      %dma_start3A_30 = tpu.memref_slice %arg6[%add3A_14, %dma_start3A] : memref<10240x128xf32, #tpu.memory_space<vmem_shared>> -> memref<128x128xf32, #tpu.memory_space<vmem_shared>>
      %dma_start3A_31 = arith.constant 0 : i32
      %dma_start3A_32 = tpu.memref_slice %arg6[%add3A_14, %dma_start3A_31] : memref<10240x128xf32, #tpu.memory_space<vmem_shared>> -> memref<128x128xf32, #tpu.memory_space<vmem_shared>>
      tpu.enqueue_dma source(%arg5 : memref<128x128xf32, #tpu.memory_space<vmem>>) target(%dma_start3A_32 : memref<128x128xf32, #tpu.memory_space<vmem_shared>>) target_semaphore(%run_scoped3A : memref<!tpu.dma_semaphore, #tpu.memory_space<semaphore_mem>>)
      %dma_wait3A = arith.constant 0 : i32
      %dma_wait3A_33 = tpu.memref_slice %arg6[%add3A_14, %dma_wait3A] : memref<10240x128xf32, #tpu.memory_space<vmem_shared>> -> memref<128x128xf32, #tpu.memory_space<vmem_shared>>
      %dma_wait3A_34 = arith.constant 0 : i32
      %dma_wait3A_35 = tpu.memref_slice %arg6[%add3A_14, %dma_wait3A_34] : memref<10240x128xf32, #tpu.memory_space<vmem_shared>> -> memref<128x128xf32, #tpu.memory_space<vmem_shared>>
      tpu.wait_dma2 semaphore(%run_scoped3A : memref<!tpu.dma_semaphore, #tpu.memory_space<semaphore_mem>>) src(%arg5 : memref<128x128xf32, #tpu.memory_space<vmem>>) dst(%dma_wait3A_35 : memref<128x128xf32, #tpu.memory_space<vmem_shared>>)
      tpu.yield
    }) : () -> ()
    %broadcast_in_dim3A_15 = arith.constant 1.000000e+00 : f32
    %broadcast_in_dim3A_16 = vector.broadcast %broadcast_in_dim3A_15 : f32 to vector<16xf32>
    %scan3A_17 = arith.constant 0 : i32
    %scan3A_18 = arith.constant 128 : i32
    %scan3A_19 = arith.addi %scan3A_17, %scan3A_18 : i32
    %scan3A_20 = arith.constant 1 : i32
    scf.for %scan3A_30 = %scan3A_17 to %scan3A_19 step %scan3A_20  : i32 {
      %mul3A_31 = arith.constant 1 : i32
      %mul3A_32 = arith.muli %scan3A_30, %mul3A_31 : i32
      %add3A_33 = arith.constant 0 : i32
      %add3A_34 = arith.addi %add3A_33, %mul3A_32 : i32
      %swap3A = arith.index_cast %add3A_34 : i32 to index
      %swap3A_35 = arith.constant 0 : index
      %swap3A_36 = tpu.vector_load %arg5[%swap3A, %swap3A_35] {strides = array<i32>} : memref<128x128xf32, #tpu.memory_space<vmem>>, vector<1x16xf32>,
      %swap3A_37 = vector.shape_cast %swap3A_36 : vector<1x16xf32> to vector<16xf32>
      %swap3A_38 = vector.shape_cast %broadcast_in_dim3A_16 : vector<16xf32> to vector<1x16xf32>
      tpu.vector_store %arg5[%swap3A, %swap3A_35], %swap3A_38 {strides = array<i32>} : memref<128x128xf32, #tpu.memory_space<vmem>>, vector<1x16xf32>,
      %swap3A_39 = arith.index_cast %add3A_34 : i32 to index
      %swap3A_40 = arith.constant 16 : index
      %swap3A_41 = tpu.vector_load %arg5[%swap3A_39, %swap3A_40] {strides = array<i32>} : memref<128x128xf32, #tpu.memory_space<vmem>>, vector<1x16xf32>,
      %swap3A_42 = vector.shape_cast %swap3A_41 : vector<1x16xf32> to vector<16xf32>
      %swap3A_43 = vector.shape_cast %broadcast_in_dim3A_16 : vector<16xf32> to vector<1x16xf32>
      tpu.vector_store %arg5[%swap3A_39, %swap3A_40], %swap3A_43 {strides = array<i32>} : memref<128x128xf32, #tpu.memory_space<vmem>>, vector<1x16xf32>,
      %swap3A_44 = arith.index_cast %add3A_34 : i32 to index
      %swap3A_45 = arith.constant 32 : index
      %swap3A_46 = tpu.vector_load %arg5[%swap3A_44, %swap3A_45] {strides = array<i32>} : memref<128x128xf32, #tpu.memory_space<vmem>>, vector<1x16xf32>,
      %swap3A_47 = vector.shape_cast %swap3A_46 : vector<1x16xf32> to vector<16xf32>
      %swap3A_48 = vector.shape_cast %broadcast_in_dim3A_16 : vector<16xf32> to vector<1x16xf32>
      tpu.vector_store %arg5[%swap3A_44, %swap3A_45], %swap3A_48 {strides = array<i32>} : memref<128x128xf32, #tpu.memory_space<vmem>>, vector<1x16xf32>,
      %swap3A_49 = arith.index_cast %add3A_34 : i32 to index
      %swap3A_50 = arith.constant 48 : index
      %swap3A_51 = tpu.vector_load %arg5[%swap3A_49, %swap3A_50] {strides = array<i32>} : memref<128x128xf32, #tpu.memory_space<vmem>>, vector<1x16xf32>,
      %swap3A_52 = vector.shape_cast %swap3A_51 : vector<1x16xf32> to vector<16xf32>
      %swap3A_53 = vector.shape_cast %broadcast_in_dim3A_16 : vector<16xf32> to vector<1x16xf32>
      tpu.vector_store %arg5[%swap3A_49, %swap3A_50], %swap3A_53 {strides = array<i32>} : memref<128x128xf32, #tpu.memory_space<vmem>>, vector<1x16xf32>,
      %swap3A_54 = arith.index_cast %add3A_34 : i32 to index
      %swap3A_55 = arith.constant 64 : index
      %swap3A_56 = tpu.vector_load %arg5[%swap3A_54, %swap3A_55] {strides = array<i32>} : memref<128x128xf32, #tpu.memory_space<vmem>>, vector<1x16xf32>,
      %swap3A_57 = vector.shape_cast %swap3A_56 : vector<1x16xf32> to vector<16xf32>
      %swap3A_58 = vector.shape_cast %broadcast_in_dim3A_16 : vector<16xf32> to vector<1x16xf32>
      tpu.vector_store %arg5[%swap3A_54, %swap3A_55], %swap3A_58 {strides = array<i32>} : memref<128x128xf32, #tpu.memory_space<vmem>>, vector<1x16xf32>,
      %swap3A_59 = arith.index_cast %add3A_34 : i32 to index
      %swap3A_60 = arith.constant 80 : index
      %swap3A_61 = tpu.vector_load %arg5[%swap3A_59, %swap3A_60] {strides = array<i32>} : memref<128x128xf32, #tpu.memory_space<vmem>>, vector<1x16xf32>,
      %swap3A_62 = vector.shape_cast %swap3A_61 : vector<1x16xf32> to vector<16xf32>
      %swap3A_63 = vector.shape_cast %broadcast_in_dim3A_16 : vector<16xf32> to vector<1x16xf32>
      tpu.vector_store %arg5[%swap3A_59, %swap3A_60], %swap3A_63 {strides = array<i32>} : memref<128x128xf32, #tpu.memory_space<vmem>>, vector<1x16xf32>,
      %swap3A_64 = arith.index_cast %add3A_34 : i32 to index
      %swap3A_65 = arith.constant 96 : index
      %swap3A_66 = tpu.vector_load %arg5[%swap3A_64, %swap3A_65] {strides = array<i32>} : memref<128x128xf32, #tpu.memory_space<vmem>>, vector<1x16xf32>,
      %swap3A_67 = vector.shape_cast %swap3A_66 : vector<1x16xf32> to vector<16xf32>
      %swap3A_68 = vector.shape_cast %broadcast_in_dim3A_16 : vector<16xf32> to vector<1x16xf32>
      tpu.vector_store %arg5[%swap3A_64, %swap3A_65], %swap3A_68 {strides = array<i32>} : memref<128x128xf32, #tpu.memory_space<vmem>>, vector<1x16xf32>,
      %swap3A_69 = arith.index_cast %add3A_34 : i32 to index
      %swap3A_70 = arith.constant 112 : index
      %swap3A_71 = tpu.vector_load %arg5[%swap3A_69, %swap3A_70] {strides = array<i32>} : memref<128x128xf32, #tpu.memory_space<vmem>>, vector<1x16xf32>,
      %swap3A_72 = vector.shape_cast %swap3A_71 : vector<1x16xf32> to vector<16xf32>
      %swap3A_73 = vector.shape_cast %broadcast_in_dim3A_16 : vector<16xf32> to vector<1x16xf32>
      tpu.vector_store %arg5[%swap3A_69, %swap3A_70], %swap3A_73 {strides = array<i32>} : memref<128x128xf32, #tpu.memory_space<vmem>>, vector<1x16xf32>,
    }
    %scan3A_21 = arith.constant 128 : i32
    %barrier3A = arith.constant 0 : index
    tpu.barrier barrier_id(%barrier3A)
    %mul3A_22 = arith.constant 80 : i32
    %mul3A_23 = arith.muli %arg0, %mul3A_22 : i32
    %scan3A_24 = arith.constant 0 : i32
    %scan3A_25 = arith.constant 10 : i32
    %scan3A_26 = arith.addi %scan3A_24, %scan3A_25 : i32
    %scan3A_27 = arith.constant 1 : i32
    scf.for %scan3A_30 = %scan3A_24 to %scan3A_26 step %scan3A_27  : i32 {
      %mul3A_31 = arith.constant 8 : i32
      %mul3A_32 = arith.muli %scan3A_30, %mul3A_31 : i32
      %add3A_33 = arith.constant 0 : i32
      %add3A_34 = arith.addi %add3A_33, %mul3A_32 : i32
      %add3A_35 = arith.addi %mul3A_23, %add3A_34 : i32
      %add3A_36 = arith.constant 0 : i32
      %add3A_37 = arith.addi %add3A_35, %add3A_36 : i32
      %dma_start3A = arith.constant 0 : i32
      %dma_start3A_38 = tpu.memref_slice %arg4[%add3A_37, %dma_start3A] : memref<160x128xi32, #tpu.memory_space<vmem>> -> memref<1x128xi32, #tpu.memory_space<vmem>>
      %dma_start3A_39 = tpu.memref_squeeze %dma_start3A_38 : memref<1x128xi32, #tpu.memory_space<vmem>> -> memref<128xi32, #tpu.memory_space<vmem>>
      %dma_start3A_40 = arith.constant 0 : i32
      %dma_start3A_41 = arith.constant 0 : i32
      %dma_start3A_42 = tpu.memref_slice %arg6[%dma_start3A_40, %dma_start3A_41] : memref<10240x128xf32, #tpu.memory_space<vmem_shared>> -> memref<10240x128xf32, #tpu.memory_space<vmem_shared>>
      tpu.enqueue_indirect_dma source(%arg5 : memref<128x128xf32, #tpu.memory_space<vmem>>) target(%dma_start3A_42 : memref<10240x128xf32, #tpu.memory_space<vmem_shared>>) offsets(%dma_start3A_39 : memref<128xi32, #tpu.memory_space<vmem>>) semaphore(%arg7 : memref<!tpu.dma_semaphore, #tpu.memory_space<semaphore_mem>>) {add = true}
      %add3A_43 = arith.addi %mul3A_23, %add3A_34 : i32
      %add3A_44 = arith.constant 1 : i32
      %add3A_45 = arith.addi %add3A_43, %add3A_44 : i32
      %dma_start3A_46 = arith.constant 0 : i32
      %dma_start3A_47 = tpu.memref_slice %arg4[%add3A_45, %dma_start3A_46] : memref<160x128xi32, #tpu.memory_space<vmem>> -> memref<1x128xi32, #tpu.memory_space<vmem>>
      %dma_start3A_48 = tpu.memref_squeeze %dma_start3A_47 : memref<1x128xi32, #tpu.memory_space<vmem>> -> memref<128xi32, #tpu.memory_space<vmem>>
      %dma_start3A_49 = arith.constant 0 : i32
      %dma_start3A_50 = arith.constant 0 : i32
      %dma_start3A_51 = tpu.memref_slice %arg6[%dma_start3A_49, %dma_start3A_50] : memref<10240x128xf32, #tpu.memory_space<vmem_shared>> -> memref<10240x128xf32, #tpu.memory_space<vmem_shared>>
      tpu.enqueue_indirect_dma source(%arg5 : memref<128x128xf32, #tpu.memory_space<vmem>>) target(%dma_start3A_51 : memref<10240x128xf32, #tpu.memory_space<vmem_shared>>) offsets(%dma_start3A_48 : memref<128xi32, #tpu.memory_space<vmem>>) semaphore(%arg7 : memref<!tpu.dma_semaphore, #tpu.memory_space<semaphore_mem>>) {add = true}
      %add3A_52 = arith.addi %mul3A_23, %add3A_34 : i32
      %add3A_53 = arith.constant 2 : i32
      %add3A_54 = arith.addi %add3A_52, %add3A_53 : i32
      %dma_start3A_55 = arith.constant 0 : i32
      %dma_start3A_56 = tpu.memref_slice %arg4[%add3A_54, %dma_start3A_55] : memref<160x128xi32, #tpu.memory_space<vmem>> -> memref<1x128xi32, #tpu.memory_space<vmem>>
      %dma_start3A_57 = tpu.memref_squeeze %dma_start3A_56 : memref<1x128xi32, #tpu.memory_space<vmem>> -> memref<128xi32, #tpu.memory_space<vmem>>
      %dma_start3A_58 = arith.constant 0 : i32
      %dma_start3A_59 = arith.constant 0 : i32
      %dma_start3A_60 = tpu.memref_slice %arg6[%dma_start3A_58, %dma_start3A_59] : memref<10240x128xf32, #tpu.memory_space<vmem_shared>> -> memref<10240x128xf32, #tpu.memory_space<vmem_shared>>
      tpu.enqueue_indirect_dma source(%arg5 : memref<128x128xf32, #tpu.memory_space<vmem>>) target(%dma_start3A_60 : memref<10240x128xf32, #tpu.memory_space<vmem_shared>>) offsets(%dma_start3A_57 : memref<128xi32, #tpu.memory_space<vmem>>) semaphore(%arg7 : memref<!tpu.dma_semaphore, #tpu.memory_space<semaphore_mem>>) {add = true}
      %add3A_61 = arith.addi %mul3A_23, %add3A_34 : i32
      %add3A_62 = arith.constant 3 : i32
      %add3A_63 = arith.addi %add3A_61, %add3A_62 : i32
      %dma_start3A_64 = arith.constant 0 : i32
      %dma_start3A_65 = tpu.memref_slice %arg4[%add3A_63, %dma_start3A_64] : memref<160x128xi32, #tpu.memory_space<vmem>> -> memref<1x128xi32, #tpu.memory_space<vmem>>
      %dma_start3A_66 = tpu.memref_squeeze %dma_start3A_65 : memref<1x128xi32, #tpu.memory_space<vmem>> -> memref<128xi32, #tpu.memory_space<vmem>>
      %dma_start3A_67 = arith.constant 0 : i32
      %dma_start3A_68 = arith.constant 0 : i32
      %dma_start3A_69 = tpu.memref_slice %arg6[%dma_start3A_67, %dma_start3A_68] : memref<10240x128xf32, #tpu.memory_space<vmem_shared>> -> memref<10240x128xf32, #tpu.memory_space<vmem_shared>>
      tpu.enqueue_indirect_dma source(%arg5 : memref<128x128xf32, #tpu.memory_space<vmem>>) target(%dma_start3A_69 : memref<10240x128xf32, #tpu.memory_space<vmem_shared>>) offsets(%dma_start3A_66 : memref<128xi32, #tpu.memory_space<vmem>>) semaphore(%arg7 : memref<!tpu.dma_semaphore, #tpu.memory_space<semaphore_mem>>) {add = true}
      %add3A_70 = arith.addi %mul3A_23, %add3A_34 : i32
      %add3A_71 = arith.constant 4 : i32
      %add3A_72 = arith.addi %add3A_70, %add3A_71 : i32
      %dma_start3A_73 = arith.constant 0 : i32
      %dma_start3A_74 = tpu.memref_slice %arg4[%add3A_72, %dma_start3A_73] : memref<160x128xi32, #tpu.memory_space<vmem>> -> memref<1x128xi32, #tpu.memory_space<vmem>>
      %dma_start3A_75 = tpu.memref_squeeze %dma_start3A_74 : memref<1x128xi32, #tpu.memory_space<vmem>> -> memref<128xi32, #tpu.memory_space<vmem>>
      %dma_start3A_76 = arith.constant 0 : i32
      %dma_start3A_77 = arith.constant 0 : i32
      %dma_start3A_78 = tpu.memref_slice %arg6[%dma_start3A_76, %dma_start3A_77] : memref<10240x128xf32, #tpu.memory_space<vmem_shared>> -> memref<10240x128xf32, #tpu.memory_space<vmem_shared>>
      tpu.enqueue_indirect_dma source(%arg5 : memref<128x128xf32, #tpu.memory_space<vmem>>) target(%dma_start3A_78 : memref<10240x128xf32, #tpu.memory_space<vmem_shared>>) offsets(%dma_start3A_75 : memref<128xi32, #tpu.memory_space<vmem>>) semaphore(%arg7 : memref<!tpu.dma_semaphore, #tpu.memory_space<semaphore_mem>>) {add = true}
      %add3A_79 = arith.addi %mul3A_23, %add3A_34 : i32
      %add3A_80 = arith.constant 5 : i32
      %add3A_81 = arith.addi %add3A_79, %add3A_80 : i32
      %dma_start3A_82 = arith.constant 0 : i32
      %dma_start3A_83 = tpu.memref_slice %arg4[%add3A_81, %dma_start3A_82] : memref<160x128xi32, #tpu.memory_space<vmem>> -> memref<1x128xi32, #tpu.memory_space<vmem>>
      %dma_start3A_84 = tpu.memref_squeeze %dma_start3A_83 : memref<1x128xi32, #tpu.memory_space<vmem>> -> memref<128xi32, #tpu.memory_space<vmem>>
      %dma_start3A_85 = arith.constant 0 : i32
      %dma_start3A_86 = arith.constant 0 : i32
      %dma_start3A_87 = tpu.memref_slice %arg6[%dma_start3A_85, %dma_start3A_86] : memref<10240x128xf32, #tpu.memory_space<vmem_shared>> -> memref<10240x128xf32, #tpu.memory_space<vmem_shared>>
      tpu.enqueue_indirect_dma source(%arg5 : memref<128x128xf32, #tpu.memory_space<vmem>>) target(%dma_start3A_87 : memref<10240x128xf32, #tpu.memory_space<vmem_shared>>) offsets(%dma_start3A_84 : memref<128xi32, #tpu.memory_space<vmem>>) semaphore(%arg7 : memref<!tpu.dma_semaphore, #tpu.memory_space<semaphore_mem>>) {add = true}
      %add3A_88 = arith.addi %mul3A_23, %add3A_34 : i32
      %add3A_89 = arith.constant 6 : i32
      %add3A_90 = arith.addi %add3A_88, %add3A_89 : i32
      %dma_start3A_91 = arith.constant 0 : i32
      %dma_start3A_92 = tpu.memref_slice %arg4[%add3A_90, %dma_start3A_91] : memref<160x128xi32, #tpu.memory_space<vmem>> -> memref<1x128xi32, #tpu.memory_space<vmem>>
      %dma_start3A_93 = tpu.memref_squeeze %dma_start3A_92 : memref<1x128xi32, #tpu.memory_space<vmem>> -> memref<128xi32, #tpu.memory_space<vmem>>
      %dma_start3A_94 = arith.constant 0 : i32
      %dma_start3A_95 = arith.constant 0 : i32
      %dma_start3A_96 = tpu.memref_slice %arg6[%dma_start3A_94, %dma_start3A_95] : memref<10240x128xf32, #tpu.memory_space<vmem_shared>> -> memref<10240x128xf32, #tpu.memory_space<vmem_shared>>
      tpu.enqueue_indirect_dma source(%arg5 : memref<128x128xf32, #tpu.memory_space<vmem>>) target(%dma_start3A_96 : memref<10240x128xf32, #tpu.memory_space<vmem_shared>>) offsets(%dma_start3A_93 : memref<128xi32, #tpu.memory_space<vmem>>) semaphore(%arg7 : memref<!tpu.dma_semaphore, #tpu.memory_space<semaphore_mem>>) {add = true}
      %add3A_97 = arith.addi %mul3A_23, %add3A_34 : i32
      %add3A_98 = arith.constant 7 : i32
      %add3A_99 = arith.addi %add3A_97, %add3A_98 : i32
      %dma_start3A_100 = arith.constant 0 : i32
      %dma_start3A_101 = tpu.memref_slice %arg4[%add3A_99, %dma_start3A_100] : memref<160x128xi32, #tpu.memory_space<vmem>> -> memref<1x128xi32, #tpu.memory_space<vmem>>
      %dma_start3A_102 = tpu.memref_squeeze %dma_start3A_101 : memref<1x128xi32, #tpu.memory_space<vmem>> -> memref<128xi32, #tpu.memory_space<vmem>>
      %dma_start3A_103 = arith.constant 0 : i32
      %dma_start3A_104 = arith.constant 0 : i32
      %dma_start3A_105 = tpu.memref_slice %arg6[%dma_start3A_103, %dma_start3A_104] : memref<10240x128xf32, #tpu.memory_space<vmem_shared>> -> memref<10240x128xf32, #tpu.memory_space<vmem_shared>>
      tpu.enqueue_indirect_dma source(%arg5 : memref<128x128xf32, #tpu.memory_space<vmem>>) target(%dma_start3A_105 : memref<10240x128xf32, #tpu.memory_space<vmem_shared>>) offsets(%dma_start3A_102 : memref<128xi32, #tpu.memory_space<vmem>>) semaphore(%arg7 : memref<!tpu.dma_semaphore, #tpu.memory_space<semaphore_mem>>) {add = true}
      %add3A_106 = arith.addi %mul3A_23, %add3A_34 : i32
      %add3A_107 = arith.constant 0 : i32
      %add3A_108 = arith.addi %add3A_106, %add3A_107 : i32
      %dma_wait3A = arith.constant 0 : i32
      %dma_wait3A_109 = tpu.memref_slice %arg4[%add3A_108, %dma_wait3A] : memref<160x128xi32, #tpu.memory_space<vmem>> -> memref<1x128xi32, #tpu.memory_space<vmem>>
      %dma_wait3A_110 = tpu.memref_squeeze %dma_wait3A_109 : memref<1x128xi32, #tpu.memory_space<vmem>> -> memref<128xi32, #tpu.memory_space<vmem>>
      %dma_wait3A_111 = arith.constant 0 : i32
      %dma_wait3A_112 = arith.constant 0 : i32
      %dma_wait3A_113 = tpu.memref_slice %arg6[%dma_wait3A_111, %dma_wait3A_112] : memref<10240x128xf32, #tpu.memory_space<vmem_shared>> -> memref<10240x128xf32, #tpu.memory_space<vmem_shared>>
      tpu.wait_indirect_dma semaphore(%arg7 : memref<!tpu.dma_semaphore, #tpu.memory_space<semaphore_mem>>) src(%arg5 : memref<128x128xf32, #tpu.memory_space<vmem>>) dst(%dma_wait3A_113 : memref<10240x128xf32, #tpu.memory_space<vmem_shared>>)
      %add3A_114 = arith.addi %mul3A_23, %add3A_34 : i32
      %add3A_115 = arith.constant 1 : i32
      %add3A_116 = arith.addi %add3A_114, %add3A_115 : i32
      %dma_wait3A_117 = arith.constant 0 : i32
      %dma_wait3A_118 = tpu.memref_slice %arg4[%add3A_116, %dma_wait3A_117] : memref<160x128xi32, #tpu.memory_space<vmem>> -> memref<1x128xi32, #tpu.memory_space<vmem>>
      %dma_wait3A_119 = tpu.memref_squeeze %dma_wait3A_118 : memref<1x128xi32, #tpu.memory_space<vmem>> -> memref<128xi32, #tpu.memory_space<vmem>>
      %dma_wait3A_120 = arith.constant 0 : i32
      %dma_wait3A_121 = arith.constant 0 : i32
      %dma_wait3A_122 = tpu.memref_slice %arg6[%dma_wait3A_120, %dma_wait3A_121] : memref<10240x128xf32, #tpu.memory_space<vmem_shared>> -> memref<10240x128xf32, #tpu.memory_space<vmem_shared>>
      tpu.wait_indirect_dma semaphore(%arg7 : memref<!tpu.dma_semaphore, #tpu.memory_space<semaphore_mem>>) src(%arg5 : memref<128x128xf32, #tpu.memory_space<vmem>>) dst(%dma_wait3A_122 : memref<10240x128xf32, #tpu.memory_space<vmem_shared>>)
      %add3A_123 = arith.addi %mul3A_23, %add3A_34 : i32
      %add3A_124 = arith.constant 2 : i32
      %add3A_125 = arith.addi %add3A_123, %add3A_124 : i32
      %dma_wait3A_126 = arith.constant 0 : i32
      %dma_wait3A_127 = tpu.memref_slice %arg4[%add3A_125, %dma_wait3A_126] : memref<160x128xi32, #tpu.memory_space<vmem>> -> memref<1x128xi32, #tpu.memory_space<vmem>>
      %dma_wait3A_128 = tpu.memref_squeeze %dma_wait3A_127 : memref<1x128xi32, #tpu.memory_space<vmem>> -> memref<128xi32, #tpu.memory_space<vmem>>
      %dma_wait3A_129 = arith.constant 0 : i32
      %dma_wait3A_130 = arith.constant 0 : i32
      %dma_wait3A_131 = tpu.memref_slice %arg6[%dma_wait3A_129, %dma_wait3A_130] : memref<10240x128xf32, #tpu.memory_space<vmem_shared>> -> memref<10240x128xf32, #tpu.memory_space<vmem_shared>>
      tpu.wait_indirect_dma semaphore(%arg7 : memref<!tpu.dma_semaphore, #tpu.memory_space<semaphore_mem>>) src(%arg5 : memref<128x128xf32, #tpu.memory_space<vmem>>) dst(%dma_wait3A_131 : memref<10240x128xf32, #tpu.memory_space<vmem_shared>>)
      %add3A_132 = arith.addi %mul3A_23, %add3A_34 : i32
      %add3A_133 = arith.constant 3 : i32
      %add3A_134 = arith.addi %add3A_132, %add3A_133 : i32
      %dma_wait3A_135 = arith.constant 0 : i32
      %dma_wait3A_136 = tpu.memref_slice %arg4[%add3A_134, %dma_wait3A_135] : memref<160x128xi32, #tpu.memory_space<vmem>> -> memref<1x128xi32, #tpu.memory_space<vmem>>
      %dma_wait3A_137 = tpu.memref_squeeze %dma_wait3A_136 : memref<1x128xi32, #tpu.memory_space<vmem>> -> memref<128xi32, #tpu.memory_space<vmem>>
      %dma_wait3A_138 = arith.constant 0 : i32
      %dma_wait3A_139 = arith.constant 0 : i32
      %dma_wait3A_140 = tpu.memref_slice %arg6[%dma_wait3A_138, %dma_wait3A_139] : memref<10240x128xf32, #tpu.memory_space<vmem_shared>> -> memref<10240x128xf32, #tpu.memory_space<vmem_shared>>
      tpu.wait_indirect_dma semaphore(%arg7 : memref<!tpu.dma_semaphore, #tpu.memory_space<semaphore_mem>>) src(%arg5 : memref<128x128xf32, #tpu.memory_space<vmem>>) dst(%dma_wait3A_140 : memref<10240x128xf32, #tpu.memory_space<vmem_shared>>)
      %add3A_141 = arith.addi %mul3A_23, %add3A_34 : i32
      %add3A_142 = arith.constant 4 : i32
      %add3A_143 = arith.addi %add3A_141, %add3A_142 : i32
      %dma_wait3A_144 = arith.constant 0 : i32
      %dma_wait3A_145 = tpu.memref_slice %arg4[%add3A_143, %dma_wait3A_144] : memref<160x128xi32, #tpu.memory_space<vmem>> -> memref<1x128xi32, #tpu.memory_space<vmem>>
      %dma_wait3A_146 = tpu.memref_squeeze %dma_wait3A_145 : memref<1x128xi32, #tpu.memory_space<vmem>> -> memref<128xi32, #tpu.memory_space<vmem>>
      %dma_wait3A_147 = arith.constant 0 : i32
      %dma_wait3A_148 = arith.constant 0 : i32
      %dma_wait3A_149 = tpu.memref_slice %arg6[%dma_wait3A_147, %dma_wait3A_148] : memref<10240x128xf32, #tpu.memory_space<vmem_shared>> -> memref<10240x128xf32, #tpu.memory_space<vmem_shared>>
      tpu.wait_indirect_dma semaphore(%arg7 : memref<!tpu.dma_semaphore, #tpu.memory_space<semaphore_mem>>) src(%arg5 : memref<128x128xf32, #tpu.memory_space<vmem>>) dst(%dma_wait3A_149 : memref<10240x128xf32, #tpu.memory_space<vmem_shared>>)
      %add3A_150 = arith.addi %mul3A_23, %add3A_34 : i32
      %add3A_151 = arith.constant 5 : i32
      %add3A_152 = arith.addi %add3A_150, %add3A_151 : i32
      %dma_wait3A_153 = arith.constant 0 : i32
      %dma_wait3A_154 = tpu.memref_slice %arg4[%add3A_152, %dma_wait3A_153] : memref<160x128xi32, #tpu.memory_space<vmem>> -> memref<1x128xi32, #tpu.memory_space<vmem>>
      %dma_wait3A_155 = tpu.memref_squeeze %dma_wait3A_154 : memref<1x128xi32, #tpu.memory_space<vmem>> -> memref<128xi32, #tpu.memory_space<vmem>>
      %dma_wait3A_156 = arith.constant 0 : i32
      %dma_wait3A_157 = arith.constant 0 : i32
      %dma_wait3A_158 = tpu.memref_slice %arg6[%dma_wait3A_156, %dma_wait3A_157] : memref<10240x128xf32, #tpu.memory_space<vmem_shared>> -> memref<10240x128xf32, #tpu.memory_space<vmem_shared>>
      tpu.wait_indirect_dma semaphore(%arg7 : memref<!tpu.dma_semaphore, #tpu.memory_space<semaphore_mem>>) src(%arg5 : memref<128x128xf32, #tpu.memory_space<vmem>>) dst(%dma_wait3A_158 : memref<10240x128xf32, #tpu.memory_space<vmem_shared>>)
      %add3A_159 = arith.addi %mul3A_23, %add3A_34 : i32
      %add3A_160 = arith.constant 6 : i32
      %add3A_161 = arith.addi %add3A_159, %add3A_160 : i32
      %dma_wait3A_162 = arith.constant 0 : i32
      %dma_wait3A_163 = tpu.memref_slice %arg4[%add3A_161, %dma_wait3A_162] : memref<160x128xi32, #tpu.memory_space<vmem>> -> memref<1x128xi32, #tpu.memory_space<vmem>>
      %dma_wait3A_164 = tpu.memref_squeeze %dma_wait3A_163 : memref<1x128xi32, #tpu.memory_space<vmem>> -> memref<128xi32, #tpu.memory_space<vmem>>
      %dma_wait3A_165 = arith.constant 0 : i32
      %dma_wait3A_166 = arith.constant 0 : i32
      %dma_wait3A_167 = tpu.memref_slice %arg6[%dma_wait3A_165, %dma_wait3A_166] : memref<10240x128xf32, #tpu.memory_space<vmem_shared>> -> memref<10240x128xf32, #tpu.memory_space<vmem_shared>>
      tpu.wait_indirect_dma semaphore(%arg7 : memref<!tpu.dma_semaphore, #tpu.memory_space<semaphore_mem>>) src(%arg5 : memref<128x128xf32, #tpu.memory_space<vmem>>) dst(%dma_wait3A_167 : memref<10240x128xf32, #tpu.memory_space<vmem_shared>>)
      %add3A_168 = arith.addi %mul3A_23, %add3A_34 : i32
      %add3A_169 = arith.constant 7 : i32
      %add3A_170 = arith.addi %add3A_168, %add3A_169 : i32
      %dma_wait3A_171 = arith.constant 0 : i32
      %dma_wait3A_172 = tpu.memref_slice %arg4[%add3A_170, %dma_wait3A_171] : memref<160x128xi32, #tpu.memory_space<vmem>> -> memref<1x128xi32, #tpu.memory_space<vmem>>
      %dma_wait3A_173 = tpu.memref_squeeze %dma_wait3A_172 : memref<1x128xi32, #tpu.memory_space<vmem>> -> memref<128xi32, #tpu.memory_space<vmem>>
      %dma_wait3A_174 = arith.constant 0 : i32
      %dma_wait3A_175 = arith.constant 0 : i32
      %dma_wait3A_176 = tpu.memref_slice %arg6[%dma_wait3A_174, %dma_wait3A_175] : memref<10240x128xf32, #tpu.memory_space<vmem_shared>> -> memref<10240x128xf32, #tpu.memory_space<vmem_shared>>
      tpu.wait_indirect_dma semaphore(%arg7 : memref<!tpu.dma_semaphore, #tpu.memory_space<semaphore_mem>>) src(%arg5 : memref<128x128xf32, #tpu.memory_space<vmem>>) dst(%dma_wait3A_176 : memref<10240x128xf32, #tpu.memory_space<vmem_shared>>)
    }
    %scan3A_28 = arith.constant 10 : i32
    %barrier3A_29 = arith.constant 0 : index
    tpu.barrier barrier_id(%barrier3A_29)
    "tpu.region"() ({
      %run_scoped3A = tpu.sem_alloc : memref<!tpu.dma_semaphore, #tpu.memory_space<semaphore_mem>>
      %dma_start3A = arith.constant 0 : i32
      %dma_start3A_30 = tpu.memref_slice %arg3[%arg0, %mul3A_5, %dma_start3A] : memref<2x10240x128xf32, #tpu.memory_space<hbm>> -> memref<1x640x128xf32, #tpu.memory_space<hbm>>
      %dma_start3A_31 = tpu.memref_squeeze %dma_start3A_30 : memref<1x640x128xf32, #tpu.memory_space<hbm>> -> memref<640x128xf32, #tpu.memory_space<hbm>>
      %dma_start3A_32 = arith.constant 0 : i32
      %dma_start3A_33 = tpu.memref_slice %arg6[%mul3A_5, %dma_start3A_32] : memref<10240x128xf32, #tpu.memory_space<vmem_shared>> -> memref<640x128xf32, #tpu.memory_space<vmem_shared>>
      tpu.enqueue_dma source(%dma_start3A_33 : memref<640x128xf32, #tpu.memory_space<vmem_shared>>) target(%dma_start3A_31 : memref<640x128xf32, #tpu.memory_space<hbm>>) target_semaphore(%run_scoped3A : memref<!tpu.dma_semaphore, #tpu.memory_space<semaphore_mem>>)
      %dma_wait3A = arith.constant 0 : i32
      %dma_wait3A_34 = tpu.memref_slice %arg3[%arg0, %mul3A_5, %dma_wait3A] : memref<2x10240x128xf32, #tpu.memory_space<hbm>> -> memref<1x640x128xf32, #tpu.memory_space<hbm>>
      %dma_wait3A_35 = tpu.memref_squeeze %dma_wait3A_34 : memref<1x640x128xf32, #tpu.memory_space<hbm>> -> memref<640x128xf32, #tpu.memory_space<hbm>>
      %dma_wait3A_36 = arith.constant 0 : i32
      %dma_wait3A_37 = tpu.memref_slice %arg6[%mul3A_5, %dma_wait3A_36] : memref<10240x128xf32, #tpu.memory_space<vmem_shared>> -> memref<640x128xf32, #tpu.memory_space<vmem_shared>>
      tpu.wait_dma2 semaphore(%run_scoped3A : memref<!tpu.dma_semaphore, #tpu.memory_space<semaphore_mem>>) src(%dma_wait3A_37 : memref<640x128xf32, #tpu.memory_space<vmem_shared>>) dst(%dma_wait3A_35 : memref<640x128xf32, #tpu.memory_space<hbm>>)
      tpu.yield
    }) : () -> ()
    return
  }
}

#map = affine_map<(d0, d1) -> (0, 0)>
#map1 = affine_map<(d0, d1) -> (0, 0, 0, 0)>
#map2 = affine_map<(d0, d1) -> (0, 0, 0)>
module attributes {stable_mosaic.version = 14 : i64} {
  func.func @_sc_agg_body(%arg0: i32, %arg1: i32, %arg2: memref<10240x128xf32, #tpu.memory_space<hbm>>, %arg3: memref<2x16x160x128xi32, #tpu.memory_space<hbm>>, %arg4: memref<2x16x160x128xi32, #tpu.memory_space<hbm>>, %arg5: memref<2x5248x128xf32, #tpu.memory_space<hbm>>, %arg6: memref<2x8x128xi32, #tpu.memory_space<vmem>>, %arg7: memref<160x128xi32, #tpu.memory_space<vmem>>, %arg8: memref<4x128x128xf32, #tpu.memory_space<vmem>>, %arg9: memref<5248x128xf32, #tpu.memory_space<vmem_shared>>, %arg10: memref<!tpu.dma_semaphore, #tpu.memory_space<semaphore_mem>>, %arg11: memref<!tpu.dma_semaphore, #tpu.memory_space<semaphore_mem>>, %arg12: memref<!tpu.dma_semaphore, #tpu.memory_space<semaphore_mem>>, %arg13: memref<!tpu.dma_semaphore, #tpu.memory_space<semaphore_mem>>, %arg14: memref<!tpu.dma_semaphore, #tpu.memory_space<semaphore_mem>>, %arg15: memref<!tpu.dma_semaphore, #tpu.memory_space<semaphore_mem>>, %arg16: memref<!tpu.dma_semaphore, #tpu.memory_space<semaphore_mem>>, %arg17: memref<!tpu.dma_semaphore, #tpu.memory_space<semaphore_mem>>, %arg18: memref<!tpu.dma_semaphore, #tpu.memory_space<semaphore_mem>>, %arg19: memref<!tpu.dma_semaphore, #tpu.memory_space<semaphore_mem>>) attributes {dimension_semantics = [#tpu.dimension_semantics<core_parallel>, #tpu.dimension_semantics<subcore_parallel>], iteration_bounds = array<i64: 2, 16>, scalar_prefetch = 0 : i64, scratch_operands = 14 : i64, tpu.core_type = #tpu.core_type<sc_vector_subcore>, window_params = [{transform_indices = #map}, {transform_indices = #map1}, {transform_indices = #map1}, {transform_indices = #map2}]} {
    %mul3A = arith.constant 5120 : i32
    %mul3A_0 = arith.muli %arg0, %mul3A : i32
    "tpu.region"() ({
      %run_scoped3A_128 = tpu.sem_alloc : memref<!tpu.dma_semaphore, #tpu.memory_space<semaphore_mem>>
      %dma_start3A_129 = arith.constant 0 : i32
      %dma_start3A_130 = arith.constant 0 : i32
      %dma_start3A_131 = tpu.memref_slice %arg4[%arg0, %arg1, %dma_start3A_129, %dma_start3A_130] : memref<2x16x160x128xi32, #tpu.memory_space<hbm>> -> memref<1x1x160x128xi32, #tpu.memory_space<hbm>>
      %dma_start3A_132 = tpu.memref_squeeze %dma_start3A_131 : memref<1x1x160x128xi32, #tpu.memory_space<hbm>> -> memref<160x128xi32, #tpu.memory_space<hbm>>
      %dma_start3A_133 = arith.constant 0 : i32
      %dma_start3A_134 = arith.constant 0 : i32
      %dma_start3A_135 = tpu.memref_slice %arg4[%arg0, %arg1, %dma_start3A_133, %dma_start3A_134] : memref<2x16x160x128xi32, #tpu.memory_space<hbm>> -> memref<1x1x160x128xi32, #tpu.memory_space<hbm>>
      %dma_start3A_136 = tpu.memref_squeeze %dma_start3A_135 : memref<1x1x160x128xi32, #tpu.memory_space<hbm>> -> memref<160x128xi32, #tpu.memory_space<hbm>>
      tpu.enqueue_dma source(%dma_start3A_136 : memref<160x128xi32, #tpu.memory_space<hbm>>) target(%arg7 : memref<160x128xi32, #tpu.memory_space<vmem>>) target_semaphore(%run_scoped3A_128 : memref<!tpu.dma_semaphore, #tpu.memory_space<semaphore_mem>>)
      %dma_wait3A_137 = arith.constant 0 : i32
      %dma_wait3A_138 = arith.constant 0 : i32
      %dma_wait3A_139 = tpu.memref_slice %arg4[%arg0, %arg1, %dma_wait3A_137, %dma_wait3A_138] : memref<2x16x160x128xi32, #tpu.memory_space<hbm>> -> memref<1x1x160x128xi32, #tpu.memory_space<hbm>>
      %dma_wait3A_140 = tpu.memref_squeeze %dma_wait3A_139 : memref<1x1x160x128xi32, #tpu.memory_space<hbm>> -> memref<160x128xi32, #tpu.memory_space<hbm>>
      %dma_wait3A_141 = arith.constant 0 : i32
      %dma_wait3A_142 = arith.constant 0 : i32
      %dma_wait3A_143 = tpu.memref_slice %arg4[%arg0, %arg1, %dma_wait3A_141, %dma_wait3A_142] : memref<2x16x160x128xi32, #tpu.memory_space<hbm>> -> memref<1x1x160x128xi32, #tpu.memory_space<hbm>>
      %dma_wait3A_144 = tpu.memref_squeeze %dma_wait3A_143 : memref<1x1x160x128xi32, #tpu.memory_space<hbm>> -> memref<160x128xi32, #tpu.memory_space<hbm>>
      tpu.wait_dma2 semaphore(%run_scoped3A_128 : memref<!tpu.dma_semaphore, #tpu.memory_space<semaphore_mem>>) src(%dma_wait3A_144 : memref<160x128xi32, #tpu.memory_space<hbm>>) dst(%arg7 : memref<160x128xi32, #tpu.memory_space<vmem>>)
      tpu.yield
    }) : () -> ()
    %scan3A = arith.constant 0 : i32
    %scan3A_1 = arith.constant 160 : i32
    %scan3A_2 = arith.addi %scan3A, %scan3A_1 : i32
    %scan3A_3 = arith.constant 1 : i32
    scf.for %scan3A_128 = %scan3A to %scan3A_2 step %scan3A_3  : i32 {
      %mul3A_129 = arith.constant 1 : i32
      %mul3A_130 = arith.muli %scan3A_128, %mul3A_129 : i32
      %add3A_131 = arith.constant 0 : i32
      %add3A_132 = arith.addi %add3A_131, %mul3A_130 : i32
      %get3A = arith.index_cast %add3A_132 : i32 to index
      %get3A_133 = arith.constant 0 : index
      %get3A_134 = tpu.vector_load %arg7[%get3A, %get3A_133] {strides = array<i32>} : memref<160x128xi32, #tpu.memory_space<vmem>>, vector<1x16xi32>,
      %get3A_135 = vector.shape_cast %get3A_134 : vector<1x16xi32> to vector<16xi32>
      %ge3A = vector.broadcast %mul3A_0 : i32 to vector<16xi32>
      %ge3A_136 = arith.cmpi sge, %get3A_135, %ge3A : vector<16xi32>
      %add3A_137 = arith.constant 5120 : i32
      %add3A_138 = arith.addi %mul3A_0, %add3A_137 : i32
      %lt3A = vector.broadcast %add3A_138 : i32 to vector<16xi32>
      %lt3A_139 = arith.cmpi slt, %get3A_135, %lt3A : vector<16xi32>
      %and3A = arith.andi %ge3A_136, %lt3A_139 : vector<16xi1>
      %sub3A = vector.broadcast %mul3A_0 : i32 to vector<16xi32>
      %sub3A_140 = arith.subi %get3A_135, %sub3A : vector<16xi32>
      %and3A_141 = arith.constant 127 : i32
      %and3A_142 = vector.broadcast %and3A_141 : i32 to vector<16xi32>
      %and3A_143 = arith.andi %get3A_135, %and3A_142 : vector<16xi32>
      %add3A_144 = arith.constant 5120 : i32
      %add3A_145 = vector.broadcast %add3A_144 : i32 to vector<16xi32>
      %add3A_146 = arith.addi %add3A_145, %and3A_143 : vector<16xi32>
      %select_n3A = arith.select %and3A, %sub3A_140, %add3A_146 : vector<16xi1>, vector<16xi32>
      %swap3A = arith.index_cast %add3A_132 : i32 to index
      %swap3A_147 = arith.constant 0 : index
      %swap3A_148 = tpu.vector_load %arg7[%swap3A, %swap3A_147] {strides = array<i32>} : memref<160x128xi32, #tpu.memory_space<vmem>>, vector<1x16xi32>,
      %swap3A_149 = vector.shape_cast %swap3A_148 : vector<1x16xi32> to vector<16xi32>
      %swap3A_150 = vector.shape_cast %select_n3A : vector<16xi32> to vector<1x16xi32>
      tpu.vector_store %arg7[%swap3A, %swap3A_147], %swap3A_150 {strides = array<i32>} : memref<160x128xi32, #tpu.memory_space<vmem>>, vector<1x16xi32>,
      %get3A_151 = arith.index_cast %add3A_132 : i32 to index
      %get3A_152 = arith.constant 16 : index
      %get3A_153 = tpu.vector_load %arg7[%get3A_151, %get3A_152] {strides = array<i32>} : memref<160x128xi32, #tpu.memory_space<vmem>>, vector<1x16xi32>,
      %get3A_154 = vector.shape_cast %get3A_153 : vector<1x16xi32> to vector<16xi32>
      %ge3A_155 = vector.broadcast %mul3A_0 : i32 to vector<16xi32>
      %ge3A_156 = arith.cmpi sge, %get3A_154, %ge3A_155 : vector<16xi32>
      %add3A_157 = arith.constant 5120 : i32
      %add3A_158 = arith.addi %mul3A_0, %add3A_157 : i32
      %lt3A_159 = vector.broadcast %add3A_158 : i32 to vector<16xi32>
      %lt3A_160 = arith.cmpi slt, %get3A_154, %lt3A_159 : vector<16xi32>
      %and3A_161 = arith.andi %ge3A_156, %lt3A_160 : vector<16xi1>
      %sub3A_162 = vector.broadcast %mul3A_0 : i32 to vector<16xi32>
      %sub3A_163 = arith.subi %get3A_154, %sub3A_162 : vector<16xi32>
      %and3A_164 = arith.constant 127 : i32
      %and3A_165 = vector.broadcast %and3A_164 : i32 to vector<16xi32>
      %and3A_166 = arith.andi %get3A_154, %and3A_165 : vector<16xi32>
      %add3A_167 = arith.constant 5120 : i32
      %add3A_168 = vector.broadcast %add3A_167 : i32 to vector<16xi32>
      %add3A_169 = arith.addi %add3A_168, %and3A_166 : vector<16xi32>
      %select_n3A_170 = arith.select %and3A_161, %sub3A_163, %add3A_169 : vector<16xi1>, vector<16xi32>
      %swap3A_171 = arith.index_cast %add3A_132 : i32 to index
      %swap3A_172 = arith.constant 16 : index
      %swap3A_173 = tpu.vector_load %arg7[%swap3A_171, %swap3A_172] {strides = array<i32>} : memref<160x128xi32, #tpu.memory_space<vmem>>, vector<1x16xi32>,
      %swap3A_174 = vector.shape_cast %swap3A_173 : vector<1x16xi32> to vector<16xi32>
      %swap3A_175 = vector.shape_cast %select_n3A_170 : vector<16xi32> to vector<1x16xi32>
      tpu.vector_store %arg7[%swap3A_171, %swap3A_172], %swap3A_175 {strides = array<i32>} : memref<160x128xi32, #tpu.memory_space<vmem>>, vector<1x16xi32>,
      %get3A_176 = arith.index_cast %add3A_132 : i32 to index
      %get3A_177 = arith.constant 32 : index
      %get3A_178 = tpu.vector_load %arg7[%get3A_176, %get3A_177] {strides = array<i32>} : memref<160x128xi32, #tpu.memory_space<vmem>>, vector<1x16xi32>,
      %get3A_179 = vector.shape_cast %get3A_178 : vector<1x16xi32> to vector<16xi32>
      %ge3A_180 = vector.broadcast %mul3A_0 : i32 to vector<16xi32>
      %ge3A_181 = arith.cmpi sge, %get3A_179, %ge3A_180 : vector<16xi32>
      %add3A_182 = arith.constant 5120 : i32
      %add3A_183 = arith.addi %mul3A_0, %add3A_182 : i32
      %lt3A_184 = vector.broadcast %add3A_183 : i32 to vector<16xi32>
      %lt3A_185 = arith.cmpi slt, %get3A_179, %lt3A_184 : vector<16xi32>
      %and3A_186 = arith.andi %ge3A_181, %lt3A_185 : vector<16xi1>
      %sub3A_187 = vector.broadcast %mul3A_0 : i32 to vector<16xi32>
      %sub3A_188 = arith.subi %get3A_179, %sub3A_187 : vector<16xi32>
      %and3A_189 = arith.constant 127 : i32
      %and3A_190 = vector.broadcast %and3A_189 : i32 to vector<16xi32>
      %and3A_191 = arith.andi %get3A_179, %and3A_190 : vector<16xi32>
      %add3A_192 = arith.constant 5120 : i32
      %add3A_193 = vector.broadcast %add3A_192 : i32 to vector<16xi32>
      %add3A_194 = arith.addi %add3A_193, %and3A_191 : vector<16xi32>
      %select_n3A_195 = arith.select %and3A_186, %sub3A_188, %add3A_194 : vector<16xi1>, vector<16xi32>
      %swap3A_196 = arith.index_cast %add3A_132 : i32 to index
      %swap3A_197 = arith.constant 32 : index
      %swap3A_198 = tpu.vector_load %arg7[%swap3A_196, %swap3A_197] {strides = array<i32>} : memref<160x128xi32, #tpu.memory_space<vmem>>, vector<1x16xi32>,
      %swap3A_199 = vector.shape_cast %swap3A_198 : vector<1x16xi32> to vector<16xi32>
      %swap3A_200 = vector.shape_cast %select_n3A_195 : vector<16xi32> to vector<1x16xi32>
      tpu.vector_store %arg7[%swap3A_196, %swap3A_197], %swap3A_200 {strides = array<i32>} : memref<160x128xi32, #tpu.memory_space<vmem>>, vector<1x16xi32>,
      %get3A_201 = arith.index_cast %add3A_132 : i32 to index
      %get3A_202 = arith.constant 48 : index
      %get3A_203 = tpu.vector_load %arg7[%get3A_201, %get3A_202] {strides = array<i32>} : memref<160x128xi32, #tpu.memory_space<vmem>>, vector<1x16xi32>,
      %get3A_204 = vector.shape_cast %get3A_203 : vector<1x16xi32> to vector<16xi32>
      %ge3A_205 = vector.broadcast %mul3A_0 : i32 to vector<16xi32>
      %ge3A_206 = arith.cmpi sge, %get3A_204, %ge3A_205 : vector<16xi32>
      %add3A_207 = arith.constant 5120 : i32
      %add3A_208 = arith.addi %mul3A_0, %add3A_207 : i32
      %lt3A_209 = vector.broadcast %add3A_208 : i32 to vector<16xi32>
      %lt3A_210 = arith.cmpi slt, %get3A_204, %lt3A_209 : vector<16xi32>
      %and3A_211 = arith.andi %ge3A_206, %lt3A_210 : vector<16xi1>
      %sub3A_212 = vector.broadcast %mul3A_0 : i32 to vector<16xi32>
      %sub3A_213 = arith.subi %get3A_204, %sub3A_212 : vector<16xi32>
      %and3A_214 = arith.constant 127 : i32
      %and3A_215 = vector.broadcast %and3A_214 : i32 to vector<16xi32>
      %and3A_216 = arith.andi %get3A_204, %and3A_215 : vector<16xi32>
      %add3A_217 = arith.constant 5120 : i32
      %add3A_218 = vector.broadcast %add3A_217 : i32 to vector<16xi32>
      %add3A_219 = arith.addi %add3A_218, %and3A_216 : vector<16xi32>
      %select_n3A_220 = arith.select %and3A_211, %sub3A_213, %add3A_219 : vector<16xi1>, vector<16xi32>
      %swap3A_221 = arith.index_cast %add3A_132 : i32 to index
      %swap3A_222 = arith.constant 48 : index
      %swap3A_223 = tpu.vector_load %arg7[%swap3A_221, %swap3A_222] {strides = array<i32>} : memref<160x128xi32, #tpu.memory_space<vmem>>, vector<1x16xi32>,
      %swap3A_224 = vector.shape_cast %swap3A_223 : vector<1x16xi32> to vector<16xi32>
      %swap3A_225 = vector.shape_cast %select_n3A_220 : vector<16xi32> to vector<1x16xi32>
      tpu.vector_store %arg7[%swap3A_221, %swap3A_222], %swap3A_225 {strides = array<i32>} : memref<160x128xi32, #tpu.memory_space<vmem>>, vector<1x16xi32>,
      %get3A_226 = arith.index_cast %add3A_132 : i32 to index
      %get3A_227 = arith.constant 64 : index
      %get3A_228 = tpu.vector_load %arg7[%get3A_226, %get3A_227] {strides = array<i32>} : memref<160x128xi32, #tpu.memory_space<vmem>>, vector<1x16xi32>,
      %get3A_229 = vector.shape_cast %get3A_228 : vector<1x16xi32> to vector<16xi32>
      %ge3A_230 = vector.broadcast %mul3A_0 : i32 to vector<16xi32>
      %ge3A_231 = arith.cmpi sge, %get3A_229, %ge3A_230 : vector<16xi32>
      %add3A_232 = arith.constant 5120 : i32
      %add3A_233 = arith.addi %mul3A_0, %add3A_232 : i32
      %lt3A_234 = vector.broadcast %add3A_233 : i32 to vector<16xi32>
      %lt3A_235 = arith.cmpi slt, %get3A_229, %lt3A_234 : vector<16xi32>
      %and3A_236 = arith.andi %ge3A_231, %lt3A_235 : vector<16xi1>
      %sub3A_237 = vector.broadcast %mul3A_0 : i32 to vector<16xi32>
      %sub3A_238 = arith.subi %get3A_229, %sub3A_237 : vector<16xi32>
      %and3A_239 = arith.constant 127 : i32
      %and3A_240 = vector.broadcast %and3A_239 : i32 to vector<16xi32>
      %and3A_241 = arith.andi %get3A_229, %and3A_240 : vector<16xi32>
      %add3A_242 = arith.constant 5120 : i32
      %add3A_243 = vector.broadcast %add3A_242 : i32 to vector<16xi32>
      %add3A_244 = arith.addi %add3A_243, %and3A_241 : vector<16xi32>
      %select_n3A_245 = arith.select %and3A_236, %sub3A_238, %add3A_244 : vector<16xi1>, vector<16xi32>
      %swap3A_246 = arith.index_cast %add3A_132 : i32 to index
      %swap3A_247 = arith.constant 64 : index
      %swap3A_248 = tpu.vector_load %arg7[%swap3A_246, %swap3A_247] {strides = array<i32>} : memref<160x128xi32, #tpu.memory_space<vmem>>, vector<1x16xi32>,
      %swap3A_249 = vector.shape_cast %swap3A_248 : vector<1x16xi32> to vector<16xi32>
      %swap3A_250 = vector.shape_cast %select_n3A_245 : vector<16xi32> to vector<1x16xi32>
      tpu.vector_store %arg7[%swap3A_246, %swap3A_247], %swap3A_250 {strides = array<i32>} : memref<160x128xi32, #tpu.memory_space<vmem>>, vector<1x16xi32>,
      %get3A_251 = arith.index_cast %add3A_132 : i32 to index
      %get3A_252 = arith.constant 80 : index
      %get3A_253 = tpu.vector_load %arg7[%get3A_251, %get3A_252] {strides = array<i32>} : memref<160x128xi32, #tpu.memory_space<vmem>>, vector<1x16xi32>,
      %get3A_254 = vector.shape_cast %get3A_253 : vector<1x16xi32> to vector<16xi32>
      %ge3A_255 = vector.broadcast %mul3A_0 : i32 to vector<16xi32>
      %ge3A_256 = arith.cmpi sge, %get3A_254, %ge3A_255 : vector<16xi32>
      %add3A_257 = arith.constant 5120 : i32
      %add3A_258 = arith.addi %mul3A_0, %add3A_257 : i32
      %lt3A_259 = vector.broadcast %add3A_258 : i32 to vector<16xi32>
      %lt3A_260 = arith.cmpi slt, %get3A_254, %lt3A_259 : vector<16xi32>
      %and3A_261 = arith.andi %ge3A_256, %lt3A_260 : vector<16xi1>
      %sub3A_262 = vector.broadcast %mul3A_0 : i32 to vector<16xi32>
      %sub3A_263 = arith.subi %get3A_254, %sub3A_262 : vector<16xi32>
      %and3A_264 = arith.constant 127 : i32
      %and3A_265 = vector.broadcast %and3A_264 : i32 to vector<16xi32>
      %and3A_266 = arith.andi %get3A_254, %and3A_265 : vector<16xi32>
      %add3A_267 = arith.constant 5120 : i32
      %add3A_268 = vector.broadcast %add3A_267 : i32 to vector<16xi32>
      %add3A_269 = arith.addi %add3A_268, %and3A_266 : vector<16xi32>
      %select_n3A_270 = arith.select %and3A_261, %sub3A_263, %add3A_269 : vector<16xi1>, vector<16xi32>
      %swap3A_271 = arith.index_cast %add3A_132 : i32 to index
      %swap3A_272 = arith.constant 80 : index
      %swap3A_273 = tpu.vector_load %arg7[%swap3A_271, %swap3A_272] {strides = array<i32>} : memref<160x128xi32, #tpu.memory_space<vmem>>, vector<1x16xi32>,
      %swap3A_274 = vector.shape_cast %swap3A_273 : vector<1x16xi32> to vector<16xi32>
      %swap3A_275 = vector.shape_cast %select_n3A_270 : vector<16xi32> to vector<1x16xi32>
      tpu.vector_store %arg7[%swap3A_271, %swap3A_272], %swap3A_275 {strides = array<i32>} : memref<160x128xi32, #tpu.memory_space<vmem>>, vector<1x16xi32>,
      %get3A_276 = arith.index_cast %add3A_132 : i32 to index
      %get3A_277 = arith.constant 96 : index
      %get3A_278 = tpu.vector_load %arg7[%get3A_276, %get3A_277] {strides = array<i32>} : memref<160x128xi32, #tpu.memory_space<vmem>>, vector<1x16xi32>,
      %get3A_279 = vector.shape_cast %get3A_278 : vector<1x16xi32> to vector<16xi32>
      %ge3A_280 = vector.broadcast %mul3A_0 : i32 to vector<16xi32>
      %ge3A_281 = arith.cmpi sge, %get3A_279, %ge3A_280 : vector<16xi32>
      %add3A_282 = arith.constant 5120 : i32
      %add3A_283 = arith.addi %mul3A_0, %add3A_282 : i32
      %lt3A_284 = vector.broadcast %add3A_283 : i32 to vector<16xi32>
      %lt3A_285 = arith.cmpi slt, %get3A_279, %lt3A_284 : vector<16xi32>
      %and3A_286 = arith.andi %ge3A_281, %lt3A_285 : vector<16xi1>
      %sub3A_287 = vector.broadcast %mul3A_0 : i32 to vector<16xi32>
      %sub3A_288 = arith.subi %get3A_279, %sub3A_287 : vector<16xi32>
      %and3A_289 = arith.constant 127 : i32
      %and3A_290 = vector.broadcast %and3A_289 : i32 to vector<16xi32>
      %and3A_291 = arith.andi %get3A_279, %and3A_290 : vector<16xi32>
      %add3A_292 = arith.constant 5120 : i32
      %add3A_293 = vector.broadcast %add3A_292 : i32 to vector<16xi32>
      %add3A_294 = arith.addi %add3A_293, %and3A_291 : vector<16xi32>
      %select_n3A_295 = arith.select %and3A_286, %sub3A_288, %add3A_294 : vector<16xi1>, vector<16xi32>
      %swap3A_296 = arith.index_cast %add3A_132 : i32 to index
      %swap3A_297 = arith.constant 96 : index
      %swap3A_298 = tpu.vector_load %arg7[%swap3A_296, %swap3A_297] {strides = array<i32>} : memref<160x128xi32, #tpu.memory_space<vmem>>, vector<1x16xi32>,
      %swap3A_299 = vector.shape_cast %swap3A_298 : vector<1x16xi32> to vector<16xi32>
      %swap3A_300 = vector.shape_cast %select_n3A_295 : vector<16xi32> to vector<1x16xi32>
      tpu.vector_store %arg7[%swap3A_296, %swap3A_297], %swap3A_300 {strides = array<i32>} : memref<160x128xi32, #tpu.memory_space<vmem>>, vector<1x16xi32>,
      %get3A_301 = arith.index_cast %add3A_132 : i32 to index
      %get3A_302 = arith.constant 112 : index
      %get3A_303 = tpu.vector_load %arg7[%get3A_301, %get3A_302] {strides = array<i32>} : memref<160x128xi32, #tpu.memory_space<vmem>>, vector<1x16xi32>,
      %get3A_304 = vector.shape_cast %get3A_303 : vector<1x16xi32> to vector<16xi32>
      %ge3A_305 = vector.broadcast %mul3A_0 : i32 to vector<16xi32>
      %ge3A_306 = arith.cmpi sge, %get3A_304, %ge3A_305 : vector<16xi32>
      %add3A_307 = arith.constant 5120 : i32
      %add3A_308 = arith.addi %mul3A_0, %add3A_307 : i32
      %lt3A_309 = vector.broadcast %add3A_308 : i32 to vector<16xi32>
      %lt3A_310 = arith.cmpi slt, %get3A_304, %lt3A_309 : vector<16xi32>
      %and3A_311 = arith.andi %ge3A_306, %lt3A_310 : vector<16xi1>
      %sub3A_312 = vector.broadcast %mul3A_0 : i32 to vector<16xi32>
      %sub3A_313 = arith.subi %get3A_304, %sub3A_312 : vector<16xi32>
      %and3A_314 = arith.constant 127 : i32
      %and3A_315 = vector.broadcast %and3A_314 : i32 to vector<16xi32>
      %and3A_316 = arith.andi %get3A_304, %and3A_315 : vector<16xi32>
      %add3A_317 = arith.constant 5120 : i32
      %add3A_318 = vector.broadcast %add3A_317 : i32 to vector<16xi32>
      %add3A_319 = arith.addi %add3A_318, %and3A_316 : vector<16xi32>
      %select_n3A_320 = arith.select %and3A_311, %sub3A_313, %add3A_319 : vector<16xi1>, vector<16xi32>
      %swap3A_321 = arith.index_cast %add3A_132 : i32 to index
      %swap3A_322 = arith.constant 112 : index
      %swap3A_323 = tpu.vector_load %arg7[%swap3A_321, %swap3A_322] {strides = array<i32>} : memref<160x128xi32, #tpu.memory_space<vmem>>, vector<1x16xi32>,
      %swap3A_324 = vector.shape_cast %swap3A_323 : vector<1x16xi32> to vector<16xi32>
      %swap3A_325 = vector.shape_cast %select_n3A_320 : vector<16xi32> to vector<1x16xi32>
      tpu.vector_store %arg7[%swap3A_321, %swap3A_322], %swap3A_325 {strides = array<i32>} : memref<160x128xi32, #tpu.memory_space<vmem>>, vector<1x16xi32>,
    }
    %scan3A_4 = arith.constant 160 : i32
    %broadcast_in_dim3A = arith.constant 0.000000e+00 : f32
    %broadcast_in_dim3A_5 = vector.broadcast %broadcast_in_dim3A : f32 to vector<16xf32>
    %scan3A_6 = arith.constant 0 : i32
    %scan3A_7 = arith.constant 0 : i32
    %scan3A_8 = arith.constant 128 : i32
    %scan3A_9 = arith.addi %scan3A_7, %scan3A_8 : i32
    %scan3A_10 = arith.constant 1 : i32
    scf.for %scan3A_128 = %scan3A_7 to %scan3A_9 step %scan3A_10  : i32 {
      %mul3A_129 = arith.constant 1 : i32
      %mul3A_130 = arith.muli %scan3A_128, %mul3A_129 : i32
      %add3A_131 = arith.constant 0 : i32
      %add3A_132 = arith.addi %add3A_131, %mul3A_130 : i32
      %swap3A = arith.constant 0 : i32
      %swap3A_133 = arith.constant 0 : i32
      %swap3A_134 = tpu.memref_slice %arg8[%scan3A_6, %swap3A, %swap3A_133] : memref<4x128x128xf32, #tpu.memory_space<vmem>> -> memref<1x128x128xf32, #tpu.memory_space<vmem>>
      %swap3A_135 = tpu.memref_squeeze %swap3A_134 : memref<1x128x128xf32, #tpu.memory_space<vmem>> -> memref<128x128xf32, #tpu.memory_space<vmem>>
      %swap3A_136 = arith.index_cast %add3A_132 : i32 to index
      %swap3A_137 = arith.constant 0 : index
      %swap3A_138 = tpu.vector_load %swap3A_135[%swap3A_136, %swap3A_137] {strides = array<i32>} : memref<128x128xf32, #tpu.memory_space<vmem>>, vector<1x16xf32>,
      %swap3A_139 = vector.shape_cast %swap3A_138 : vector<1x16xf32> to vector<16xf32>
      %swap3A_140 = vector.shape_cast %broadcast_in_dim3A_5 : vector<16xf32> to vector<1x16xf32>
      tpu.vector_store %swap3A_135[%swap3A_136, %swap3A_137], %swap3A_140 {strides = array<i32>} : memref<128x128xf32, #tpu.memory_space<vmem>>, vector<1x16xf32>,
      %swap3A_141 = arith.constant 0 : i32
      %swap3A_142 = arith.constant 0 : i32
      %swap3A_143 = tpu.memref_slice %arg8[%scan3A_6, %swap3A_141, %swap3A_142] : memref<4x128x128xf32, #tpu.memory_space<vmem>> -> memref<1x128x128xf32, #tpu.memory_space<vmem>>
      %swap3A_144 = tpu.memref_squeeze %swap3A_143 : memref<1x128x128xf32, #tpu.memory_space<vmem>> -> memref<128x128xf32, #tpu.memory_space<vmem>>
      %swap3A_145 = arith.index_cast %add3A_132 : i32 to index
      %swap3A_146 = arith.constant 16 : index
      %swap3A_147 = tpu.vector_load %swap3A_144[%swap3A_145, %swap3A_146] {strides = array<i32>} : memref<128x128xf32, #tpu.memory_space<vmem>>, vector<1x16xf32>,
      %swap3A_148 = vector.shape_cast %swap3A_147 : vector<1x16xf32> to vector<16xf32>
      %swap3A_149 = vector.shape_cast %broadcast_in_dim3A_5 : vector<16xf32> to vector<1x16xf32>
      tpu.vector_store %swap3A_144[%swap3A_145, %swap3A_146], %swap3A_149 {strides = array<i32>} : memref<128x128xf32, #tpu.memory_space<vmem>>, vector<1x16xf32>,
      %swap3A_150 = arith.constant 0 : i32
      %swap3A_151 = arith.constant 0 : i32
      %swap3A_152 = tpu.memref_slice %arg8[%scan3A_6, %swap3A_150, %swap3A_151] : memref<4x128x128xf32, #tpu.memory_space<vmem>> -> memref<1x128x128xf32, #tpu.memory_space<vmem>>
      %swap3A_153 = tpu.memref_squeeze %swap3A_152 : memref<1x128x128xf32, #tpu.memory_space<vmem>> -> memref<128x128xf32, #tpu.memory_space<vmem>>
      %swap3A_154 = arith.index_cast %add3A_132 : i32 to index
      %swap3A_155 = arith.constant 32 : index
      %swap3A_156 = tpu.vector_load %swap3A_153[%swap3A_154, %swap3A_155] {strides = array<i32>} : memref<128x128xf32, #tpu.memory_space<vmem>>, vector<1x16xf32>,
      %swap3A_157 = vector.shape_cast %swap3A_156 : vector<1x16xf32> to vector<16xf32>
      %swap3A_158 = vector.shape_cast %broadcast_in_dim3A_5 : vector<16xf32> to vector<1x16xf32>
      tpu.vector_store %swap3A_153[%swap3A_154, %swap3A_155], %swap3A_158 {strides = array<i32>} : memref<128x128xf32, #tpu.memory_space<vmem>>, vector<1x16xf32>,
      %swap3A_159 = arith.constant 0 : i32
      %swap3A_160 = arith.constant 0 : i32
      %swap3A_161 = tpu.memref_slice %arg8[%scan3A_6, %swap3A_159, %swap3A_160] : memref<4x128x128xf32, #tpu.memory_space<vmem>> -> memref<1x128x128xf32, #tpu.memory_space<vmem>>
      %swap3A_162 = tpu.memref_squeeze %swap3A_161 : memref<1x128x128xf32, #tpu.memory_space<vmem>> -> memref<128x128xf32, #tpu.memory_space<vmem>>
      %swap3A_163 = arith.index_cast %add3A_132 : i32 to index
      %swap3A_164 = arith.constant 48 : index
      %swap3A_165 = tpu.vector_load %swap3A_162[%swap3A_163, %swap3A_164] {strides = array<i32>} : memref<128x128xf32, #tpu.memory_space<vmem>>, vector<1x16xf32>,
      %swap3A_166 = vector.shape_cast %swap3A_165 : vector<1x16xf32> to vector<16xf32>
      %swap3A_167 = vector.shape_cast %broadcast_in_dim3A_5 : vector<16xf32> to vector<1x16xf32>
      tpu.vector_store %swap3A_162[%swap3A_163, %swap3A_164], %swap3A_167 {strides = array<i32>} : memref<128x128xf32, #tpu.memory_space<vmem>>, vector<1x16xf32>,
      %swap3A_168 = arith.constant 0 : i32
      %swap3A_169 = arith.constant 0 : i32
      %swap3A_170 = tpu.memref_slice %arg8[%scan3A_6, %swap3A_168, %swap3A_169] : memref<4x128x128xf32, #tpu.memory_space<vmem>> -> memref<1x128x128xf32, #tpu.memory_space<vmem>>
      %swap3A_171 = tpu.memref_squeeze %swap3A_170 : memref<1x128x128xf32, #tpu.memory_space<vmem>> -> memref<128x128xf32, #tpu.memory_space<vmem>>
      %swap3A_172 = arith.index_cast %add3A_132 : i32 to index
      %swap3A_173 = arith.constant 64 : index
      %swap3A_174 = tpu.vector_load %swap3A_171[%swap3A_172, %swap3A_173] {strides = array<i32>} : memref<128x128xf32, #tpu.memory_space<vmem>>, vector<1x16xf32>,
      %swap3A_175 = vector.shape_cast %swap3A_174 : vector<1x16xf32> to vector<16xf32>
      %swap3A_176 = vector.shape_cast %broadcast_in_dim3A_5 : vector<16xf32> to vector<1x16xf32>
      tpu.vector_store %swap3A_171[%swap3A_172, %swap3A_173], %swap3A_176 {strides = array<i32>} : memref<128x128xf32, #tpu.memory_space<vmem>>, vector<1x16xf32>,
      %swap3A_177 = arith.constant 0 : i32
      %swap3A_178 = arith.constant 0 : i32
      %swap3A_179 = tpu.memref_slice %arg8[%scan3A_6, %swap3A_177, %swap3A_178] : memref<4x128x128xf32, #tpu.memory_space<vmem>> -> memref<1x128x128xf32, #tpu.memory_space<vmem>>
      %swap3A_180 = tpu.memref_squeeze %swap3A_179 : memref<1x128x128xf32, #tpu.memory_space<vmem>> -> memref<128x128xf32, #tpu.memory_space<vmem>>
      %swap3A_181 = arith.index_cast %add3A_132 : i32 to index
      %swap3A_182 = arith.constant 80 : index
      %swap3A_183 = tpu.vector_load %swap3A_180[%swap3A_181, %swap3A_182] {strides = array<i32>} : memref<128x128xf32, #tpu.memory_space<vmem>>, vector<1x16xf32>,
      %swap3A_184 = vector.shape_cast %swap3A_183 : vector<1x16xf32> to vector<16xf32>
      %swap3A_185 = vector.shape_cast %broadcast_in_dim3A_5 : vector<16xf32> to vector<1x16xf32>
      tpu.vector_store %swap3A_180[%swap3A_181, %swap3A_182], %swap3A_185 {strides = array<i32>} : memref<128x128xf32, #tpu.memory_space<vmem>>, vector<1x16xf32>,
      %swap3A_186 = arith.constant 0 : i32
      %swap3A_187 = arith.constant 0 : i32
      %swap3A_188 = tpu.memref_slice %arg8[%scan3A_6, %swap3A_186, %swap3A_187] : memref<4x128x128xf32, #tpu.memory_space<vmem>> -> memref<1x128x128xf32, #tpu.memory_space<vmem>>
      %swap3A_189 = tpu.memref_squeeze %swap3A_188 : memref<1x128x128xf32, #tpu.memory_space<vmem>> -> memref<128x128xf32, #tpu.memory_space<vmem>>
      %swap3A_190 = arith.index_cast %add3A_132 : i32 to index
      %swap3A_191 = arith.constant 96 : index
      %swap3A_192 = tpu.vector_load %swap3A_189[%swap3A_190, %swap3A_191] {strides = array<i32>} : memref<128x128xf32, #tpu.memory_space<vmem>>, vector<1x16xf32>,
      %swap3A_193 = vector.shape_cast %swap3A_192 : vector<1x16xf32> to vector<16xf32>
      %swap3A_194 = vector.shape_cast %broadcast_in_dim3A_5 : vector<16xf32> to vector<1x16xf32>
      tpu.vector_store %swap3A_189[%swap3A_190, %swap3A_191], %swap3A_194 {strides = array<i32>} : memref<128x128xf32, #tpu.memory_space<vmem>>, vector<1x16xf32>,
      %swap3A_195 = arith.constant 0 : i32
      %swap3A_196 = arith.constant 0 : i32
      %swap3A_197 = tpu.memref_slice %arg8[%scan3A_6, %swap3A_195, %swap3A_196] : memref<4x128x128xf32, #tpu.memory_space<vmem>> -> memref<1x128x128xf32, #tpu.memory_space<vmem>>
      %swap3A_198 = tpu.memref_squeeze %swap3A_197 : memref<1x128x128xf32, #tpu.memory_space<vmem>> -> memref<128x128xf32, #tpu.memory_space<vmem>>
      %swap3A_199 = arith.index_cast %add3A_132 : i32 to index
      %swap3A_200 = arith.constant 112 : index
      %swap3A_201 = tpu.vector_load %swap3A_198[%swap3A_199, %swap3A_200] {strides = array<i32>} : memref<128x128xf32, #tpu.memory_space<vmem>>, vector<1x16xf32>,
      %swap3A_202 = vector.shape_cast %swap3A_201 : vector<1x16xf32> to vector<16xf32>
      %swap3A_203 = vector.shape_cast %broadcast_in_dim3A_5 : vector<16xf32> to vector<1x16xf32>
      tpu.vector_store %swap3A_198[%swap3A_199, %swap3A_200], %swap3A_203 {strides = array<i32>} : memref<128x128xf32, #tpu.memory_space<vmem>>, vector<1x16xf32>,
    }
    %scan3A_11 = arith.constant 128 : i32
    %mul3A_12 = arith.constant 328 : i32
    %mul3A_13 = arith.muli %arg1, %mul3A_12 : i32
    %add3A = arith.constant 0 : i32
    %add3A_14 = arith.addi %mul3A_13, %add3A : i32
    %run_scoped3A = arith.constant 0 : i32
    "tpu.region"() ({
      %run_scoped3A_128 = tpu.sem_alloc : memref<!tpu.dma_semaphore, #tpu.memory_space<semaphore_mem>>
      %dma_start3A_129 = arith.constant 0 : i32
      %dma_start3A_130 = arith.constant 0 : i32
      %dma_start3A_131 = tpu.memref_slice %arg8[%run_scoped3A, %dma_start3A_129, %dma_start3A_130] : memref<4x128x128xf32, #tpu.memory_space<vmem>> -> memref<1x128x128xf32, #tpu.memory_space<vmem>>
      %dma_start3A_132 = tpu.memref_squeeze %dma_start3A_131 : memref<1x128x128xf32, #tpu.memory_space<vmem>> -> memref<128x128xf32, #tpu.memory_space<vmem>>
      %dma_start3A_133 = arith.constant 0 : i32
      %dma_start3A_134 = tpu.memref_slice %arg9[%add3A_14, %dma_start3A_133] : memref<5248x128xf32, #tpu.memory_space<vmem_shared>> -> memref<128x128xf32, #tpu.memory_space<vmem_shared>>
      %dma_start3A_135 = arith.constant 0 : i32
      %dma_start3A_136 = tpu.memref_slice %arg9[%add3A_14, %dma_start3A_135] : memref<5248x128xf32, #tpu.memory_space<vmem_shared>> -> memref<128x128xf32, #tpu.memory_space<vmem_shared>>
      %dma_start3A_137 = arith.constant 0 : i32
      %dma_start3A_138 = arith.constant 0 : i32
      %dma_start3A_139 = tpu.memref_slice %arg8[%run_scoped3A, %dma_start3A_137, %dma_start3A_138] : memref<4x128x128xf32, #tpu.memory_space<vmem>> -> memref<1x128x128xf32, #tpu.memory_space<vmem>>
      %dma_start3A_140 = tpu.memref_squeeze %dma_start3A_139 : memref<1x128x128xf32, #tpu.memory_space<vmem>> -> memref<128x128xf32, #tpu.memory_space<vmem>>
      tpu.enqueue_dma source(%dma_start3A_140 : memref<128x128xf32, #tpu.memory_space<vmem>>) target(%dma_start3A_136 : memref<128x128xf32, #tpu.memory_space<vmem_shared>>) target_semaphore(%run_scoped3A_128 : memref<!tpu.dma_semaphore, #tpu.memory_space<semaphore_mem>>)
      %dma_wait3A_141 = arith.constant 0 : i32
      %dma_wait3A_142 = arith.constant 0 : i32
      %dma_wait3A_143 = tpu.memref_slice %arg8[%run_scoped3A, %dma_wait3A_141, %dma_wait3A_142] : memref<4x128x128xf32, #tpu.memory_space<vmem>> -> memref<1x128x128xf32, #tpu.memory_space<vmem>>
      %dma_wait3A_144 = tpu.memref_squeeze %dma_wait3A_143 : memref<1x128x128xf32, #tpu.memory_space<vmem>> -> memref<128x128xf32, #tpu.memory_space<vmem>>
      %dma_wait3A_145 = arith.constant 0 : i32
      %dma_wait3A_146 = tpu.memref_slice %arg9[%add3A_14, %dma_wait3A_145] : memref<5248x128xf32, #tpu.memory_space<vmem_shared>> -> memref<128x128xf32, #tpu.memory_space<vmem_shared>>
      %dma_wait3A_147 = arith.constant 0 : i32
      %dma_wait3A_148 = tpu.memref_slice %arg9[%add3A_14, %dma_wait3A_147] : memref<5248x128xf32, #tpu.memory_space<vmem_shared>> -> memref<128x128xf32, #tpu.memory_space<vmem_shared>>
      %dma_wait3A_149 = arith.constant 0 : i32
      %dma_wait3A_150 = arith.constant 0 : i32
      %dma_wait3A_151 = tpu.memref_slice %arg8[%run_scoped3A, %dma_wait3A_149, %dma_wait3A_150] : memref<4x128x128xf32, #tpu.memory_space<vmem>> -> memref<1x128x128xf32, #tpu.memory_space<vmem>>
      %dma_wait3A_152 = tpu.memref_squeeze %dma_wait3A_151 : memref<1x128x128xf32, #tpu.memory_space<vmem>> -> memref<128x128xf32, #tpu.memory_space<vmem>>
      tpu.wait_dma2 semaphore(%run_scoped3A_128 : memref<!tpu.dma_semaphore, #tpu.memory_space<semaphore_mem>>) src(%dma_wait3A_152 : memref<128x128xf32, #tpu.memory_space<vmem>>) dst(%dma_wait3A_148 : memref<128x128xf32, #tpu.memory_space<vmem_shared>>)
      tpu.yield
    }) : () -> ()
    %add3A_15 = arith.constant 128 : i32
    %add3A_16 = arith.addi %mul3A_13, %add3A_15 : i32
    %run_scoped3A_17 = arith.constant 0 : i32
    "tpu.region"() ({
      %run_scoped3A_128 = tpu.sem_alloc : memref<!tpu.dma_semaphore, #tpu.memory_space<semaphore_mem>>
      %dma_start3A_129 = arith.constant 0 : i32
      %dma_start3A_130 = arith.constant 0 : i32
      %dma_start3A_131 = tpu.memref_slice %arg8[%run_scoped3A_17, %dma_start3A_129, %dma_start3A_130] : memref<4x128x128xf32, #tpu.memory_space<vmem>> -> memref<1x128x128xf32, #tpu.memory_space<vmem>>
      %dma_start3A_132 = tpu.memref_squeeze %dma_start3A_131 : memref<1x128x128xf32, #tpu.memory_space<vmem>> -> memref<128x128xf32, #tpu.memory_space<vmem>>
      %dma_start3A_133 = arith.constant 0 : i32
      %dma_start3A_134 = tpu.memref_slice %arg9[%add3A_16, %dma_start3A_133] : memref<5248x128xf32, #tpu.memory_space<vmem_shared>> -> memref<128x128xf32, #tpu.memory_space<vmem_shared>>
      %dma_start3A_135 = arith.constant 0 : i32
      %dma_start3A_136 = tpu.memref_slice %arg9[%add3A_16, %dma_start3A_135] : memref<5248x128xf32, #tpu.memory_space<vmem_shared>> -> memref<128x128xf32, #tpu.memory_space<vmem_shared>>
      %dma_start3A_137 = arith.constant 0 : i32
      %dma_start3A_138 = arith.constant 0 : i32
      %dma_start3A_139 = tpu.memref_slice %arg8[%run_scoped3A_17, %dma_start3A_137, %dma_start3A_138] : memref<4x128x128xf32, #tpu.memory_space<vmem>> -> memref<1x128x128xf32, #tpu.memory_space<vmem>>
      %dma_start3A_140 = tpu.memref_squeeze %dma_start3A_139 : memref<1x128x128xf32, #tpu.memory_space<vmem>> -> memref<128x128xf32, #tpu.memory_space<vmem>>
      tpu.enqueue_dma source(%dma_start3A_140 : memref<128x128xf32, #tpu.memory_space<vmem>>) target(%dma_start3A_136 : memref<128x128xf32, #tpu.memory_space<vmem_shared>>) target_semaphore(%run_scoped3A_128 : memref<!tpu.dma_semaphore, #tpu.memory_space<semaphore_mem>>)
      %dma_wait3A_141 = arith.constant 0 : i32
      %dma_wait3A_142 = arith.constant 0 : i32
      %dma_wait3A_143 = tpu.memref_slice %arg8[%run_scoped3A_17, %dma_wait3A_141, %dma_wait3A_142] : memref<4x128x128xf32, #tpu.memory_space<vmem>> -> memref<1x128x128xf32, #tpu.memory_space<vmem>>
      %dma_wait3A_144 = tpu.memref_squeeze %dma_wait3A_143 : memref<1x128x128xf32, #tpu.memory_space<vmem>> -> memref<128x128xf32, #tpu.memory_space<vmem>>
      %dma_wait3A_145 = arith.constant 0 : i32
      %dma_wait3A_146 = tpu.memref_slice %arg9[%add3A_16, %dma_wait3A_145] : memref<5248x128xf32, #tpu.memory_space<vmem_shared>> -> memref<128x128xf32, #tpu.memory_space<vmem_shared>>
      %dma_wait3A_147 = arith.constant 0 : i32
      %dma_wait3A_148 = tpu.memref_slice %arg9[%add3A_16, %dma_wait3A_147] : memref<5248x128xf32, #tpu.memory_space<vmem_shared>> -> memref<128x128xf32, #tpu.memory_space<vmem_shared>>
      %dma_wait3A_149 = arith.constant 0 : i32
      %dma_wait3A_150 = arith.constant 0 : i32
      %dma_wait3A_151 = tpu.memref_slice %arg8[%run_scoped3A_17, %dma_wait3A_149, %dma_wait3A_150] : memref<4x128x128xf32, #tpu.memory_space<vmem>> -> memref<1x128x128xf32, #tpu.memory_space<vmem>>
      %dma_wait3A_152 = tpu.memref_squeeze %dma_wait3A_151 : memref<1x128x128xf32, #tpu.memory_space<vmem>> -> memref<128x128xf32, #tpu.memory_space<vmem>>
      tpu.wait_dma2 semaphore(%run_scoped3A_128 : memref<!tpu.dma_semaphore, #tpu.memory_space<semaphore_mem>>) src(%dma_wait3A_152 : memref<128x128xf32, #tpu.memory_space<vmem>>) dst(%dma_wait3A_148 : memref<128x128xf32, #tpu.memory_space<vmem_shared>>)
      tpu.yield
    }) : () -> ()
    %add3A_18 = arith.constant 256 : i32
    %add3A_19 = arith.addi %mul3A_13, %add3A_18 : i32
    %run_scoped3A_20 = arith.constant 0 : i32
    "tpu.region"() ({
      %run_scoped3A_128 = tpu.sem_alloc : memref<!tpu.dma_semaphore, #tpu.memory_space<semaphore_mem>>
      %dma_start3A_129 = arith.constant 0 : i32
      %dma_start3A_130 = arith.constant 0 : i32
      %dma_start3A_131 = tpu.memref_slice %arg8[%run_scoped3A_20, %dma_start3A_129, %dma_start3A_130] : memref<4x128x128xf32, #tpu.memory_space<vmem>> -> memref<1x72x128xf32, #tpu.memory_space<vmem>>
      %dma_start3A_132 = tpu.memref_squeeze %dma_start3A_131 : memref<1x72x128xf32, #tpu.memory_space<vmem>> -> memref<72x128xf32, #tpu.memory_space<vmem>>
      %dma_start3A_133 = arith.constant 0 : i32
      %dma_start3A_134 = tpu.memref_slice %arg9[%add3A_19, %dma_start3A_133] : memref<5248x128xf32, #tpu.memory_space<vmem_shared>> -> memref<72x128xf32, #tpu.memory_space<vmem_shared>>
      %dma_start3A_135 = arith.constant 0 : i32
      %dma_start3A_136 = tpu.memref_slice %arg9[%add3A_19, %dma_start3A_135] : memref<5248x128xf32, #tpu.memory_space<vmem_shared>> -> memref<72x128xf32, #tpu.memory_space<vmem_shared>>
      %dma_start3A_137 = arith.constant 0 : i32
      %dma_start3A_138 = arith.constant 0 : i32
      %dma_start3A_139 = tpu.memref_slice %arg8[%run_scoped3A_20, %dma_start3A_137, %dma_start3A_138] : memref<4x128x128xf32, #tpu.memory_space<vmem>> -> memref<1x72x128xf32, #tpu.memory_space<vmem>>
      %dma_start3A_140 = tpu.memref_squeeze %dma_start3A_139 : memref<1x72x128xf32, #tpu.memory_space<vmem>> -> memref<72x128xf32, #tpu.memory_space<vmem>>
      tpu.enqueue_dma source(%dma_start3A_140 : memref<72x128xf32, #tpu.memory_space<vmem>>) target(%dma_start3A_136 : memref<72x128xf32, #tpu.memory_space<vmem_shared>>) target_semaphore(%run_scoped3A_128 : memref<!tpu.dma_semaphore, #tpu.memory_space<semaphore_mem>>)
      %dma_wait3A_141 = arith.constant 0 : i32
      %dma_wait3A_142 = arith.constant 0 : i32
      %dma_wait3A_143 = tpu.memref_slice %arg8[%run_scoped3A_20, %dma_wait3A_141, %dma_wait3A_142] : memref<4x128x128xf32, #tpu.memory_space<vmem>> -> memref<1x72x128xf32, #tpu.memory_space<vmem>>
      %dma_wait3A_144 = tpu.memref_squeeze %dma_wait3A_143 : memref<1x72x128xf32, #tpu.memory_space<vmem>> -> memref<72x128xf32, #tpu.memory_space<vmem>>
      %dma_wait3A_145 = arith.constant 0 : i32
      %dma_wait3A_146 = tpu.memref_slice %arg9[%add3A_19, %dma_wait3A_145] : memref<5248x128xf32, #tpu.memory_space<vmem_shared>> -> memref<72x128xf32, #tpu.memory_space<vmem_shared>>
      %dma_wait3A_147 = arith.constant 0 : i32
      %dma_wait3A_148 = tpu.memref_slice %arg9[%add3A_19, %dma_wait3A_147] : memref<5248x128xf32, #tpu.memory_space<vmem_shared>> -> memref<72x128xf32, #tpu.memory_space<vmem_shared>>
      %dma_wait3A_149 = arith.constant 0 : i32
      %dma_wait3A_150 = arith.constant 0 : i32
      %dma_wait3A_151 = tpu.memref_slice %arg8[%run_scoped3A_20, %dma_wait3A_149, %dma_wait3A_150] : memref<4x128x128xf32, #tpu.memory_space<vmem>> -> memref<1x72x128xf32, #tpu.memory_space<vmem>>
      %dma_wait3A_152 = tpu.memref_squeeze %dma_wait3A_151 : memref<1x72x128xf32, #tpu.memory_space<vmem>> -> memref<72x128xf32, #tpu.memory_space<vmem>>
      tpu.wait_dma2 semaphore(%run_scoped3A_128 : memref<!tpu.dma_semaphore, #tpu.memory_space<semaphore_mem>>) src(%dma_wait3A_152 : memref<72x128xf32, #tpu.memory_space<vmem>>) dst(%dma_wait3A_148 : memref<72x128xf32, #tpu.memory_space<vmem_shared>>)
      tpu.yield
    }) : () -> ()
    %barrier3A = arith.constant 0 : index
    tpu.barrier barrier_id(%barrier3A)
    %dma_start3A = arith.constant 0 : i32
    %dma_start3A_21 = arith.constant 0 : i32
    %dma_start3A_22 = arith.constant 0 : i32
    %dma_start3A_23 = tpu.memref_slice %arg6[%dma_start3A, %dma_start3A_21, %dma_start3A_22] : memref<2x8x128xi32, #tpu.memory_space<vmem>> -> memref<1x8x128xi32, #tpu.memory_space<vmem>>
    %dma_start3A_24 = tpu.memref_squeeze %dma_start3A_23 : memref<1x8x128xi32, #tpu.memory_space<vmem>> -> memref<8x128xi32, #tpu.memory_space<vmem>>
    %dma_start3A_25 = arith.constant 0 : i32
    %dma_start3A_26 = arith.constant 0 : i32
    %dma_start3A_27 = tpu.memref_slice %arg3[%arg0, %arg1, %dma_start3A_25, %dma_start3A_26] : memref<2x16x160x128xi32, #tpu.memory_space<hbm>> -> memref<1x1x8x128xi32, #tpu.memory_space<hbm>>
    %dma_start3A_28 = tpu.memref_squeeze %dma_start3A_27 : memref<1x1x8x128xi32, #tpu.memory_space<hbm>> -> memref<8x128xi32, #tpu.memory_space<hbm>>
    %dma_start3A_29 = arith.constant 0 : i32
    %dma_start3A_30 = arith.constant 0 : i32
    %dma_start3A_31 = tpu.memref_slice %arg6[%dma_start3A, %dma_start3A_29, %dma_start3A_30] : memref<2x8x128xi32, #tpu.memory_space<vmem>> -> memref<1x8x128xi32, #tpu.memory_space<vmem>>
    %dma_start3A_32 = tpu.memref_squeeze %dma_start3A_31 : memref<1x8x128xi32, #tpu.memory_space<vmem>> -> memref<8x128xi32, #tpu.memory_space<vmem>>
    %dma_start3A_33 = arith.constant 0 : i32
    %dma_start3A_34 = arith.constant 0 : i32
    %dma_start3A_35 = tpu.memref_slice %arg3[%arg0, %arg1, %dma_start3A_33, %dma_start3A_34] : memref<2x16x160x128xi32, #tpu.memory_space<hbm>> -> memref<1x1x8x128xi32, #tpu.memory_space<hbm>>
    %dma_start3A_36 = tpu.memref_squeeze %dma_start3A_35 : memref<1x1x8x128xi32, #tpu.memory_space<hbm>> -> memref<8x128xi32, #tpu.memory_space<hbm>>
    tpu.enqueue_dma source(%dma_start3A_36 : memref<8x128xi32, #tpu.memory_space<hbm>>) target(%dma_start3A_32 : memref<8x128xi32, #tpu.memory_space<vmem>>) target_semaphore(%arg10 : memref<!tpu.dma_semaphore, #tpu.memory_space<semaphore_mem>>)
    %dma_start3A_37 = arith.constant 1 : i32
    %dma_start3A_38 = arith.constant 0 : i32
    %dma_start3A_39 = arith.constant 0 : i32
    %dma_start3A_40 = tpu.memref_slice %arg6[%dma_start3A_37, %dma_start3A_38, %dma_start3A_39] : memref<2x8x128xi32, #tpu.memory_space<vmem>> -> memref<1x8x128xi32, #tpu.memory_space<vmem>>
    %dma_start3A_41 = tpu.memref_squeeze %dma_start3A_40 : memref<1x8x128xi32, #tpu.memory_space<vmem>> -> memref<8x128xi32, #tpu.memory_space<vmem>>
    %dma_start3A_42 = arith.constant 8 : i32
    %dma_start3A_43 = arith.constant 0 : i32
    %dma_start3A_44 = tpu.memref_slice %arg3[%arg0, %arg1, %dma_start3A_42, %dma_start3A_43] : memref<2x16x160x128xi32, #tpu.memory_space<hbm>> -> memref<1x1x8x128xi32, #tpu.memory_space<hbm>>
    %dma_start3A_45 = tpu.memref_squeeze %dma_start3A_44 : memref<1x1x8x128xi32, #tpu.memory_space<hbm>> -> memref<8x128xi32, #tpu.memory_space<hbm>>
    %dma_start3A_46 = arith.constant 0 : i32
    %dma_start3A_47 = arith.constant 0 : i32
    %dma_start3A_48 = tpu.memref_slice %arg6[%dma_start3A_37, %dma_start3A_46, %dma_start3A_47] : memref<2x8x128xi32, #tpu.memory_space<vmem>> -> memref<1x8x128xi32, #tpu.memory_space<vmem>>
    %dma_start3A_49 = tpu.memref_squeeze %dma_start3A_48 : memref<1x8x128xi32, #tpu.memory_space<vmem>> -> memref<8x128xi32, #tpu.memory_space<vmem>>
    %dma_start3A_50 = arith.constant 8 : i32
    %dma_start3A_51 = arith.constant 0 : i32
    %dma_start3A_52 = tpu.memref_slice %arg3[%arg0, %arg1, %dma_start3A_50, %dma_start3A_51] : memref<2x16x160x128xi32, #tpu.memory_space<hbm>> -> memref<1x1x8x128xi32, #tpu.memory_space<hbm>>
    %dma_start3A_53 = tpu.memref_squeeze %dma_start3A_52 : memref<1x1x8x128xi32, #tpu.memory_space<hbm>> -> memref<8x128xi32, #tpu.memory_space<hbm>>
    tpu.enqueue_dma source(%dma_start3A_53 : memref<8x128xi32, #tpu.memory_space<hbm>>) target(%dma_start3A_49 : memref<8x128xi32, #tpu.memory_space<vmem>>) target_semaphore(%arg11 : memref<!tpu.dma_semaphore, #tpu.memory_space<semaphore_mem>>)
    %dma_wait3A = arith.constant 0 : i32
    %dma_wait3A_54 = arith.constant 0 : i32
    %dma_wait3A_55 = arith.constant 0 : i32
    %dma_wait3A_56 = tpu.memref_slice %arg6[%dma_wait3A, %dma_wait3A_54, %dma_wait3A_55] : memref<2x8x128xi32, #tpu.memory_space<vmem>> -> memref<1x8x128xi32, #tpu.memory_space<vmem>>
    %dma_wait3A_57 = tpu.memref_squeeze %dma_wait3A_56 : memref<1x8x128xi32, #tpu.memory_space<vmem>> -> memref<8x128xi32, #tpu.memory_space<vmem>>
    %dma_wait3A_58 = arith.constant 0 : i32
    %dma_wait3A_59 = arith.constant 0 : i32
    %dma_wait3A_60 = tpu.memref_slice %arg3[%arg0, %arg1, %dma_wait3A_58, %dma_wait3A_59] : memref<2x16x160x128xi32, #tpu.memory_space<hbm>> -> memref<1x1x8x128xi32, #tpu.memory_space<hbm>>
    %dma_wait3A_61 = tpu.memref_squeeze %dma_wait3A_60 : memref<1x1x8x128xi32, #tpu.memory_space<hbm>> -> memref<8x128xi32, #tpu.memory_space<hbm>>
    %dma_wait3A_62 = arith.constant 0 : i32
    %dma_wait3A_63 = arith.constant 0 : i32
    %dma_wait3A_64 = tpu.memref_slice %arg6[%dma_wait3A, %dma_wait3A_62, %dma_wait3A_63] : memref<2x8x128xi32, #tpu.memory_space<vmem>> -> memref<1x8x128xi32, #tpu.memory_space<vmem>>
    %dma_wait3A_65 = tpu.memref_squeeze %dma_wait3A_64 : memref<1x8x128xi32, #tpu.memory_space<vmem>> -> memref<8x128xi32, #tpu.memory_space<vmem>>
    %dma_wait3A_66 = arith.constant 0 : i32
    %dma_wait3A_67 = arith.constant 0 : i32
    %dma_wait3A_68 = tpu.memref_slice %arg3[%arg0, %arg1, %dma_wait3A_66, %dma_wait3A_67] : memref<2x16x160x128xi32, #tpu.memory_space<hbm>> -> memref<1x1x8x128xi32, #tpu.memory_space<hbm>>
    %dma_wait3A_69 = tpu.memref_squeeze %dma_wait3A_68 : memref<1x1x8x128xi32, #tpu.memory_space<hbm>> -> memref<8x128xi32, #tpu.memory_space<hbm>>
    tpu.wait_dma2 semaphore(%arg10 : memref<!tpu.dma_semaphore, #tpu.memory_space<semaphore_mem>>) src(%dma_wait3A_69 : memref<8x128xi32, #tpu.memory_space<hbm>>) dst(%dma_wait3A_65 : memref<8x128xi32, #tpu.memory_space<vmem>>)
    %dma_start3A_70 = arith.constant 0 : i32
    %dma_start3A_71 = arith.constant 0 : i32
    %dma_start3A_72 = arith.constant 0 : i32
    %dma_start3A_73 = arith.constant 0 : i32
    %dma_start3A_74 = arith.constant 0 : i32
    %dma_start3A_75 = tpu.memref_slice %arg8[%dma_start3A_72, %dma_start3A_73, %dma_start3A_74] : memref<4x128x128xf32, #tpu.memory_space<vmem>> -> memref<1x128x128xf32, #tpu.memory_space<vmem>>
    %dma_start3A_76 = tpu.memref_squeeze %dma_start3A_75 : memref<1x128x128xf32, #tpu.memory_space<vmem>> -> memref<128x128xf32, #tpu.memory_space<vmem>>
    %dma_start3A_77 = arith.constant 0 : i32
    %dma_start3A_78 = tpu.memref_slice %arg6[%dma_start3A_70, %dma_start3A_71, %dma_start3A_77] : memref<2x8x128xi32, #tpu.memory_space<vmem>> -> memref<1x1x128xi32, #tpu.memory_space<vmem>>
    %dma_start3A_79 = tpu.memref_squeeze %dma_start3A_78 : memref<1x1x128xi32, #tpu.memory_space<vmem>> -> memref<128xi32, #tpu.memory_space<vmem>>
    %dma_start3A_80 = arith.constant 0 : i32
    %dma_start3A_81 = arith.constant 0 : i32
    %dma_start3A_82 = tpu.memref_slice %arg2[%dma_start3A_80, %dma_start3A_81] : memref<10240x128xf32, #tpu.memory_space<hbm>> -> memref<10240x128xf32, #tpu.memory_space<hbm>>
    tpu.enqueue_indirect_dma source(%dma_start3A_82 : memref<10240x128xf32, #tpu.memory_space<hbm>>) target(%dma_start3A_76 : memref<128x128xf32, #tpu.memory_space<vmem>>) offsets(%dma_start3A_79 : memref<128xi32, #tpu.memory_space<vmem>>) semaphore(%arg12 : memref<!tpu.dma_semaphore, #tpu.memory_space<semaphore_mem>>)
    %dma_start3A_83 = arith.constant 0 : i32
    %dma_start3A_84 = arith.constant 1 : i32
    %dma_start3A_85 = arith.constant 1 : i32
    %dma_start3A_86 = arith.constant 0 : i32
    %dma_start3A_87 = arith.constant 0 : i32
    %dma_start3A_88 = tpu.memref_slice %arg8[%dma_start3A_85, %dma_start3A_86, %dma_start3A_87] : memref<4x128x128xf32, #tpu.memory_space<vmem>> -> memref<1x128x128xf32, #tpu.memory_space<vmem>>
    %dma_start3A_89 = tpu.memref_squeeze %dma_start3A_88 : memref<1x128x128xf32, #tpu.memory_space<vmem>> -> memref<128x128xf32, #tpu.memory_space<vmem>>
    %dma_start3A_90 = arith.constant 0 : i32
    %dma_start3A_91 = tpu.memref_slice %arg6[%dma_start3A_83, %dma_start3A_84, %dma_start3A_90] : memref<2x8x128xi32, #tpu.memory_space<vmem>> -> memref<1x1x128xi32, #tpu.memory_space<vmem>>
    %dma_start3A_92 = tpu.memref_squeeze %dma_start3A_91 : memref<1x1x128xi32, #tpu.memory_space<vmem>> -> memref<128xi32, #tpu.memory_space<vmem>>
    %dma_start3A_93 = arith.constant 0 : i32
    %dma_start3A_94 = arith.constant 0 : i32
    %dma_start3A_95 = tpu.memref_slice %arg2[%dma_start3A_93, %dma_start3A_94] : memref<10240x128xf32, #tpu.memory_space<hbm>> -> memref<10240x128xf32, #tpu.memory_space<hbm>>
    tpu.enqueue_indirect_dma source(%dma_start3A_95 : memref<10240x128xf32, #tpu.memory_space<hbm>>) target(%dma_start3A_89 : memref<128x128xf32, #tpu.memory_space<vmem>>) offsets(%dma_start3A_92 : memref<128xi32, #tpu.memory_space<vmem>>) semaphore(%arg13 : memref<!tpu.dma_semaphore, #tpu.memory_space<semaphore_mem>>)
    %dma_start3A_96 = arith.constant 0 : i32
    %dma_start3A_97 = arith.constant 2 : i32
    %dma_start3A_98 = arith.constant 2 : i32
    %dma_start3A_99 = arith.constant 0 : i32
    %dma_start3A_100 = arith.constant 0 : i32
    %dma_start3A_101 = tpu.memref_slice %arg8[%dma_start3A_98, %dma_start3A_99, %dma_start3A_100] : memref<4x128x128xf32, #tpu.memory_space<vmem>> -> memref<1x128x128xf32, #tpu.memory_space<vmem>>
    %dma_start3A_102 = tpu.memref_squeeze %dma_start3A_101 : memref<1x128x128xf32, #tpu.memory_space<vmem>> -> memref<128x128xf32, #tpu.memory_space<vmem>>
    %dma_start3A_103 = arith.constant 0 : i32
    %dma_start3A_104 = tpu.memref_slice %arg6[%dma_start3A_96, %dma_start3A_97, %dma_start3A_103] : memref<2x8x128xi32, #tpu.memory_space<vmem>> -> memref<1x1x128xi32, #tpu.memory_space<vmem>>
    %dma_start3A_105 = tpu.memref_squeeze %dma_start3A_104 : memref<1x1x128xi32, #tpu.memory_space<vmem>> -> memref<128xi32, #tpu.memory_space<vmem>>
    %dma_start3A_106 = arith.constant 0 : i32
    %dma_start3A_107 = arith.constant 0 : i32
    %dma_start3A_108 = tpu.memref_slice %arg2[%dma_start3A_106, %dma_start3A_107] : memref<10240x128xf32, #tpu.memory_space<hbm>> -> memref<10240x128xf32, #tpu.memory_space<hbm>>
    tpu.enqueue_indirect_dma source(%dma_start3A_108 : memref<10240x128xf32, #tpu.memory_space<hbm>>) target(%dma_start3A_102 : memref<128x128xf32, #tpu.memory_space<vmem>>) offsets(%dma_start3A_105 : memref<128xi32, #tpu.memory_space<vmem>>) semaphore(%arg14 : memref<!tpu.dma_semaphore, #tpu.memory_space<semaphore_mem>>)
    %dma_start3A_109 = arith.constant 0 : i32
    %dma_start3A_110 = arith.constant 3 : i32
    %dma_start3A_111 = arith.constant 3 : i32
    %dma_start3A_112 = arith.constant 0 : i32
    %dma_start3A_113 = arith.constant 0 : i32
    %dma_start3A_114 = tpu.memref_slice %arg8[%dma_start3A_111, %dma_start3A_112, %dma_start3A_113] : memref<4x128x128xf32, #tpu.memory_space<vmem>> -> memref<1x128x128xf32, #tpu.memory_space<vmem>>
    %dma_start3A_115 = tpu.memref_squeeze %dma_start3A_114 : memref<1x128x128xf32, #tpu.memory_space<vmem>> -> memref<128x128xf32, #tpu.memory_space<vmem>>
    %dma_start3A_116 = arith.constant 0 : i32
    %dma_start3A_117 = tpu.memref_slice %arg6[%dma_start3A_109, %dma_start3A_110, %dma_start3A_116] : memref<2x8x128xi32, #tpu.memory_space<vmem>> -> memref<1x1x128xi32, #tpu.memory_space<vmem>>
    %dma_start3A_118 = tpu.memref_squeeze %dma_start3A_117 : memref<1x1x128xi32, #tpu.memory_space<vmem>> -> memref<128xi32, #tpu.memory_space<vmem>>
    %dma_start3A_119 = arith.constant 0 : i32
    %dma_start3A_120 = arith.constant 0 : i32
    %dma_start3A_121 = tpu.memref_slice %arg2[%dma_start3A_119, %dma_start3A_120] : memref<10240x128xf32, #tpu.memory_space<hbm>> -> memref<10240x128xf32, #tpu.memory_space<hbm>>
    tpu.enqueue_indirect_dma source(%dma_start3A_121 : memref<10240x128xf32, #tpu.memory_space<hbm>>) target(%dma_start3A_115 : memref<128x128xf32, #tpu.memory_space<vmem>>) offsets(%dma_start3A_118 : memref<128xi32, #tpu.memory_space<vmem>>) semaphore(%arg15 : memref<!tpu.dma_semaphore, #tpu.memory_space<semaphore_mem>>)
    %scan3A_122 = arith.constant 0 : i32
    %scan3A_123 = arith.constant 10 : i32
    %scan3A_124 = arith.addi %scan3A_122, %scan3A_123 : i32
    %scan3A_125 = arith.constant 1 : i32
    scf.for %scan3A_128 = %scan3A_122 to %scan3A_124 step %scan3A_125  : i32 {
      %mul3A_129 = arith.constant 2 : i32
      %mul3A_130 = arith.muli %scan3A_128, %mul3A_129 : i32
      %add3A_131 = arith.constant 0 : i32
      %add3A_132 = arith.addi %add3A_131, %mul3A_130 : i32
      %mul3A_133 = arith.constant 8 : i32
      %mul3A_134 = arith.muli %add3A_132, %mul3A_133 : i32
      %add3A_135 = arith.constant 0 : i32
      %add3A_136 = arith.addi %mul3A_134, %add3A_135 : i32
      %dma_wait3A_137 = arith.constant 0 : i32
      %dma_wait3A_138 = arith.constant 0 : i32
      %dma_wait3A_139 = arith.constant 0 : i32
      %dma_wait3A_140 = arith.constant 0 : i32
      %dma_wait3A_141 = arith.constant 0 : i32
      %dma_wait3A_142 = tpu.memref_slice %arg8[%dma_wait3A_139, %dma_wait3A_140, %dma_wait3A_141] : memref<4x128x128xf32, #tpu.memory_space<vmem>> -> memref<1x128x128xf32, #tpu.memory_space<vmem>>
      %dma_wait3A_143 = tpu.memref_squeeze %dma_wait3A_142 : memref<1x128x128xf32, #tpu.memory_space<vmem>> -> memref<128x128xf32, #tpu.memory_space<vmem>>
      %dma_wait3A_144 = arith.constant 0 : i32
      %dma_wait3A_145 = tpu.memref_slice %arg6[%dma_wait3A_137, %dma_wait3A_138, %dma_wait3A_144] : memref<2x8x128xi32, #tpu.memory_space<vmem>> -> memref<1x1x128xi32, #tpu.memory_space<vmem>>
      %dma_wait3A_146 = tpu.memref_squeeze %dma_wait3A_145 : memref<1x1x128xi32, #tpu.memory_space<vmem>> -> memref<128xi32, #tpu.memory_space<vmem>>
      %dma_wait3A_147 = arith.constant 0 : i32
      %dma_wait3A_148 = arith.constant 0 : i32
      %dma_wait3A_149 = tpu.memref_slice %arg2[%dma_wait3A_147, %dma_wait3A_148] : memref<10240x128xf32, #tpu.memory_space<hbm>> -> memref<10240x128xf32, #tpu.memory_space<hbm>>
      tpu.wait_indirect_dma semaphore(%arg12 : memref<!tpu.dma_semaphore, #tpu.memory_space<semaphore_mem>>) src(%dma_wait3A_149 : memref<10240x128xf32, #tpu.memory_space<hbm>>) dst(%dma_wait3A_143 : memref<128x128xf32, #tpu.memory_space<vmem>>)
      %dma_start3A_150 = arith.constant 0 : i32
      %dma_start3A_151 = arith.constant 0 : i32
      %dma_start3A_152 = arith.constant 0 : i32
      %dma_start3A_153 = tpu.memref_slice %arg8[%dma_start3A_150, %dma_start3A_151, %dma_start3A_152] : memref<4x128x128xf32, #tpu.memory_space<vmem>> -> memref<1x128x128xf32, #tpu.memory_space<vmem>>
      %dma_start3A_154 = tpu.memref_squeeze %dma_start3A_153 : memref<1x128x128xf32, #tpu.memory_space<vmem>> -> memref<128x128xf32, #tpu.memory_space<vmem>>
      %dma_start3A_155 = arith.constant 0 : i32
      %dma_start3A_156 = tpu.memref_slice %arg7[%add3A_136, %dma_start3A_155] : memref<160x128xi32, #tpu.memory_space<vmem>> -> memref<1x128xi32, #tpu.memory_space<vmem>>
      %dma_start3A_157 = tpu.memref_squeeze %dma_start3A_156 : memref<1x128xi32, #tpu.memory_space<vmem>> -> memref<128xi32, #tpu.memory_space<vmem>>
      %dma_start3A_158 = arith.constant 0 : i32
      %dma_start3A_159 = arith.constant 0 : i32
      %dma_start3A_160 = tpu.memref_slice %arg9[%dma_start3A_158, %dma_start3A_159] : memref<5248x128xf32, #tpu.memory_space<vmem_shared>> -> memref<5248x128xf32, #tpu.memory_space<vmem_shared>>
      tpu.enqueue_indirect_dma source(%dma_start3A_154 : memref<128x128xf32, #tpu.memory_space<vmem>>) target(%dma_start3A_160 : memref<5248x128xf32, #tpu.memory_space<vmem_shared>>) offsets(%dma_start3A_157 : memref<128xi32, #tpu.memory_space<vmem>>) semaphore(%arg16 : memref<!tpu.dma_semaphore, #tpu.memory_space<semaphore_mem>>) {add = true}
      %dma_wait3A_161 = arith.constant 0 : i32
      %dma_wait3A_162 = arith.constant 0 : i32
      %dma_wait3A_163 = arith.constant 0 : i32
      %dma_wait3A_164 = tpu.memref_slice %arg8[%dma_wait3A_161, %dma_wait3A_162, %dma_wait3A_163] : memref<4x128x128xf32, #tpu.memory_space<vmem>> -> memref<1x128x128xf32, #tpu.memory_space<vmem>>
      %dma_wait3A_165 = tpu.memref_squeeze %dma_wait3A_164 : memref<1x128x128xf32, #tpu.memory_space<vmem>> -> memref<128x128xf32, #tpu.memory_space<vmem>>
      %dma_wait3A_166 = arith.constant 0 : i32
      %dma_wait3A_167 = tpu.memref_slice %arg7[%add3A_136, %dma_wait3A_166] : memref<160x128xi32, #tpu.memory_space<vmem>> -> memref<1x128xi32, #tpu.memory_space<vmem>>
      %dma_wait3A_168 = tpu.memref_squeeze %dma_wait3A_167 : memref<1x128xi32, #tpu.memory_space<vmem>> -> memref<128xi32, #tpu.memory_space<vmem>>
      %dma_wait3A_169 = arith.constant 0 : i32
      %dma_wait3A_170 = arith.constant 0 : i32
      %dma_wait3A_171 = tpu.memref_slice %arg9[%dma_wait3A_169, %dma_wait3A_170] : memref<5248x128xf32, #tpu.memory_space<vmem_shared>> -> memref<5248x128xf32, #tpu.memory_space<vmem_shared>>
      tpu.wait_indirect_dma semaphore(%arg16 : memref<!tpu.dma_semaphore, #tpu.memory_space<semaphore_mem>>) src(%dma_wait3A_165 : memref<128x128xf32, #tpu.memory_space<vmem>>) dst(%dma_wait3A_171 : memref<5248x128xf32, #tpu.memory_space<vmem_shared>>)
      %add3A_172 = arith.constant 4 : i32
      %add3A_173 = arith.addi %add3A_136, %add3A_172 : i32
      %lt3A = arith.constant 160 : i32
      %lt3A_174 = arith.cmpi slt, %add3A_173, %lt3A : i32
      %convert_element_type3A = arith.extui %lt3A_174 : i1 to i32
      %cond3A = arith.constant 0 : i32
      %cond3A_175 = arith.cmpi ne, %convert_element_type3A, %cond3A : i32
      scf.if %cond3A_175 {
        %dma_start3A_888 = arith.constant 0 : i32
        %dma_start3A_889 = arith.constant 4 : i32
        %dma_start3A_890 = arith.constant 0 : i32
        %dma_start3A_891 = arith.constant 0 : i32
        %dma_start3A_892 = arith.constant 0 : i32
        %dma_start3A_893 = tpu.memref_slice %arg8[%dma_start3A_890, %dma_start3A_891, %dma_start3A_892] : memref<4x128x128xf32, #tpu.memory_space<vmem>> -> memref<1x128x128xf32, #tpu.memory_space<vmem>>
        %dma_start3A_894 = tpu.memref_squeeze %dma_start3A_893 : memref<1x128x128xf32, #tpu.memory_space<vmem>> -> memref<128x128xf32, #tpu.memory_space<vmem>>
        %dma_start3A_895 = arith.constant 0 : i32
        %dma_start3A_896 = tpu.memref_slice %arg6[%dma_start3A_888, %dma_start3A_889, %dma_start3A_895] : memref<2x8x128xi32, #tpu.memory_space<vmem>> -> memref<1x1x128xi32, #tpu.memory_space<vmem>>
        %dma_start3A_897 = tpu.memref_squeeze %dma_start3A_896 : memref<1x1x128xi32, #tpu.memory_space<vmem>> -> memref<128xi32, #tpu.memory_space<vmem>>
        %dma_start3A_898 = arith.constant 0 : i32
        %dma_start3A_899 = arith.constant 0 : i32
        %dma_start3A_900 = tpu.memref_slice %arg2[%dma_start3A_898, %dma_start3A_899] : memref<10240x128xf32, #tpu.memory_space<hbm>> -> memref<10240x128xf32, #tpu.memory_space<hbm>>
        tpu.enqueue_indirect_dma source(%dma_start3A_900 : memref<10240x128xf32, #tpu.memory_space<hbm>>) target(%dma_start3A_894 : memref<128x128xf32, #tpu.memory_space<vmem>>) offsets(%dma_start3A_897 : memref<128xi32, #tpu.memory_space<vmem>>) semaphore(%arg12 : memref<!tpu.dma_semaphore, #tpu.memory_space<semaphore_mem>>)
      } else {
      }
      %mul3A_176 = arith.constant 8 : i32
      %mul3A_177 = arith.muli %add3A_132, %mul3A_176 : i32
      %add3A_178 = arith.constant 1 : i32
      %add3A_179 = arith.addi %mul3A_177, %add3A_178 : i32
      %dma_wait3A_180 = arith.constant 0 : i32
      %dma_wait3A_181 = arith.constant 1 : i32
      %dma_wait3A_182 = arith.constant 1 : i32
      %dma_wait3A_183 = arith.constant 0 : i32
      %dma_wait3A_184 = arith.constant 0 : i32
      %dma_wait3A_185 = tpu.memref_slice %arg8[%dma_wait3A_182, %dma_wait3A_183, %dma_wait3A_184] : memref<4x128x128xf32, #tpu.memory_space<vmem>> -> memref<1x128x128xf32, #tpu.memory_space<vmem>>
      %dma_wait3A_186 = tpu.memref_squeeze %dma_wait3A_185 : memref<1x128x128xf32, #tpu.memory_space<vmem>> -> memref<128x128xf32, #tpu.memory_space<vmem>>
      %dma_wait3A_187 = arith.constant 0 : i32
      %dma_wait3A_188 = tpu.memref_slice %arg6[%dma_wait3A_180, %dma_wait3A_181, %dma_wait3A_187] : memref<2x8x128xi32, #tpu.memory_space<vmem>> -> memref<1x1x128xi32, #tpu.memory_space<vmem>>
      %dma_wait3A_189 = tpu.memref_squeeze %dma_wait3A_188 : memref<1x1x128xi32, #tpu.memory_space<vmem>> -> memref<128xi32, #tpu.memory_space<vmem>>
      %dma_wait3A_190 = arith.constant 0 : i32
      %dma_wait3A_191 = arith.constant 0 : i32
      %dma_wait3A_192 = tpu.memref_slice %arg2[%dma_wait3A_190, %dma_wait3A_191] : memref<10240x128xf32, #tpu.memory_space<hbm>> -> memref<10240x128xf32, #tpu.memory_space<hbm>>
      tpu.wait_indirect_dma semaphore(%arg13 : memref<!tpu.dma_semaphore, #tpu.memory_space<semaphore_mem>>) src(%dma_wait3A_192 : memref<10240x128xf32, #tpu.memory_space<hbm>>) dst(%dma_wait3A_186 : memref<128x128xf32, #tpu.memory_space<vmem>>)
      %dma_start3A_193 = arith.constant 1 : i32
      %dma_start3A_194 = arith.constant 0 : i32
      %dma_start3A_195 = arith.constant 0 : i32
      %dma_start3A_196 = tpu.memref_slice %arg8[%dma_start3A_193, %dma_start3A_194, %dma_start3A_195] : memref<4x128x128xf32, #tpu.memory_space<vmem>> -> memref<1x128x128xf32, #tpu.memory_space<vmem>>
      %dma_start3A_197 = tpu.memref_squeeze %dma_start3A_196 : memref<1x128x128xf32, #tpu.memory_space<vmem>> -> memref<128x128xf32, #tpu.memory_space<vmem>>
      %dma_start3A_198 = arith.constant 0 : i32
      %dma_start3A_199 = tpu.memref_slice %arg7[%add3A_179, %dma_start3A_198] : memref<160x128xi32, #tpu.memory_space<vmem>> -> memref<1x128xi32, #tpu.memory_space<vmem>>
      %dma_start3A_200 = tpu.memref_squeeze %dma_start3A_199 : memref<1x128xi32, #tpu.memory_space<vmem>> -> memref<128xi32, #tpu.memory_space<vmem>>
      %dma_start3A_201 = arith.constant 0 : i32
      %dma_start3A_202 = arith.constant 0 : i32
      %dma_start3A_203 = tpu.memref_slice %arg9[%dma_start3A_201, %dma_start3A_202] : memref<5248x128xf32, #tpu.memory_space<vmem_shared>> -> memref<5248x128xf32, #tpu.memory_space<vmem_shared>>
      tpu.enqueue_indirect_dma source(%dma_start3A_197 : memref<128x128xf32, #tpu.memory_space<vmem>>) target(%dma_start3A_203 : memref<5248x128xf32, #tpu.memory_space<vmem_shared>>) offsets(%dma_start3A_200 : memref<128xi32, #tpu.memory_space<vmem>>) semaphore(%arg17 : memref<!tpu.dma_semaphore, #tpu.memory_space<semaphore_mem>>) {add = true}
      %dma_wait3A_204 = arith.constant 1 : i32
      %dma_wait3A_205 = arith.constant 0 : i32
      %dma_wait3A_206 = arith.constant 0 : i32
      %dma_wait3A_207 = tpu.memref_slice %arg8[%dma_wait3A_204, %dma_wait3A_205, %dma_wait3A_206] : memref<4x128x128xf32, #tpu.memory_space<vmem>> -> memref<1x128x128xf32, #tpu.memory_space<vmem>>
      %dma_wait3A_208 = tpu.memref_squeeze %dma_wait3A_207 : memref<1x128x128xf32, #tpu.memory_space<vmem>> -> memref<128x128xf32, #tpu.memory_space<vmem>>
      %dma_wait3A_209 = arith.constant 0 : i32
      %dma_wait3A_210 = tpu.memref_slice %arg7[%add3A_179, %dma_wait3A_209] : memref<160x128xi32, #tpu.memory_space<vmem>> -> memref<1x128xi32, #tpu.memory_space<vmem>>
      %dma_wait3A_211 = tpu.memref_squeeze %dma_wait3A_210 : memref<1x128xi32, #tpu.memory_space<vmem>> -> memref<128xi32, #tpu.memory_space<vmem>>
      %dma_wait3A_212 = arith.constant 0 : i32
      %dma_wait3A_213 = arith.constant 0 : i32
      %dma_wait3A_214 = tpu.memref_slice %arg9[%dma_wait3A_212, %dma_wait3A_213] : memref<5248x128xf32, #tpu.memory_space<vmem_shared>> -> memref<5248x128xf32, #tpu.memory_space<vmem_shared>>
      tpu.wait_indirect_dma semaphore(%arg17 : memref<!tpu.dma_semaphore, #tpu.memory_space<semaphore_mem>>) src(%dma_wait3A_208 : memref<128x128xf32, #tpu.memory_space<vmem>>) dst(%dma_wait3A_214 : memref<5248x128xf32, #tpu.memory_space<vmem_shared>>)
      %add3A_215 = arith.constant 4 : i32
      %add3A_216 = arith.addi %add3A_179, %add3A_215 : i32
      %lt3A_217 = arith.constant 160 : i32
      %lt3A_218 = arith.cmpi slt, %add3A_216, %lt3A_217 : i32
      %convert_element_type3A_219 = arith.extui %lt3A_218 : i1 to i32
      %cond3A_220 = arith.constant 0 : i32
      %cond3A_221 = arith.cmpi ne, %convert_element_type3A_219, %cond3A_220 : i32
      scf.if %cond3A_221 {
        %dma_start3A_888 = arith.constant 0 : i32
        %dma_start3A_889 = arith.constant 5 : i32
        %dma_start3A_890 = arith.constant 1 : i32
        %dma_start3A_891 = arith.constant 0 : i32
        %dma_start3A_892 = arith.constant 0 : i32
        %dma_start3A_893 = tpu.memref_slice %arg8[%dma_start3A_890, %dma_start3A_891, %dma_start3A_892] : memref<4x128x128xf32, #tpu.memory_space<vmem>> -> memref<1x128x128xf32, #tpu.memory_space<vmem>>
        %dma_start3A_894 = tpu.memref_squeeze %dma_start3A_893 : memref<1x128x128xf32, #tpu.memory_space<vmem>> -> memref<128x128xf32, #tpu.memory_space<vmem>>
        %dma_start3A_895 = arith.constant 0 : i32
        %dma_start3A_896 = tpu.memref_slice %arg6[%dma_start3A_888, %dma_start3A_889, %dma_start3A_895] : memref<2x8x128xi32, #tpu.memory_space<vmem>> -> memref<1x1x128xi32, #tpu.memory_space<vmem>>
        %dma_start3A_897 = tpu.memref_squeeze %dma_start3A_896 : memref<1x1x128xi32, #tpu.memory_space<vmem>> -> memref<128xi32, #tpu.memory_space<vmem>>
        %dma_start3A_898 = arith.constant 0 : i32
        %dma_start3A_899 = arith.constant 0 : i32
        %dma_start3A_900 = tpu.memref_slice %arg2[%dma_start3A_898, %dma_start3A_899] : memref<10240x128xf32, #tpu.memory_space<hbm>> -> memref<10240x128xf32, #tpu.memory_space<hbm>>
        tpu.enqueue_indirect_dma source(%dma_start3A_900 : memref<10240x128xf32, #tpu.memory_space<hbm>>) target(%dma_start3A_894 : memref<128x128xf32, #tpu.memory_space<vmem>>) offsets(%dma_start3A_897 : memref<128xi32, #tpu.memory_space<vmem>>) semaphore(%arg13 : memref<!tpu.dma_semaphore, #tpu.memory_space<semaphore_mem>>)
      } else {
      }
      %mul3A_222 = arith.constant 8 : i32
      %mul3A_223 = arith.muli %add3A_132, %mul3A_222 : i32
      %add3A_224 = arith.constant 2 : i32
      %add3A_225 = arith.addi %mul3A_223, %add3A_224 : i32
      %dma_wait3A_226 = arith.constant 0 : i32
      %dma_wait3A_227 = arith.constant 2 : i32
      %dma_wait3A_228 = arith.constant 2 : i32
      %dma_wait3A_229 = arith.constant 0 : i32
      %dma_wait3A_230 = arith.constant 0 : i32
      %dma_wait3A_231 = tpu.memref_slice %arg8[%dma_wait3A_228, %dma_wait3A_229, %dma_wait3A_230] : memref<4x128x128xf32, #tpu.memory_space<vmem>> -> memref<1x128x128xf32, #tpu.memory_space<vmem>>
      %dma_wait3A_232 = tpu.memref_squeeze %dma_wait3A_231 : memref<1x128x128xf32, #tpu.memory_space<vmem>> -> memref<128x128xf32, #tpu.memory_space<vmem>>
      %dma_wait3A_233 = arith.constant 0 : i32
      %dma_wait3A_234 = tpu.memref_slice %arg6[%dma_wait3A_226, %dma_wait3A_227, %dma_wait3A_233] : memref<2x8x128xi32, #tpu.memory_space<vmem>> -> memref<1x1x128xi32, #tpu.memory_space<vmem>>
      %dma_wait3A_235 = tpu.memref_squeeze %dma_wait3A_234 : memref<1x1x128xi32, #tpu.memory_space<vmem>> -> memref<128xi32, #tpu.memory_space<vmem>>
      %dma_wait3A_236 = arith.constant 0 : i32
      %dma_wait3A_237 = arith.constant 0 : i32
      %dma_wait3A_238 = tpu.memref_slice %arg2[%dma_wait3A_236, %dma_wait3A_237] : memref<10240x128xf32, #tpu.memory_space<hbm>> -> memref<10240x128xf32, #tpu.memory_space<hbm>>
      tpu.wait_indirect_dma semaphore(%arg14 : memref<!tpu.dma_semaphore, #tpu.memory_space<semaphore_mem>>) src(%dma_wait3A_238 : memref<10240x128xf32, #tpu.memory_space<hbm>>) dst(%dma_wait3A_232 : memref<128x128xf32, #tpu.memory_space<vmem>>)
      %dma_start3A_239 = arith.constant 2 : i32
      %dma_start3A_240 = arith.constant 0 : i32
      %dma_start3A_241 = arith.constant 0 : i32
      %dma_start3A_242 = tpu.memref_slice %arg8[%dma_start3A_239, %dma_start3A_240, %dma_start3A_241] : memref<4x128x128xf32, #tpu.memory_space<vmem>> -> memref<1x128x128xf32, #tpu.memory_space<vmem>>
      %dma_start3A_243 = tpu.memref_squeeze %dma_start3A_242 : memref<1x128x128xf32, #tpu.memory_space<vmem>> -> memref<128x128xf32, #tpu.memory_space<vmem>>
      %dma_start3A_244 = arith.constant 0 : i32
      %dma_start3A_245 = tpu.memref_slice %arg7[%add3A_225, %dma_start3A_244] : memref<160x128xi32, #tpu.memory_space<vmem>> -> memref<1x128xi32, #tpu.memory_space<vmem>>
      %dma_start3A_246 = tpu.memref_squeeze %dma_start3A_245 : memref<1x128xi32, #tpu.memory_space<vmem>> -> memref<128xi32, #tpu.memory_space<vmem>>
      %dma_start3A_247 = arith.constant 0 : i32
      %dma_start3A_248 = arith.constant 0 : i32
      %dma_start3A_249 = tpu.memref_slice %arg9[%dma_start3A_247, %dma_start3A_248] : memref<5248x128xf32, #tpu.memory_space<vmem_shared>> -> memref<5248x128xf32, #tpu.memory_space<vmem_shared>>
      tpu.enqueue_indirect_dma source(%dma_start3A_243 : memref<128x128xf32, #tpu.memory_space<vmem>>) target(%dma_start3A_249 : memref<5248x128xf32, #tpu.memory_space<vmem_shared>>) offsets(%dma_start3A_246 : memref<128xi32, #tpu.memory_space<vmem>>) semaphore(%arg18 : memref<!tpu.dma_semaphore, #tpu.memory_space<semaphore_mem>>) {add = true}
      %dma_wait3A_250 = arith.constant 2 : i32
      %dma_wait3A_251 = arith.constant 0 : i32
      %dma_wait3A_252 = arith.constant 0 : i32
      %dma_wait3A_253 = tpu.memref_slice %arg8[%dma_wait3A_250, %dma_wait3A_251, %dma_wait3A_252] : memref<4x128x128xf32, #tpu.memory_space<vmem>> -> memref<1x128x128xf32, #tpu.memory_space<vmem>>
      %dma_wait3A_254 = tpu.memref_squeeze %dma_wait3A_253 : memref<1x128x128xf32, #tpu.memory_space<vmem>> -> memref<128x128xf32, #tpu.memory_space<vmem>>
      %dma_wait3A_255 = arith.constant 0 : i32
      %dma_wait3A_256 = tpu.memref_slice %arg7[%add3A_225, %dma_wait3A_255] : memref<160x128xi32, #tpu.memory_space<vmem>> -> memref<1x128xi32, #tpu.memory_space<vmem>>
      %dma_wait3A_257 = tpu.memref_squeeze %dma_wait3A_256 : memref<1x128xi32, #tpu.memory_space<vmem>> -> memref<128xi32, #tpu.memory_space<vmem>>
      %dma_wait3A_258 = arith.constant 0 : i32
      %dma_wait3A_259 = arith.constant 0 : i32
      %dma_wait3A_260 = tpu.memref_slice %arg9[%dma_wait3A_258, %dma_wait3A_259] : memref<5248x128xf32, #tpu.memory_space<vmem_shared>> -> memref<5248x128xf32, #tpu.memory_space<vmem_shared>>
      tpu.wait_indirect_dma semaphore(%arg18 : memref<!tpu.dma_semaphore, #tpu.memory_space<semaphore_mem>>) src(%dma_wait3A_254 : memref<128x128xf32, #tpu.memory_space<vmem>>) dst(%dma_wait3A_260 : memref<5248x128xf32, #tpu.memory_space<vmem_shared>>)
      %add3A_261 = arith.constant 4 : i32
      %add3A_262 = arith.addi %add3A_225, %add3A_261 : i32
      %lt3A_263 = arith.constant 160 : i32
      %lt3A_264 = arith.cmpi slt, %add3A_262, %lt3A_263 : i32
      %convert_element_type3A_265 = arith.extui %lt3A_264 : i1 to i32
      %cond3A_266 = arith.constant 0 : i32
      %cond3A_267 = arith.cmpi ne, %convert_element_type3A_265, %cond3A_266 : i32
      scf.if %cond3A_267 {
        %dma_start3A_888 = arith.constant 0 : i32
        %dma_start3A_889 = arith.constant 6 : i32
        %dma_start3A_890 = arith.constant 2 : i32
        %dma_start3A_891 = arith.constant 0 : i32
        %dma_start3A_892 = arith.constant 0 : i32
        %dma_start3A_893 = tpu.memref_slice %arg8[%dma_start3A_890, %dma_start3A_891, %dma_start3A_892] : memref<4x128x128xf32, #tpu.memory_space<vmem>> -> memref<1x128x128xf32, #tpu.memory_space<vmem>>
        %dma_start3A_894 = tpu.memref_squeeze %dma_start3A_893 : memref<1x128x128xf32, #tpu.memory_space<vmem>> -> memref<128x128xf32, #tpu.memory_space<vmem>>
        %dma_start3A_895 = arith.constant 0 : i32
        %dma_start3A_896 = tpu.memref_slice %arg6[%dma_start3A_888, %dma_start3A_889, %dma_start3A_895] : memref<2x8x128xi32, #tpu.memory_space<vmem>> -> memref<1x1x128xi32, #tpu.memory_space<vmem>>
        %dma_start3A_897 = tpu.memref_squeeze %dma_start3A_896 : memref<1x1x128xi32, #tpu.memory_space<vmem>> -> memref<128xi32, #tpu.memory_space<vmem>>
        %dma_start3A_898 = arith.constant 0 : i32
        %dma_start3A_899 = arith.constant 0 : i32
        %dma_start3A_900 = tpu.memref_slice %arg2[%dma_start3A_898, %dma_start3A_899] : memref<10240x128xf32, #tpu.memory_space<hbm>> -> memref<10240x128xf32, #tpu.memory_space<hbm>>
        tpu.enqueue_indirect_dma source(%dma_start3A_900 : memref<10240x128xf32, #tpu.memory_space<hbm>>) target(%dma_start3A_894 : memref<128x128xf32, #tpu.memory_space<vmem>>) offsets(%dma_start3A_897 : memref<128xi32, #tpu.memory_space<vmem>>) semaphore(%arg14 : memref<!tpu.dma_semaphore, #tpu.memory_space<semaphore_mem>>)
      } else {
      }
      %mul3A_268 = arith.constant 8 : i32
      %mul3A_269 = arith.muli %add3A_132, %mul3A_268 : i32
      %add3A_270 = arith.constant 3 : i32
      %add3A_271 = arith.addi %mul3A_269, %add3A_270 : i32
      %dma_wait3A_272 = arith.constant 0 : i32
      %dma_wait3A_273 = arith.constant 3 : i32
      %dma_wait3A_274 = arith.constant 3 : i32
      %dma_wait3A_275 = arith.constant 0 : i32
      %dma_wait3A_276 = arith.constant 0 : i32
      %dma_wait3A_277 = tpu.memref_slice %arg8[%dma_wait3A_274, %dma_wait3A_275, %dma_wait3A_276] : memref<4x128x128xf32, #tpu.memory_space<vmem>> -> memref<1x128x128xf32, #tpu.memory_space<vmem>>
      %dma_wait3A_278 = tpu.memref_squeeze %dma_wait3A_277 : memref<1x128x128xf32, #tpu.memory_space<vmem>> -> memref<128x128xf32, #tpu.memory_space<vmem>>
      %dma_wait3A_279 = arith.constant 0 : i32
      %dma_wait3A_280 = tpu.memref_slice %arg6[%dma_wait3A_272, %dma_wait3A_273, %dma_wait3A_279] : memref<2x8x128xi32, #tpu.memory_space<vmem>> -> memref<1x1x128xi32, #tpu.memory_space<vmem>>
      %dma_wait3A_281 = tpu.memref_squeeze %dma_wait3A_280 : memref<1x1x128xi32, #tpu.memory_space<vmem>> -> memref<128xi32, #tpu.memory_space<vmem>>
      %dma_wait3A_282 = arith.constant 0 : i32
      %dma_wait3A_283 = arith.constant 0 : i32
      %dma_wait3A_284 = tpu.memref_slice %arg2[%dma_wait3A_282, %dma_wait3A_283] : memref<10240x128xf32, #tpu.memory_space<hbm>> -> memref<10240x128xf32, #tpu.memory_space<hbm>>
      tpu.wait_indirect_dma semaphore(%arg15 : memref<!tpu.dma_semaphore, #tpu.memory_space<semaphore_mem>>) src(%dma_wait3A_284 : memref<10240x128xf32, #tpu.memory_space<hbm>>) dst(%dma_wait3A_278 : memref<128x128xf32, #tpu.memory_space<vmem>>)
      %dma_start3A_285 = arith.constant 3 : i32
      %dma_start3A_286 = arith.constant 0 : i32
      %dma_start3A_287 = arith.constant 0 : i32
      %dma_start3A_288 = tpu.memref_slice %arg8[%dma_start3A_285, %dma_start3A_286, %dma_start3A_287] : memref<4x128x128xf32, #tpu.memory_space<vmem>> -> memref<1x128x128xf32, #tpu.memory_space<vmem>>
      %dma_start3A_289 = tpu.memref_squeeze %dma_start3A_288 : memref<1x128x128xf32, #tpu.memory_space<vmem>> -> memref<128x128xf32, #tpu.memory_space<vmem>>
      %dma_start3A_290 = arith.constant 0 : i32
      %dma_start3A_291 = tpu.memref_slice %arg7[%add3A_271, %dma_start3A_290] : memref<160x128xi32, #tpu.memory_space<vmem>> -> memref<1x128xi32, #tpu.memory_space<vmem>>
      %dma_start3A_292 = tpu.memref_squeeze %dma_start3A_291 : memref<1x128xi32, #tpu.memory_space<vmem>> -> memref<128xi32, #tpu.memory_space<vmem>>
      %dma_start3A_293 = arith.constant 0 : i32
      %dma_start3A_294 = arith.constant 0 : i32
      %dma_start3A_295 = tpu.memref_slice %arg9[%dma_start3A_293, %dma_start3A_294] : memref<5248x128xf32, #tpu.memory_space<vmem_shared>> -> memref<5248x128xf32, #tpu.memory_space<vmem_shared>>
      tpu.enqueue_indirect_dma source(%dma_start3A_289 : memref<128x128xf32, #tpu.memory_space<vmem>>) target(%dma_start3A_295 : memref<5248x128xf32, #tpu.memory_space<vmem_shared>>) offsets(%dma_start3A_292 : memref<128xi32, #tpu.memory_space<vmem>>) semaphore(%arg19 : memref<!tpu.dma_semaphore, #tpu.memory_space<semaphore_mem>>) {add = true}
      %dma_wait3A_296 = arith.constant 3 : i32
      %dma_wait3A_297 = arith.constant 0 : i32
      %dma_wait3A_298 = arith.constant 0 : i32
      %dma_wait3A_299 = tpu.memref_slice %arg8[%dma_wait3A_296, %dma_wait3A_297, %dma_wait3A_298] : memref<4x128x128xf32, #tpu.memory_space<vmem>> -> memref<1x128x128xf32, #tpu.memory_space<vmem>>
      %dma_wait3A_300 = tpu.memref_squeeze %dma_wait3A_299 : memref<1x128x128xf32, #tpu.memory_space<vmem>> -> memref<128x128xf32, #tpu.memory_space<vmem>>
      %dma_wait3A_301 = arith.constant 0 : i32
      %dma_wait3A_302 = tpu.memref_slice %arg7[%add3A_271, %dma_wait3A_301] : memref<160x128xi32, #tpu.memory_space<vmem>> -> memref<1x128xi32, #tpu.memory_space<vmem>>
      %dma_wait3A_303 = tpu.memref_squeeze %dma_wait3A_302 : memref<1x128xi32, #tpu.memory_space<vmem>> -> memref<128xi32, #tpu.memory_space<vmem>>
      %dma_wait3A_304 = arith.constant 0 : i32
      %dma_wait3A_305 = arith.constant 0 : i32
      %dma_wait3A_306 = tpu.memref_slice %arg9[%dma_wait3A_304, %dma_wait3A_305] : memref<5248x128xf32, #tpu.memory_space<vmem_shared>> -> memref<5248x128xf32, #tpu.memory_space<vmem_shared>>
      tpu.wait_indirect_dma semaphore(%arg19 : memref<!tpu.dma_semaphore, #tpu.memory_space<semaphore_mem>>) src(%dma_wait3A_300 : memref<128x128xf32, #tpu.memory_space<vmem>>) dst(%dma_wait3A_306 : memref<5248x128xf32, #tpu.memory_space<vmem_shared>>)
      %add3A_307 = arith.constant 4 : i32
      %add3A_308 = arith.addi %add3A_271, %add3A_307 : i32
      %lt3A_309 = arith.constant 160 : i32
      %lt3A_310 = arith.cmpi slt, %add3A_308, %lt3A_309 : i32
      %convert_element_type3A_311 = arith.extui %lt3A_310 : i1 to i32
      %cond3A_312 = arith.constant 0 : i32
      %cond3A_313 = arith.cmpi ne, %convert_element_type3A_311, %cond3A_312 : i32
      scf.if %cond3A_313 {
        %dma_start3A_888 = arith.constant 0 : i32
        %dma_start3A_889 = arith.constant 7 : i32
        %dma_start3A_890 = arith.constant 3 : i32
        %dma_start3A_891 = arith.constant 0 : i32
        %dma_start3A_892 = arith.constant 0 : i32
        %dma_start3A_893 = tpu.memref_slice %arg8[%dma_start3A_890, %dma_start3A_891, %dma_start3A_892] : memref<4x128x128xf32, #tpu.memory_space<vmem>> -> memref<1x128x128xf32, #tpu.memory_space<vmem>>
        %dma_start3A_894 = tpu.memref_squeeze %dma_start3A_893 : memref<1x128x128xf32, #tpu.memory_space<vmem>> -> memref<128x128xf32, #tpu.memory_space<vmem>>
        %dma_start3A_895 = arith.constant 0 : i32
        %dma_start3A_896 = tpu.memref_slice %arg6[%dma_start3A_888, %dma_start3A_889, %dma_start3A_895] : memref<2x8x128xi32, #tpu.memory_space<vmem>> -> memref<1x1x128xi32, #tpu.memory_space<vmem>>
        %dma_start3A_897 = tpu.memref_squeeze %dma_start3A_896 : memref<1x1x128xi32, #tpu.memory_space<vmem>> -> memref<128xi32, #tpu.memory_space<vmem>>
        %dma_start3A_898 = arith.constant 0 : i32
        %dma_start3A_899 = arith.constant 0 : i32
        %dma_start3A_900 = tpu.memref_slice %arg2[%dma_start3A_898, %dma_start3A_899] : memref<10240x128xf32, #tpu.memory_space<hbm>> -> memref<10240x128xf32, #tpu.memory_space<hbm>>
        tpu.enqueue_indirect_dma source(%dma_start3A_900 : memref<10240x128xf32, #tpu.memory_space<hbm>>) target(%dma_start3A_894 : memref<128x128xf32, #tpu.memory_space<vmem>>) offsets(%dma_start3A_897 : memref<128xi32, #tpu.memory_space<vmem>>) semaphore(%arg15 : memref<!tpu.dma_semaphore, #tpu.memory_space<semaphore_mem>>)
      } else {
      }
      %mul3A_314 = arith.constant 8 : i32
      %mul3A_315 = arith.muli %add3A_132, %mul3A_314 : i32
      %add3A_316 = arith.constant 4 : i32
      %add3A_317 = arith.addi %mul3A_315, %add3A_316 : i32
      %dma_wait3A_318 = arith.constant 0 : i32
      %dma_wait3A_319 = arith.constant 4 : i32
      %dma_wait3A_320 = arith.constant 0 : i32
      %dma_wait3A_321 = arith.constant 0 : i32
      %dma_wait3A_322 = arith.constant 0 : i32
      %dma_wait3A_323 = tpu.memref_slice %arg8[%dma_wait3A_320, %dma_wait3A_321, %dma_wait3A_322] : memref<4x128x128xf32, #tpu.memory_space<vmem>> -> memref<1x128x128xf32, #tpu.memory_space<vmem>>
      %dma_wait3A_324 = tpu.memref_squeeze %dma_wait3A_323 : memref<1x128x128xf32, #tpu.memory_space<vmem>> -> memref<128x128xf32, #tpu.memory_space<vmem>>
      %dma_wait3A_325 = arith.constant 0 : i32
      %dma_wait3A_326 = tpu.memref_slice %arg6[%dma_wait3A_318, %dma_wait3A_319, %dma_wait3A_325] : memref<2x8x128xi32, #tpu.memory_space<vmem>> -> memref<1x1x128xi32, #tpu.memory_space<vmem>>
      %dma_wait3A_327 = tpu.memref_squeeze %dma_wait3A_326 : memref<1x1x128xi32, #tpu.memory_space<vmem>> -> memref<128xi32, #tpu.memory_space<vmem>>
      %dma_wait3A_328 = arith.constant 0 : i32
      %dma_wait3A_329 = arith.constant 0 : i32
      %dma_wait3A_330 = tpu.memref_slice %arg2[%dma_wait3A_328, %dma_wait3A_329] : memref<10240x128xf32, #tpu.memory_space<hbm>> -> memref<10240x128xf32, #tpu.memory_space<hbm>>
      tpu.wait_indirect_dma semaphore(%arg12 : memref<!tpu.dma_semaphore, #tpu.memory_space<semaphore_mem>>) src(%dma_wait3A_330 : memref<10240x128xf32, #tpu.memory_space<hbm>>) dst(%dma_wait3A_324 : memref<128x128xf32, #tpu.memory_space<vmem>>)
      %dma_start3A_331 = arith.constant 0 : i32
      %dma_start3A_332 = arith.constant 0 : i32
      %dma_start3A_333 = arith.constant 0 : i32
      %dma_start3A_334 = tpu.memref_slice %arg8[%dma_start3A_331, %dma_start3A_332, %dma_start3A_333] : memref<4x128x128xf32, #tpu.memory_space<vmem>> -> memref<1x128x128xf32, #tpu.memory_space<vmem>>
      %dma_start3A_335 = tpu.memref_squeeze %dma_start3A_334 : memref<1x128x128xf32, #tpu.memory_space<vmem>> -> memref<128x128xf32, #tpu.memory_space<vmem>>
      %dma_start3A_336 = arith.constant 0 : i32
      %dma_start3A_337 = tpu.memref_slice %arg7[%add3A_317, %dma_start3A_336] : memref<160x128xi32, #tpu.memory_space<vmem>> -> memref<1x128xi32, #tpu.memory_space<vmem>>
      %dma_start3A_338 = tpu.memref_squeeze %dma_start3A_337 : memref<1x128xi32, #tpu.memory_space<vmem>> -> memref<128xi32, #tpu.memory_space<vmem>>
      %dma_start3A_339 = arith.constant 0 : i32
      %dma_start3A_340 = arith.constant 0 : i32
      %dma_start3A_341 = tpu.memref_slice %arg9[%dma_start3A_339, %dma_start3A_340] : memref<5248x128xf32, #tpu.memory_space<vmem_shared>> -> memref<5248x128xf32, #tpu.memory_space<vmem_shared>>
      tpu.enqueue_indirect_dma source(%dma_start3A_335 : memref<128x128xf32, #tpu.memory_space<vmem>>) target(%dma_start3A_341 : memref<5248x128xf32, #tpu.memory_space<vmem_shared>>) offsets(%dma_start3A_338 : memref<128xi32, #tpu.memory_space<vmem>>) semaphore(%arg16 : memref<!tpu.dma_semaphore, #tpu.memory_space<semaphore_mem>>) {add = true}
      %dma_wait3A_342 = arith.constant 0 : i32
      %dma_wait3A_343 = arith.constant 0 : i32
      %dma_wait3A_344 = arith.constant 0 : i32
      %dma_wait3A_345 = tpu.memref_slice %arg8[%dma_wait3A_342, %dma_wait3A_343, %dma_wait3A_344] : memref<4x128x128xf32, #tpu.memory_space<vmem>> -> memref<1x128x128xf32, #tpu.memory_space<vmem>>
      %dma_wait3A_346 = tpu.memref_squeeze %dma_wait3A_345 : memref<1x128x128xf32, #tpu.memory_space<vmem>> -> memref<128x128xf32, #tpu.memory_space<vmem>>
      %dma_wait3A_347 = arith.constant 0 : i32
      %dma_wait3A_348 = tpu.memref_slice %arg7[%add3A_317, %dma_wait3A_347] : memref<160x128xi32, #tpu.memory_space<vmem>> -> memref<1x128xi32, #tpu.memory_space<vmem>>
      %dma_wait3A_349 = tpu.memref_squeeze %dma_wait3A_348 : memref<1x128xi32, #tpu.memory_space<vmem>> -> memref<128xi32, #tpu.memory_space<vmem>>
      %dma_wait3A_350 = arith.constant 0 : i32
      %dma_wait3A_351 = arith.constant 0 : i32
      %dma_wait3A_352 = tpu.memref_slice %arg9[%dma_wait3A_350, %dma_wait3A_351] : memref<5248x128xf32, #tpu.memory_space<vmem_shared>> -> memref<5248x128xf32, #tpu.memory_space<vmem_shared>>
      tpu.wait_indirect_dma semaphore(%arg16 : memref<!tpu.dma_semaphore, #tpu.memory_space<semaphore_mem>>) src(%dma_wait3A_346 : memref<128x128xf32, #tpu.memory_space<vmem>>) dst(%dma_wait3A_352 : memref<5248x128xf32, #tpu.memory_space<vmem_shared>>)
      %lt3A_353 = arith.constant 19 : i32
      %lt3A_354 = arith.cmpi slt, %add3A_132, %lt3A_353 : i32
      %convert_element_type3A_355 = arith.extui %lt3A_354 : i1 to i32
      %cond3A_356 = arith.constant 0 : i32
      %cond3A_357 = arith.cmpi ne, %convert_element_type3A_355, %cond3A_356 : i32
      scf.if %cond3A_357 {
        %add3A_888 = arith.constant 1 : i32
        %add3A_889 = arith.addi %add3A_132, %add3A_888 : i32
        %mul3A_890 = arith.constant 8 : i32
        %mul3A_891 = arith.muli %add3A_889, %mul3A_890 : i32
        %dma_wait3A_892 = arith.constant 1 : i32
        %dma_wait3A_893 = arith.constant 0 : i32
        %dma_wait3A_894 = arith.constant 0 : i32
        %dma_wait3A_895 = tpu.memref_slice %arg6[%dma_wait3A_892, %dma_wait3A_893, %dma_wait3A_894] : memref<2x8x128xi32, #tpu.memory_space<vmem>> -> memref<1x8x128xi32, #tpu.memory_space<vmem>>
        %dma_wait3A_896 = tpu.memref_squeeze %dma_wait3A_895 : memref<1x8x128xi32, #tpu.memory_space<vmem>> -> memref<8x128xi32, #tpu.memory_space<vmem>>
        %dma_wait3A_897 = arith.constant 0 : i32
        %dma_wait3A_898 = tpu.memref_slice %arg3[%arg0, %arg1, %mul3A_891, %dma_wait3A_897] : memref<2x16x160x128xi32, #tpu.memory_space<hbm>> -> memref<1x1x8x128xi32, #tpu.memory_space<hbm>>
        %dma_wait3A_899 = tpu.memref_squeeze %dma_wait3A_898 : memref<1x1x8x128xi32, #tpu.memory_space<hbm>> -> memref<8x128xi32, #tpu.memory_space<hbm>>
        %dma_wait3A_900 = arith.constant 0 : i32
        %dma_wait3A_901 = arith.constant 0 : i32
        %dma_wait3A_902 = tpu.memref_slice %arg6[%dma_wait3A_892, %dma_wait3A_900, %dma_wait3A_901] : memref<2x8x128xi32, #tpu.memory_space<vmem>> -> memref<1x8x128xi32, #tpu.memory_space<vmem>>
        %dma_wait3A_903 = tpu.memref_squeeze %dma_wait3A_902 : memref<1x8x128xi32, #tpu.memory_space<vmem>> -> memref<8x128xi32, #tpu.memory_space<vmem>>
        %dma_wait3A_904 = arith.constant 0 : i32
        %dma_wait3A_905 = tpu.memref_slice %arg3[%arg0, %arg1, %mul3A_891, %dma_wait3A_904] : memref<2x16x160x128xi32, #tpu.memory_space<hbm>> -> memref<1x1x8x128xi32, #tpu.memory_space<hbm>>
        %dma_wait3A_906 = tpu.memref_squeeze %dma_wait3A_905 : memref<1x1x8x128xi32, #tpu.memory_space<hbm>> -> memref<8x128xi32, #tpu.memory_space<hbm>>
        tpu.wait_dma2 semaphore(%arg11 : memref<!tpu.dma_semaphore, #tpu.memory_space<semaphore_mem>>) src(%dma_wait3A_906 : memref<8x128xi32, #tpu.memory_space<hbm>>) dst(%dma_wait3A_903 : memref<8x128xi32, #tpu.memory_space<vmem>>)
      } else {
      }
      %add3A_358 = arith.constant 4 : i32
      %add3A_359 = arith.addi %add3A_317, %add3A_358 : i32
      %lt3A_360 = arith.constant 160 : i32
      %lt3A_361 = arith.cmpi slt, %add3A_359, %lt3A_360 : i32
      %convert_element_type3A_362 = arith.extui %lt3A_361 : i1 to i32
      %cond3A_363 = arith.constant 0 : i32
      %cond3A_364 = arith.cmpi ne, %convert_element_type3A_362, %cond3A_363 : i32
      scf.if %cond3A_364 {
        %dma_start3A_888 = arith.constant 1 : i32
        %dma_start3A_889 = arith.constant 0 : i32
        %dma_start3A_890 = arith.constant 0 : i32
        %dma_start3A_891 = arith.constant 0 : i32
        %dma_start3A_892 = arith.constant 0 : i32
        %dma_start3A_893 = tpu.memref_slice %arg8[%dma_start3A_890, %dma_start3A_891, %dma_start3A_892] : memref<4x128x128xf32, #tpu.memory_space<vmem>> -> memref<1x128x128xf32, #tpu.memory_space<vmem>>
        %dma_start3A_894 = tpu.memref_squeeze %dma_start3A_893 : memref<1x128x128xf32, #tpu.memory_space<vmem>> -> memref<128x128xf32, #tpu.memory_space<vmem>>
        %dma_start3A_895 = arith.constant 0 : i32
        %dma_start3A_896 = tpu.memref_slice %arg6[%dma_start3A_888, %dma_start3A_889, %dma_start3A_895] : memref<2x8x128xi32, #tpu.memory_space<vmem>> -> memref<1x1x128xi32, #tpu.memory_space<vmem>>
        %dma_start3A_897 = tpu.memref_squeeze %dma_start3A_896 : memref<1x1x128xi32, #tpu.memory_space<vmem>> -> memref<128xi32, #tpu.memory_space<vmem>>
        %dma_start3A_898 = arith.constant 0 : i32
        %dma_start3A_899 = arith.constant 0 : i32
        %dma_start3A_900 = tpu.memref_slice %arg2[%dma_start3A_898, %dma_start3A_899] : memref<10240x128xf32, #tpu.memory_space<hbm>> -> memref<10240x128xf32, #tpu.memory_space<hbm>>
        tpu.enqueue_indirect_dma source(%dma_start3A_900 : memref<10240x128xf32, #tpu.memory_space<hbm>>) target(%dma_start3A_894 : memref<128x128xf32, #tpu.memory_space<vmem>>) offsets(%dma_start3A_897 : memref<128xi32, #tpu.memory_space<vmem>>) semaphore(%arg12 : memref<!tpu.dma_semaphore, #tpu.memory_space<semaphore_mem>>)
      } else {
      }
      %mul3A_365 = arith.constant 8 : i32
      %mul3A_366 = arith.muli %add3A_132, %mul3A_365 : i32
      %add3A_367 = arith.constant 5 : i32
      %add3A_368 = arith.addi %mul3A_366, %add3A_367 : i32
      %dma_wait3A_369 = arith.constant 0 : i32
      %dma_wait3A_370 = arith.constant 5 : i32
      %dma_wait3A_371 = arith.constant 1 : i32
      %dma_wait3A_372 = arith.constant 0 : i32
      %dma_wait3A_373 = arith.constant 0 : i32
      %dma_wait3A_374 = tpu.memref_slice %arg8[%dma_wait3A_371, %dma_wait3A_372, %dma_wait3A_373] : memref<4x128x128xf32, #tpu.memory_space<vmem>> -> memref<1x128x128xf32, #tpu.memory_space<vmem>>
      %dma_wait3A_375 = tpu.memref_squeeze %dma_wait3A_374 : memref<1x128x128xf32, #tpu.memory_space<vmem>> -> memref<128x128xf32, #tpu.memory_space<vmem>>
      %dma_wait3A_376 = arith.constant 0 : i32
      %dma_wait3A_377 = tpu.memref_slice %arg6[%dma_wait3A_369, %dma_wait3A_370, %dma_wait3A_376] : memref<2x8x128xi32, #tpu.memory_space<vmem>> -> memref<1x1x128xi32, #tpu.memory_space<vmem>>
      %dma_wait3A_378 = tpu.memref_squeeze %dma_wait3A_377 : memref<1x1x128xi32, #tpu.memory_space<vmem>> -> memref<128xi32, #tpu.memory_space<vmem>>
      %dma_wait3A_379 = arith.constant 0 : i32
      %dma_wait3A_380 = arith.constant 0 : i32
      %dma_wait3A_381 = tpu.memref_slice %arg2[%dma_wait3A_379, %dma_wait3A_380] : memref<10240x128xf32, #tpu.memory_space<hbm>> -> memref<10240x128xf32, #tpu.memory_space<hbm>>
      tpu.wait_indirect_dma semaphore(%arg13 : memref<!tpu.dma_semaphore, #tpu.memory_space<semaphore_mem>>) src(%dma_wait3A_381 : memref<10240x128xf32, #tpu.memory_space<hbm>>) dst(%dma_wait3A_375 : memref<128x128xf32, #tpu.memory_space<vmem>>)
      %dma_start3A_382 = arith.constant 1 : i32
      %dma_start3A_383 = arith.constant 0 : i32
      %dma_start3A_384 = arith.constant 0 : i32
      %dma_start3A_385 = tpu.memref_slice %arg8[%dma_start3A_382, %dma_start3A_383, %dma_start3A_384] : memref<4x128x128xf32, #tpu.memory_space<vmem>> -> memref<1x128x128xf32, #tpu.memory_space<vmem>>
      %dma_start3A_386 = tpu.memref_squeeze %dma_start3A_385 : memref<1x128x128xf32, #tpu.memory_space<vmem>> -> memref<128x128xf32, #tpu.memory_space<vmem>>
      %dma_start3A_387 = arith.constant 0 : i32
      %dma_start3A_388 = tpu.memref_slice %arg7[%add3A_368, %dma_start3A_387] : memref<160x128xi32, #tpu.memory_space<vmem>> -> memref<1x128xi32, #tpu.memory_space<vmem>>
      %dma_start3A_389 = tpu.memref_squeeze %dma_start3A_388 : memref<1x128xi32, #tpu.memory_space<vmem>> -> memref<128xi32, #tpu.memory_space<vmem>>
      %dma_start3A_390 = arith.constant 0 : i32
      %dma_start3A_391 = arith.constant 0 : i32
      %dma_start3A_392 = tpu.memref_slice %arg9[%dma_start3A_390, %dma_start3A_391] : memref<5248x128xf32, #tpu.memory_space<vmem_shared>> -> memref<5248x128xf32, #tpu.memory_space<vmem_shared>>
      tpu.enqueue_indirect_dma source(%dma_start3A_386 : memref<128x128xf32, #tpu.memory_space<vmem>>) target(%dma_start3A_392 : memref<5248x128xf32, #tpu.memory_space<vmem_shared>>) offsets(%dma_start3A_389 : memref<128xi32, #tpu.memory_space<vmem>>) semaphore(%arg17 : memref<!tpu.dma_semaphore, #tpu.memory_space<semaphore_mem>>) {add = true}
      %dma_wait3A_393 = arith.constant 1 : i32
      %dma_wait3A_394 = arith.constant 0 : i32
      %dma_wait3A_395 = arith.constant 0 : i32
      %dma_wait3A_396 = tpu.memref_slice %arg8[%dma_wait3A_393, %dma_wait3A_394, %dma_wait3A_395] : memref<4x128x128xf32, #tpu.memory_space<vmem>> -> memref<1x128x128xf32, #tpu.memory_space<vmem>>
      %dma_wait3A_397 = tpu.memref_squeeze %dma_wait3A_396 : memref<1x128x128xf32, #tpu.memory_space<vmem>> -> memref<128x128xf32, #tpu.memory_space<vmem>>
      %dma_wait3A_398 = arith.constant 0 : i32
      %dma_wait3A_399 = tpu.memref_slice %arg7[%add3A_368, %dma_wait3A_398] : memref<160x128xi32, #tpu.memory_space<vmem>> -> memref<1x128xi32, #tpu.memory_space<vmem>>
      %dma_wait3A_400 = tpu.memref_squeeze %dma_wait3A_399 : memref<1x128xi32, #tpu.memory_space<vmem>> -> memref<128xi32, #tpu.memory_space<vmem>>
      %dma_wait3A_401 = arith.constant 0 : i32
      %dma_wait3A_402 = arith.constant 0 : i32
      %dma_wait3A_403 = tpu.memref_slice %arg9[%dma_wait3A_401, %dma_wait3A_402] : memref<5248x128xf32, #tpu.memory_space<vmem_shared>> -> memref<5248x128xf32, #tpu.memory_space<vmem_shared>>
      tpu.wait_indirect_dma semaphore(%arg17 : memref<!tpu.dma_semaphore, #tpu.memory_space<semaphore_mem>>) src(%dma_wait3A_397 : memref<128x128xf32, #tpu.memory_space<vmem>>) dst(%dma_wait3A_403 : memref<5248x128xf32, #tpu.memory_space<vmem_shared>>)
      %add3A_404 = arith.constant 4 : i32
      %add3A_405 = arith.addi %add3A_368, %add3A_404 : i32
      %lt3A_406 = arith.constant 160 : i32
      %lt3A_407 = arith.cmpi slt, %add3A_405, %lt3A_406 : i32
      %convert_element_type3A_408 = arith.extui %lt3A_407 : i1 to i32
      %cond3A_409 = arith.constant 0 : i32
      %cond3A_410 = arith.cmpi ne, %convert_element_type3A_408, %cond3A_409 : i32
      scf.if %cond3A_410 {
        %dma_start3A_888 = arith.constant 1 : i32
        %dma_start3A_889 = arith.constant 1 : i32
        %dma_start3A_890 = arith.constant 1 : i32
        %dma_start3A_891 = arith.constant 0 : i32
        %dma_start3A_892 = arith.constant 0 : i32
        %dma_start3A_893 = tpu.memref_slice %arg8[%dma_start3A_890, %dma_start3A_891, %dma_start3A_892] : memref<4x128x128xf32, #tpu.memory_space<vmem>> -> memref<1x128x128xf32, #tpu.memory_space<vmem>>
        %dma_start3A_894 = tpu.memref_squeeze %dma_start3A_893 : memref<1x128x128xf32, #tpu.memory_space<vmem>> -> memref<128x128xf32, #tpu.memory_space<vmem>>
        %dma_start3A_895 = arith.constant 0 : i32
        %dma_start3A_896 = tpu.memref_slice %arg6[%dma_start3A_888, %dma_start3A_889, %dma_start3A_895] : memref<2x8x128xi32, #tpu.memory_space<vmem>> -> memref<1x1x128xi32, #tpu.memory_space<vmem>>
        %dma_start3A_897 = tpu.memref_squeeze %dma_start3A_896 : memref<1x1x128xi32, #tpu.memory_space<vmem>> -> memref<128xi32, #tpu.memory_space<vmem>>
        %dma_start3A_898 = arith.constant 0 : i32
        %dma_start3A_899 = arith.constant 0 : i32
        %dma_start3A_900 = tpu.memref_slice %arg2[%dma_start3A_898, %dma_start3A_899] : memref<10240x128xf32, #tpu.memory_space<hbm>> -> memref<10240x128xf32, #tpu.memory_space<hbm>>
        tpu.enqueue_indirect_dma source(%dma_start3A_900 : memref<10240x128xf32, #tpu.memory_space<hbm>>) target(%dma_start3A_894 : memref<128x128xf32, #tpu.memory_space<vmem>>) offsets(%dma_start3A_897 : memref<128xi32, #tpu.memory_space<vmem>>) semaphore(%arg13 : memref<!tpu.dma_semaphore, #tpu.memory_space<semaphore_mem>>)
      } else {
      }
      %mul3A_411 = arith.constant 8 : i32
      %mul3A_412 = arith.muli %add3A_132, %mul3A_411 : i32
      %add3A_413 = arith.constant 6 : i32
      %add3A_414 = arith.addi %mul3A_412, %add3A_413 : i32
      %dma_wait3A_415 = arith.constant 0 : i32
      %dma_wait3A_416 = arith.constant 6 : i32
      %dma_wait3A_417 = arith.constant 2 : i32
      %dma_wait3A_418 = arith.constant 0 : i32
      %dma_wait3A_419 = arith.constant 0 : i32
      %dma_wait3A_420 = tpu.memref_slice %arg8[%dma_wait3A_417, %dma_wait3A_418, %dma_wait3A_419] : memref<4x128x128xf32, #tpu.memory_space<vmem>> -> memref<1x128x128xf32, #tpu.memory_space<vmem>>
      %dma_wait3A_421 = tpu.memref_squeeze %dma_wait3A_420 : memref<1x128x128xf32, #tpu.memory_space<vmem>> -> memref<128x128xf32, #tpu.memory_space<vmem>>
      %dma_wait3A_422 = arith.constant 0 : i32
      %dma_wait3A_423 = tpu.memref_slice %arg6[%dma_wait3A_415, %dma_wait3A_416, %dma_wait3A_422] : memref<2x8x128xi32, #tpu.memory_space<vmem>> -> memref<1x1x128xi32, #tpu.memory_space<vmem>>
      %dma_wait3A_424 = tpu.memref_squeeze %dma_wait3A_423 : memref<1x1x128xi32, #tpu.memory_space<vmem>> -> memref<128xi32, #tpu.memory_space<vmem>>
      %dma_wait3A_425 = arith.constant 0 : i32
      %dma_wait3A_426 = arith.constant 0 : i32
      %dma_wait3A_427 = tpu.memref_slice %arg2[%dma_wait3A_425, %dma_wait3A_426] : memref<10240x128xf32, #tpu.memory_space<hbm>> -> memref<10240x128xf32, #tpu.memory_space<hbm>>
      tpu.wait_indirect_dma semaphore(%arg14 : memref<!tpu.dma_semaphore, #tpu.memory_space<semaphore_mem>>) src(%dma_wait3A_427 : memref<10240x128xf32, #tpu.memory_space<hbm>>) dst(%dma_wait3A_421 : memref<128x128xf32, #tpu.memory_space<vmem>>)
      %dma_start3A_428 = arith.constant 2 : i32
      %dma_start3A_429 = arith.constant 0 : i32
      %dma_start3A_430 = arith.constant 0 : i32
      %dma_start3A_431 = tpu.memref_slice %arg8[%dma_start3A_428, %dma_start3A_429, %dma_start3A_430] : memref<4x128x128xf32, #tpu.memory_space<vmem>> -> memref<1x128x128xf32, #tpu.memory_space<vmem>>
      %dma_start3A_432 = tpu.memref_squeeze %dma_start3A_431 : memref<1x128x128xf32, #tpu.memory_space<vmem>> -> memref<128x128xf32, #tpu.memory_space<vmem>>
      %dma_start3A_433 = arith.constant 0 : i32
      %dma_start3A_434 = tpu.memref_slice %arg7[%add3A_414, %dma_start3A_433] : memref<160x128xi32, #tpu.memory_space<vmem>> -> memref<1x128xi32, #tpu.memory_space<vmem>>
      %dma_start3A_435 = tpu.memref_squeeze %dma_start3A_434 : memref<1x128xi32, #tpu.memory_space<vmem>> -> memref<128xi32, #tpu.memory_space<vmem>>
      %dma_start3A_436 = arith.constant 0 : i32
      %dma_start3A_437 = arith.constant 0 : i32
      %dma_start3A_438 = tpu.memref_slice %arg9[%dma_start3A_436, %dma_start3A_437] : memref<5248x128xf32, #tpu.memory_space<vmem_shared>> -> memref<5248x128xf32, #tpu.memory_space<vmem_shared>>
      tpu.enqueue_indirect_dma source(%dma_start3A_432 : memref<128x128xf32, #tpu.memory_space<vmem>>) target(%dma_start3A_438 : memref<5248x128xf32, #tpu.memory_space<vmem_shared>>) offsets(%dma_start3A_435 : memref<128xi32, #tpu.memory_space<vmem>>) semaphore(%arg18 : memref<!tpu.dma_semaphore, #tpu.memory_space<semaphore_mem>>) {add = true}
      %dma_wait3A_439 = arith.constant 2 : i32
      %dma_wait3A_440 = arith.constant 0 : i32
      %dma_wait3A_441 = arith.constant 0 : i32
      %dma_wait3A_442 = tpu.memref_slice %arg8[%dma_wait3A_439, %dma_wait3A_440, %dma_wait3A_441] : memref<4x128x128xf32, #tpu.memory_space<vmem>> -> memref<1x128x128xf32, #tpu.memory_space<vmem>>
      %dma_wait3A_443 = tpu.memref_squeeze %dma_wait3A_442 : memref<1x128x128xf32, #tpu.memory_space<vmem>> -> memref<128x128xf32, #tpu.memory_space<vmem>>
      %dma_wait3A_444 = arith.constant 0 : i32
      %dma_wait3A_445 = tpu.memref_slice %arg7[%add3A_414, %dma_wait3A_444] : memref<160x128xi32, #tpu.memory_space<vmem>> -> memref<1x128xi32, #tpu.memory_space<vmem>>
      %dma_wait3A_446 = tpu.memref_squeeze %dma_wait3A_445 : memref<1x128xi32, #tpu.memory_space<vmem>> -> memref<128xi32, #tpu.memory_space<vmem>>
      %dma_wait3A_447 = arith.constant 0 : i32
      %dma_wait3A_448 = arith.constant 0 : i32
      %dma_wait3A_449 = tpu.memref_slice %arg9[%dma_wait3A_447, %dma_wait3A_448] : memref<5248x128xf32, #tpu.memory_space<vmem_shared>> -> memref<5248x128xf32, #tpu.memory_space<vmem_shared>>
      tpu.wait_indirect_dma semaphore(%arg18 : memref<!tpu.dma_semaphore, #tpu.memory_space<semaphore_mem>>) src(%dma_wait3A_443 : memref<128x128xf32, #tpu.memory_space<vmem>>) dst(%dma_wait3A_449 : memref<5248x128xf32, #tpu.memory_space<vmem_shared>>)
      %add3A_450 = arith.constant 4 : i32
      %add3A_451 = arith.addi %add3A_414, %add3A_450 : i32
      %lt3A_452 = arith.constant 160 : i32
      %lt3A_453 = arith.cmpi slt, %add3A_451, %lt3A_452 : i32
      %convert_element_type3A_454 = arith.extui %lt3A_453 : i1 to i32
      %cond3A_455 = arith.constant 0 : i32
      %cond3A_456 = arith.cmpi ne, %convert_element_type3A_454, %cond3A_455 : i32
      scf.if %cond3A_456 {
        %dma_start3A_888 = arith.constant 1 : i32
        %dma_start3A_889 = arith.constant 2 : i32
        %dma_start3A_890 = arith.constant 2 : i32
        %dma_start3A_891 = arith.constant 0 : i32
        %dma_start3A_892 = arith.constant 0 : i32
        %dma_start3A_893 = tpu.memref_slice %arg8[%dma_start3A_890, %dma_start3A_891, %dma_start3A_892] : memref<4x128x128xf32, #tpu.memory_space<vmem>> -> memref<1x128x128xf32, #tpu.memory_space<vmem>>
        %dma_start3A_894 = tpu.memref_squeeze %dma_start3A_893 : memref<1x128x128xf32, #tpu.memory_space<vmem>> -> memref<128x128xf32, #tpu.memory_space<vmem>>
        %dma_start3A_895 = arith.constant 0 : i32
        %dma_start3A_896 = tpu.memref_slice %arg6[%dma_start3A_888, %dma_start3A_889, %dma_start3A_895] : memref<2x8x128xi32, #tpu.memory_space<vmem>> -> memref<1x1x128xi32, #tpu.memory_space<vmem>>
        %dma_start3A_897 = tpu.memref_squeeze %dma_start3A_896 : memref<1x1x128xi32, #tpu.memory_space<vmem>> -> memref<128xi32, #tpu.memory_space<vmem>>
        %dma_start3A_898 = arith.constant 0 : i32
        %dma_start3A_899 = arith.constant 0 : i32
        %dma_start3A_900 = tpu.memref_slice %arg2[%dma_start3A_898, %dma_start3A_899] : memref<10240x128xf32, #tpu.memory_space<hbm>> -> memref<10240x128xf32, #tpu.memory_space<hbm>>
        tpu.enqueue_indirect_dma source(%dma_start3A_900 : memref<10240x128xf32, #tpu.memory_space<hbm>>) target(%dma_start3A_894 : memref<128x128xf32, #tpu.memory_space<vmem>>) offsets(%dma_start3A_897 : memref<128xi32, #tpu.memory_space<vmem>>) semaphore(%arg14 : memref<!tpu.dma_semaphore, #tpu.memory_space<semaphore_mem>>)
      } else {
      }
      %mul3A_457 = arith.constant 8 : i32
      %mul3A_458 = arith.muli %add3A_132, %mul3A_457 : i32
      %add3A_459 = arith.constant 7 : i32
      %add3A_460 = arith.addi %mul3A_458, %add3A_459 : i32
      %dma_wait3A_461 = arith.constant 0 : i32
      %dma_wait3A_462 = arith.constant 7 : i32
      %dma_wait3A_463 = arith.constant 3 : i32
      %dma_wait3A_464 = arith.constant 0 : i32
      %dma_wait3A_465 = arith.constant 0 : i32
      %dma_wait3A_466 = tpu.memref_slice %arg8[%dma_wait3A_463, %dma_wait3A_464, %dma_wait3A_465] : memref<4x128x128xf32, #tpu.memory_space<vmem>> -> memref<1x128x128xf32, #tpu.memory_space<vmem>>
      %dma_wait3A_467 = tpu.memref_squeeze %dma_wait3A_466 : memref<1x128x128xf32, #tpu.memory_space<vmem>> -> memref<128x128xf32, #tpu.memory_space<vmem>>
      %dma_wait3A_468 = arith.constant 0 : i32
      %dma_wait3A_469 = tpu.memref_slice %arg6[%dma_wait3A_461, %dma_wait3A_462, %dma_wait3A_468] : memref<2x8x128xi32, #tpu.memory_space<vmem>> -> memref<1x1x128xi32, #tpu.memory_space<vmem>>
      %dma_wait3A_470 = tpu.memref_squeeze %dma_wait3A_469 : memref<1x1x128xi32, #tpu.memory_space<vmem>> -> memref<128xi32, #tpu.memory_space<vmem>>
      %dma_wait3A_471 = arith.constant 0 : i32
      %dma_wait3A_472 = arith.constant 0 : i32
      %dma_wait3A_473 = tpu.memref_slice %arg2[%dma_wait3A_471, %dma_wait3A_472] : memref<10240x128xf32, #tpu.memory_space<hbm>> -> memref<10240x128xf32, #tpu.memory_space<hbm>>
      tpu.wait_indirect_dma semaphore(%arg15 : memref<!tpu.dma_semaphore, #tpu.memory_space<semaphore_mem>>) src(%dma_wait3A_473 : memref<10240x128xf32, #tpu.memory_space<hbm>>) dst(%dma_wait3A_467 : memref<128x128xf32, #tpu.memory_space<vmem>>)
      %dma_start3A_474 = arith.constant 3 : i32
      %dma_start3A_475 = arith.constant 0 : i32
      %dma_start3A_476 = arith.constant 0 : i32
      %dma_start3A_477 = tpu.memref_slice %arg8[%dma_start3A_474, %dma_start3A_475, %dma_start3A_476] : memref<4x128x128xf32, #tpu.memory_space<vmem>> -> memref<1x128x128xf32, #tpu.memory_space<vmem>>
      %dma_start3A_478 = tpu.memref_squeeze %dma_start3A_477 : memref<1x128x128xf32, #tpu.memory_space<vmem>> -> memref<128x128xf32, #tpu.memory_space<vmem>>
      %dma_start3A_479 = arith.constant 0 : i32
      %dma_start3A_480 = tpu.memref_slice %arg7[%add3A_460, %dma_start3A_479] : memref<160x128xi32, #tpu.memory_space<vmem>> -> memref<1x128xi32, #tpu.memory_space<vmem>>
      %dma_start3A_481 = tpu.memref_squeeze %dma_start3A_480 : memref<1x128xi32, #tpu.memory_space<vmem>> -> memref<128xi32, #tpu.memory_space<vmem>>
      %dma_start3A_482 = arith.constant 0 : i32
      %dma_start3A_483 = arith.constant 0 : i32
      %dma_start3A_484 = tpu.memref_slice %arg9[%dma_start3A_482, %dma_start3A_483] : memref<5248x128xf32, #tpu.memory_space<vmem_shared>> -> memref<5248x128xf32, #tpu.memory_space<vmem_shared>>
      tpu.enqueue_indirect_dma source(%dma_start3A_478 : memref<128x128xf32, #tpu.memory_space<vmem>>) target(%dma_start3A_484 : memref<5248x128xf32, #tpu.memory_space<vmem_shared>>) offsets(%dma_start3A_481 : memref<128xi32, #tpu.memory_space<vmem>>) semaphore(%arg19 : memref<!tpu.dma_semaphore, #tpu.memory_space<semaphore_mem>>) {add = true}
      %dma_wait3A_485 = arith.constant 3 : i32
      %dma_wait3A_486 = arith.constant 0 : i32
      %dma_wait3A_487 = arith.constant 0 : i32
      %dma_wait3A_488 = tpu.memref_slice %arg8[%dma_wait3A_485, %dma_wait3A_486, %dma_wait3A_487] : memref<4x128x128xf32, #tpu.memory_space<vmem>> -> memref<1x128x128xf32, #tpu.memory_space<vmem>>
      %dma_wait3A_489 = tpu.memref_squeeze %dma_wait3A_488 : memref<1x128x128xf32, #tpu.memory_space<vmem>> -> memref<128x128xf32, #tpu.memory_space<vmem>>
      %dma_wait3A_490 = arith.constant 0 : i32
      %dma_wait3A_491 = tpu.memref_slice %arg7[%add3A_460, %dma_wait3A_490] : memref<160x128xi32, #tpu.memory_space<vmem>> -> memref<1x128xi32, #tpu.memory_space<vmem>>
      %dma_wait3A_492 = tpu.memref_squeeze %dma_wait3A_491 : memref<1x128xi32, #tpu.memory_space<vmem>> -> memref<128xi32, #tpu.memory_space<vmem>>
      %dma_wait3A_493 = arith.constant 0 : i32
      %dma_wait3A_494 = arith.constant 0 : i32
      %dma_wait3A_495 = tpu.memref_slice %arg9[%dma_wait3A_493, %dma_wait3A_494] : memref<5248x128xf32, #tpu.memory_space<vmem_shared>> -> memref<5248x128xf32, #tpu.memory_space<vmem_shared>>
      tpu.wait_indirect_dma semaphore(%arg19 : memref<!tpu.dma_semaphore, #tpu.memory_space<semaphore_mem>>) src(%dma_wait3A_489 : memref<128x128xf32, #tpu.memory_space<vmem>>) dst(%dma_wait3A_495 : memref<5248x128xf32, #tpu.memory_space<vmem_shared>>)
      %add3A_496 = arith.constant 4 : i32
      %add3A_497 = arith.addi %add3A_460, %add3A_496 : i32
      %lt3A_498 = arith.constant 160 : i32
      %lt3A_499 = arith.cmpi slt, %add3A_497, %lt3A_498 : i32
      %convert_element_type3A_500 = arith.extui %lt3A_499 : i1 to i32
      %cond3A_501 = arith.constant 0 : i32
      %cond3A_502 = arith.cmpi ne, %convert_element_type3A_500, %cond3A_501 : i32
      scf.if %cond3A_502 {
        %dma_start3A_888 = arith.constant 1 : i32
        %dma_start3A_889 = arith.constant 3 : i32
        %dma_start3A_890 = arith.constant 3 : i32
        %dma_start3A_891 = arith.constant 0 : i32
        %dma_start3A_892 = arith.constant 0 : i32
        %dma_start3A_893 = tpu.memref_slice %arg8[%dma_start3A_890, %dma_start3A_891, %dma_start3A_892] : memref<4x128x128xf32, #tpu.memory_space<vmem>> -> memref<1x128x128xf32, #tpu.memory_space<vmem>>
        %dma_start3A_894 = tpu.memref_squeeze %dma_start3A_893 : memref<1x128x128xf32, #tpu.memory_space<vmem>> -> memref<128x128xf32, #tpu.memory_space<vmem>>
        %dma_start3A_895 = arith.constant 0 : i32
        %dma_start3A_896 = tpu.memref_slice %arg6[%dma_start3A_888, %dma_start3A_889, %dma_start3A_895] : memref<2x8x128xi32, #tpu.memory_space<vmem>> -> memref<1x1x128xi32, #tpu.memory_space<vmem>>
        %dma_start3A_897 = tpu.memref_squeeze %dma_start3A_896 : memref<1x1x128xi32, #tpu.memory_space<vmem>> -> memref<128xi32, #tpu.memory_space<vmem>>
        %dma_start3A_898 = arith.constant 0 : i32
        %dma_start3A_899 = arith.constant 0 : i32
        %dma_start3A_900 = tpu.memref_slice %arg2[%dma_start3A_898, %dma_start3A_899] : memref<10240x128xf32, #tpu.memory_space<hbm>> -> memref<10240x128xf32, #tpu.memory_space<hbm>>
        tpu.enqueue_indirect_dma source(%dma_start3A_900 : memref<10240x128xf32, #tpu.memory_space<hbm>>) target(%dma_start3A_894 : memref<128x128xf32, #tpu.memory_space<vmem>>) offsets(%dma_start3A_897 : memref<128xi32, #tpu.memory_space<vmem>>) semaphore(%arg15 : memref<!tpu.dma_semaphore, #tpu.memory_space<semaphore_mem>>)
      } else {
      }
      %lt3A_503 = arith.constant 18 : i32
      %lt3A_504 = arith.cmpi slt, %add3A_132, %lt3A_503 : i32
      %convert_element_type3A_505 = arith.extui %lt3A_504 : i1 to i32
      %cond3A_506 = arith.constant 0 : i32
      %cond3A_507 = arith.cmpi ne, %convert_element_type3A_505, %cond3A_506 : i32
      scf.if %cond3A_507 {
        %add3A_888 = arith.constant 2 : i32
        %add3A_889 = arith.addi %add3A_132, %add3A_888 : i32
        %mul3A_890 = arith.constant 8 : i32
        %mul3A_891 = arith.muli %add3A_889, %mul3A_890 : i32
        %dma_start3A_892 = arith.constant 0 : i32
        %dma_start3A_893 = arith.constant 0 : i32
        %dma_start3A_894 = arith.constant 0 : i32
        %dma_start3A_895 = tpu.memref_slice %arg6[%dma_start3A_892, %dma_start3A_893, %dma_start3A_894] : memref<2x8x128xi32, #tpu.memory_space<vmem>> -> memref<1x8x128xi32, #tpu.memory_space<vmem>>
        %dma_start3A_896 = tpu.memref_squeeze %dma_start3A_895 : memref<1x8x128xi32, #tpu.memory_space<vmem>> -> memref<8x128xi32, #tpu.memory_space<vmem>>
        %dma_start3A_897 = arith.constant 0 : i32
        %dma_start3A_898 = tpu.memref_slice %arg3[%arg0, %arg1, %mul3A_891, %dma_start3A_897] : memref<2x16x160x128xi32, #tpu.memory_space<hbm>> -> memref<1x1x8x128xi32, #tpu.memory_space<hbm>>
        %dma_start3A_899 = tpu.memref_squeeze %dma_start3A_898 : memref<1x1x8x128xi32, #tpu.memory_space<hbm>> -> memref<8x128xi32, #tpu.memory_space<hbm>>
        %dma_start3A_900 = arith.constant 0 : i32
        %dma_start3A_901 = arith.constant 0 : i32
        %dma_start3A_902 = tpu.memref_slice %arg6[%dma_start3A_892, %dma_start3A_900, %dma_start3A_901] : memref<2x8x128xi32, #tpu.memory_space<vmem>> -> memref<1x8x128xi32, #tpu.memory_space<vmem>>
        %dma_start3A_903 = tpu.memref_squeeze %dma_start3A_902 : memref<1x8x128xi32, #tpu.memory_space<vmem>> -> memref<8x128xi32, #tpu.memory_space<vmem>>
        %dma_start3A_904 = arith.constant 0 : i32
        %dma_start3A_905 = tpu.memref_slice %arg3[%arg0, %arg1, %mul3A_891, %dma_start3A_904] : memref<2x16x160x128xi32, #tpu.memory_space<hbm>> -> memref<1x1x8x128xi32, #tpu.memory_space<hbm>>
        %dma_start3A_906 = tpu.memref_squeeze %dma_start3A_905 : memref<1x1x8x128xi32, #tpu.memory_space<hbm>> -> memref<8x128xi32, #tpu.memory_space<hbm>>
        tpu.enqueue_dma source(%dma_start3A_906 : memref<8x128xi32, #tpu.memory_space<hbm>>) target(%dma_start3A_903 : memref<8x128xi32, #tpu.memory_space<vmem>>) target_semaphore(%arg10 : memref<!tpu.dma_semaphore, #tpu.memory_space<semaphore_mem>>)
      } else {
      }
      %add3A_508 = arith.constant 1 : i32
      %add3A_509 = arith.addi %add3A_132, %add3A_508 : i32
      %mul3A_510 = arith.constant 8 : i32
      %mul3A_511 = arith.muli %add3A_509, %mul3A_510 : i32
      %add3A_512 = arith.constant 0 : i32
      %add3A_513 = arith.addi %mul3A_511, %add3A_512 : i32
      %dma_wait3A_514 = arith.constant 1 : i32
      %dma_wait3A_515 = arith.constant 0 : i32
      %dma_wait3A_516 = arith.constant 0 : i32
      %dma_wait3A_517 = arith.constant 0 : i32
      %dma_wait3A_518 = arith.constant 0 : i32
      %dma_wait3A_519 = tpu.memref_slice %arg8[%dma_wait3A_516, %dma_wait3A_517, %dma_wait3A_518] : memref<4x128x128xf32, #tpu.memory_space<vmem>> -> memref<1x128x128xf32, #tpu.memory_space<vmem>>
      %dma_wait3A_520 = tpu.memref_squeeze %dma_wait3A_519 : memref<1x128x128xf32, #tpu.memory_space<vmem>> -> memref<128x128xf32, #tpu.memory_space<vmem>>
      %dma_wait3A_521 = arith.constant 0 : i32
      %dma_wait3A_522 = tpu.memref_slice %arg6[%dma_wait3A_514, %dma_wait3A_515, %dma_wait3A_521] : memref<2x8x128xi32, #tpu.memory_space<vmem>> -> memref<1x1x128xi32, #tpu.memory_space<vmem>>
      %dma_wait3A_523 = tpu.memref_squeeze %dma_wait3A_522 : memref<1x1x128xi32, #tpu.memory_space<vmem>> -> memref<128xi32, #tpu.memory_space<vmem>>
      %dma_wait3A_524 = arith.constant 0 : i32
      %dma_wait3A_525 = arith.constant 0 : i32
      %dma_wait3A_526 = tpu.memref_slice %arg2[%dma_wait3A_524, %dma_wait3A_525] : memref<10240x128xf32, #tpu.memory_space<hbm>> -> memref<10240x128xf32, #tpu.memory_space<hbm>>
      tpu.wait_indirect_dma semaphore(%arg12 : memref<!tpu.dma_semaphore, #tpu.memory_space<semaphore_mem>>) src(%dma_wait3A_526 : memref<10240x128xf32, #tpu.memory_space<hbm>>) dst(%dma_wait3A_520 : memref<128x128xf32, #tpu.memory_space<vmem>>)
      %dma_start3A_527 = arith.constant 0 : i32
      %dma_start3A_528 = arith.constant 0 : i32
      %dma_start3A_529 = arith.constant 0 : i32
      %dma_start3A_530 = tpu.memref_slice %arg8[%dma_start3A_527, %dma_start3A_528, %dma_start3A_529] : memref<4x128x128xf32, #tpu.memory_space<vmem>> -> memref<1x128x128xf32, #tpu.memory_space<vmem>>
      %dma_start3A_531 = tpu.memref_squeeze %dma_start3A_530 : memref<1x128x128xf32, #tpu.memory_space<vmem>> -> memref<128x128xf32, #tpu.memory_space<vmem>>
      %dma_start3A_532 = arith.constant 0 : i32
      %dma_start3A_533 = tpu.memref_slice %arg7[%add3A_513, %dma_start3A_532] : memref<160x128xi32, #tpu.memory_space<vmem>> -> memref<1x128xi32, #tpu.memory_space<vmem>>
      %dma_start3A_534 = tpu.memref_squeeze %dma_start3A_533 : memref<1x128xi32, #tpu.memory_space<vmem>> -> memref<128xi32, #tpu.memory_space<vmem>>
      %dma_start3A_535 = arith.constant 0 : i32
      %dma_start3A_536 = arith.constant 0 : i32
      %dma_start3A_537 = tpu.memref_slice %arg9[%dma_start3A_535, %dma_start3A_536] : memref<5248x128xf32, #tpu.memory_space<vmem_shared>> -> memref<5248x128xf32, #tpu.memory_space<vmem_shared>>
      tpu.enqueue_indirect_dma source(%dma_start3A_531 : memref<128x128xf32, #tpu.memory_space<vmem>>) target(%dma_start3A_537 : memref<5248x128xf32, #tpu.memory_space<vmem_shared>>) offsets(%dma_start3A_534 : memref<128xi32, #tpu.memory_space<vmem>>) semaphore(%arg16 : memref<!tpu.dma_semaphore, #tpu.memory_space<semaphore_mem>>) {add = true}
      %dma_wait3A_538 = arith.constant 0 : i32
      %dma_wait3A_539 = arith.constant 0 : i32
      %dma_wait3A_540 = arith.constant 0 : i32
      %dma_wait3A_541 = tpu.memref_slice %arg8[%dma_wait3A_538, %dma_wait3A_539, %dma_wait3A_540] : memref<4x128x128xf32, #tpu.memory_space<vmem>> -> memref<1x128x128xf32, #tpu.memory_space<vmem>>
      %dma_wait3A_542 = tpu.memref_squeeze %dma_wait3A_541 : memref<1x128x128xf32, #tpu.memory_space<vmem>> -> memref<128x128xf32, #tpu.memory_space<vmem>>
      %dma_wait3A_543 = arith.constant 0 : i32
      %dma_wait3A_544 = tpu.memref_slice %arg7[%add3A_513, %dma_wait3A_543] : memref<160x128xi32, #tpu.memory_space<vmem>> -> memref<1x128xi32, #tpu.memory_space<vmem>>
      %dma_wait3A_545 = tpu.memref_squeeze %dma_wait3A_544 : memref<1x128xi32, #tpu.memory_space<vmem>> -> memref<128xi32, #tpu.memory_space<vmem>>
      %dma_wait3A_546 = arith.constant 0 : i32
      %dma_wait3A_547 = arith.constant 0 : i32
      %dma_wait3A_548 = tpu.memref_slice %arg9[%dma_wait3A_546, %dma_wait3A_547] : memref<5248x128xf32, #tpu.memory_space<vmem_shared>> -> memref<5248x128xf32, #tpu.memory_space<vmem_shared>>
      tpu.wait_indirect_dma semaphore(%arg16 : memref<!tpu.dma_semaphore, #tpu.memory_space<semaphore_mem>>) src(%dma_wait3A_542 : memref<128x128xf32, #tpu.memory_space<vmem>>) dst(%dma_wait3A_548 : memref<5248x128xf32, #tpu.memory_space<vmem_shared>>)
      %add3A_549 = arith.constant 4 : i32
      %add3A_550 = arith.addi %add3A_513, %add3A_549 : i32
      %lt3A_551 = arith.constant 160 : i32
      %lt3A_552 = arith.cmpi slt, %add3A_550, %lt3A_551 : i32
      %convert_element_type3A_553 = arith.extui %lt3A_552 : i1 to i32
      %cond3A_554 = arith.constant 0 : i32
      %cond3A_555 = arith.cmpi ne, %convert_element_type3A_553, %cond3A_554 : i32
      scf.if %cond3A_555 {
        %dma_start3A_888 = arith.constant 1 : i32
        %dma_start3A_889 = arith.constant 4 : i32
        %dma_start3A_890 = arith.constant 0 : i32
        %dma_start3A_891 = arith.constant 0 : i32
        %dma_start3A_892 = arith.constant 0 : i32
        %dma_start3A_893 = tpu.memref_slice %arg8[%dma_start3A_890, %dma_start3A_891, %dma_start3A_892] : memref<4x128x128xf32, #tpu.memory_space<vmem>> -> memref<1x128x128xf32, #tpu.memory_space<vmem>>
        %dma_start3A_894 = tpu.memref_squeeze %dma_start3A_893 : memref<1x128x128xf32, #tpu.memory_space<vmem>> -> memref<128x128xf32, #tpu.memory_space<vmem>>
        %dma_start3A_895 = arith.constant 0 : i32
        %dma_start3A_896 = tpu.memref_slice %arg6[%dma_start3A_888, %dma_start3A_889, %dma_start3A_895] : memref<2x8x128xi32, #tpu.memory_space<vmem>> -> memref<1x1x128xi32, #tpu.memory_space<vmem>>
        %dma_start3A_897 = tpu.memref_squeeze %dma_start3A_896 : memref<1x1x128xi32, #tpu.memory_space<vmem>> -> memref<128xi32, #tpu.memory_space<vmem>>
        %dma_start3A_898 = arith.constant 0 : i32
        %dma_start3A_899 = arith.constant 0 : i32
        %dma_start3A_900 = tpu.memref_slice %arg2[%dma_start3A_898, %dma_start3A_899] : memref<10240x128xf32, #tpu.memory_space<hbm>> -> memref<10240x128xf32, #tpu.memory_space<hbm>>
        tpu.enqueue_indirect_dma source(%dma_start3A_900 : memref<10240x128xf32, #tpu.memory_space<hbm>>) target(%dma_start3A_894 : memref<128x128xf32, #tpu.memory_space<vmem>>) offsets(%dma_start3A_897 : memref<128xi32, #tpu.memory_space<vmem>>) semaphore(%arg12 : memref<!tpu.dma_semaphore, #tpu.memory_space<semaphore_mem>>)
      } else {
      }
      %mul3A_556 = arith.constant 8 : i32
      %mul3A_557 = arith.muli %add3A_509, %mul3A_556 : i32
      %add3A_558 = arith.constant 1 : i32
      %add3A_559 = arith.addi %mul3A_557, %add3A_558 : i32
      %dma_wait3A_560 = arith.constant 1 : i32
      %dma_wait3A_561 = arith.constant 1 : i32
      %dma_wait3A_562 = arith.constant 1 : i32
      %dma_wait3A_563 = arith.constant 0 : i32
      %dma_wait3A_564 = arith.constant 0 : i32
      %dma_wait3A_565 = tpu.memref_slice %arg8[%dma_wait3A_562, %dma_wait3A_563, %dma_wait3A_564] : memref<4x128x128xf32, #tpu.memory_space<vmem>> -> memref<1x128x128xf32, #tpu.memory_space<vmem>>
      %dma_wait3A_566 = tpu.memref_squeeze %dma_wait3A_565 : memref<1x128x128xf32, #tpu.memory_space<vmem>> -> memref<128x128xf32, #tpu.memory_space<vmem>>
      %dma_wait3A_567 = arith.constant 0 : i32
      %dma_wait3A_568 = tpu.memref_slice %arg6[%dma_wait3A_560, %dma_wait3A_561, %dma_wait3A_567] : memref<2x8x128xi32, #tpu.memory_space<vmem>> -> memref<1x1x128xi32, #tpu.memory_space<vmem>>
      %dma_wait3A_569 = tpu.memref_squeeze %dma_wait3A_568 : memref<1x1x128xi32, #tpu.memory_space<vmem>> -> memref<128xi32, #tpu.memory_space<vmem>>
      %dma_wait3A_570 = arith.constant 0 : i32
      %dma_wait3A_571 = arith.constant 0 : i32
      %dma_wait3A_572 = tpu.memref_slice %arg2[%dma_wait3A_570, %dma_wait3A_571] : memref<10240x128xf32, #tpu.memory_space<hbm>> -> memref<10240x128xf32, #tpu.memory_space<hbm>>
      tpu.wait_indirect_dma semaphore(%arg13 : memref<!tpu.dma_semaphore, #tpu.memory_space<semaphore_mem>>) src(%dma_wait3A_572 : memref<10240x128xf32, #tpu.memory_space<hbm>>) dst(%dma_wait3A_566 : memref<128x128xf32, #tpu.memory_space<vmem>>)
      %dma_start3A_573 = arith.constant 1 : i32
      %dma_start3A_574 = arith.constant 0 : i32
      %dma_start3A_575 = arith.constant 0 : i32
      %dma_start3A_576 = tpu.memref_slice %arg8[%dma_start3A_573, %dma_start3A_574, %dma_start3A_575] : memref<4x128x128xf32, #tpu.memory_space<vmem>> -> memref<1x128x128xf32, #tpu.memory_space<vmem>>
      %dma_start3A_577 = tpu.memref_squeeze %dma_start3A_576 : memref<1x128x128xf32, #tpu.memory_space<vmem>> -> memref<128x128xf32, #tpu.memory_space<vmem>>
      %dma_start3A_578 = arith.constant 0 : i32
      %dma_start3A_579 = tpu.memref_slice %arg7[%add3A_559, %dma_start3A_578] : memref<160x128xi32, #tpu.memory_space<vmem>> -> memref<1x128xi32, #tpu.memory_space<vmem>>
      %dma_start3A_580 = tpu.memref_squeeze %dma_start3A_579 : memref<1x128xi32, #tpu.memory_space<vmem>> -> memref<128xi32, #tpu.memory_space<vmem>>
      %dma_start3A_581 = arith.constant 0 : i32
      %dma_start3A_582 = arith.constant 0 : i32
      %dma_start3A_583 = tpu.memref_slice %arg9[%dma_start3A_581, %dma_start3A_582] : memref<5248x128xf32, #tpu.memory_space<vmem_shared>> -> memref<5248x128xf32, #tpu.memory_space<vmem_shared>>
      tpu.enqueue_indirect_dma source(%dma_start3A_577 : memref<128x128xf32, #tpu.memory_space<vmem>>) target(%dma_start3A_583 : memref<5248x128xf32, #tpu.memory_space<vmem_shared>>) offsets(%dma_start3A_580 : memref<128xi32, #tpu.memory_space<vmem>>) semaphore(%arg17 : memref<!tpu.dma_semaphore, #tpu.memory_space<semaphore_mem>>) {add = true}
      %dma_wait3A_584 = arith.constant 1 : i32
      %dma_wait3A_585 = arith.constant 0 : i32
      %dma_wait3A_586 = arith.constant 0 : i32
      %dma_wait3A_587 = tpu.memref_slice %arg8[%dma_wait3A_584, %dma_wait3A_585, %dma_wait3A_586] : memref<4x128x128xf32, #tpu.memory_space<vmem>> -> memref<1x128x128xf32, #tpu.memory_space<vmem>>
      %dma_wait3A_588 = tpu.memref_squeeze %dma_wait3A_587 : memref<1x128x128xf32, #tpu.memory_space<vmem>> -> memref<128x128xf32, #tpu.memory_space<vmem>>
      %dma_wait3A_589 = arith.constant 0 : i32
      %dma_wait3A_590 = tpu.memref_slice %arg7[%add3A_559, %dma_wait3A_589] : memref<160x128xi32, #tpu.memory_space<vmem>> -> memref<1x128xi32, #tpu.memory_space<vmem>>
      %dma_wait3A_591 = tpu.memref_squeeze %dma_wait3A_590 : memref<1x128xi32, #tpu.memory_space<vmem>> -> memref<128xi32, #tpu.memory_space<vmem>>
      %dma_wait3A_592 = arith.constant 0 : i32
      %dma_wait3A_593 = arith.constant 0 : i32
      %dma_wait3A_594 = tpu.memref_slice %arg9[%dma_wait3A_592, %dma_wait3A_593] : memref<5248x128xf32, #tpu.memory_space<vmem_shared>> -> memref<5248x128xf32, #tpu.memory_space<vmem_shared>>
      tpu.wait_indirect_dma semaphore(%arg17 : memref<!tpu.dma_semaphore, #tpu.memory_space<semaphore_mem>>) src(%dma_wait3A_588 : memref<128x128xf32, #tpu.memory_space<vmem>>) dst(%dma_wait3A_594 : memref<5248x128xf32, #tpu.memory_space<vmem_shared>>)
      %add3A_595 = arith.constant 4 : i32
      %add3A_596 = arith.addi %add3A_559, %add3A_595 : i32
      %lt3A_597 = arith.constant 160 : i32
      %lt3A_598 = arith.cmpi slt, %add3A_596, %lt3A_597 : i32
      %convert_element_type3A_599 = arith.extui %lt3A_598 : i1 to i32
      %cond3A_600 = arith.constant 0 : i32
      %cond3A_601 = arith.cmpi ne, %convert_element_type3A_599, %cond3A_600 : i32
      scf.if %cond3A_601 {
        %dma_start3A_888 = arith.constant 1 : i32
        %dma_start3A_889 = arith.constant 5 : i32
        %dma_start3A_890 = arith.constant 1 : i32
        %dma_start3A_891 = arith.constant 0 : i32
        %dma_start3A_892 = arith.constant 0 : i32
        %dma_start3A_893 = tpu.memref_slice %arg8[%dma_start3A_890, %dma_start3A_891, %dma_start3A_892] : memref<4x128x128xf32, #tpu.memory_space<vmem>> -> memref<1x128x128xf32, #tpu.memory_space<vmem>>
        %dma_start3A_894 = tpu.memref_squeeze %dma_start3A_893 : memref<1x128x128xf32, #tpu.memory_space<vmem>> -> memref<128x128xf32, #tpu.memory_space<vmem>>
        %dma_start3A_895 = arith.constant 0 : i32
        %dma_start3A_896 = tpu.memref_slice %arg6[%dma_start3A_888, %dma_start3A_889, %dma_start3A_895] : memref<2x8x128xi32, #tpu.memory_space<vmem>> -> memref<1x1x128xi32, #tpu.memory_space<vmem>>
        %dma_start3A_897 = tpu.memref_squeeze %dma_start3A_896 : memref<1x1x128xi32, #tpu.memory_space<vmem>> -> memref<128xi32, #tpu.memory_space<vmem>>
        %dma_start3A_898 = arith.constant 0 : i32
        %dma_start3A_899 = arith.constant 0 : i32
        %dma_start3A_900 = tpu.memref_slice %arg2[%dma_start3A_898, %dma_start3A_899] : memref<10240x128xf32, #tpu.memory_space<hbm>> -> memref<10240x128xf32, #tpu.memory_space<hbm>>
        tpu.enqueue_indirect_dma source(%dma_start3A_900 : memref<10240x128xf32, #tpu.memory_space<hbm>>) target(%dma_start3A_894 : memref<128x128xf32, #tpu.memory_space<vmem>>) offsets(%dma_start3A_897 : memref<128xi32, #tpu.memory_space<vmem>>) semaphore(%arg13 : memref<!tpu.dma_semaphore, #tpu.memory_space<semaphore_mem>>)
      } else {
      }
      %mul3A_602 = arith.constant 8 : i32
      %mul3A_603 = arith.muli %add3A_509, %mul3A_602 : i32
      %add3A_604 = arith.constant 2 : i32
      %add3A_605 = arith.addi %mul3A_603, %add3A_604 : i32
      %dma_wait3A_606 = arith.constant 1 : i32
      %dma_wait3A_607 = arith.constant 2 : i32
      %dma_wait3A_608 = arith.constant 2 : i32
      %dma_wait3A_609 = arith.constant 0 : i32
      %dma_wait3A_610 = arith.constant 0 : i32
      %dma_wait3A_611 = tpu.memref_slice %arg8[%dma_wait3A_608, %dma_wait3A_609, %dma_wait3A_610] : memref<4x128x128xf32, #tpu.memory_space<vmem>> -> memref<1x128x128xf32, #tpu.memory_space<vmem>>
      %dma_wait3A_612 = tpu.memref_squeeze %dma_wait3A_611 : memref<1x128x128xf32, #tpu.memory_space<vmem>> -> memref<128x128xf32, #tpu.memory_space<vmem>>
      %dma_wait3A_613 = arith.constant 0 : i32
      %dma_wait3A_614 = tpu.memref_slice %arg6[%dma_wait3A_606, %dma_wait3A_607, %dma_wait3A_613] : memref<2x8x128xi32, #tpu.memory_space<vmem>> -> memref<1x1x128xi32, #tpu.memory_space<vmem>>
      %dma_wait3A_615 = tpu.memref_squeeze %dma_wait3A_614 : memref<1x1x128xi32, #tpu.memory_space<vmem>> -> memref<128xi32, #tpu.memory_space<vmem>>
      %dma_wait3A_616 = arith.constant 0 : i32
      %dma_wait3A_617 = arith.constant 0 : i32
      %dma_wait3A_618 = tpu.memref_slice %arg2[%dma_wait3A_616, %dma_wait3A_617] : memref<10240x128xf32, #tpu.memory_space<hbm>> -> memref<10240x128xf32, #tpu.memory_space<hbm>>
      tpu.wait_indirect_dma semaphore(%arg14 : memref<!tpu.dma_semaphore, #tpu.memory_space<semaphore_mem>>) src(%dma_wait3A_618 : memref<10240x128xf32, #tpu.memory_space<hbm>>) dst(%dma_wait3A_612 : memref<128x128xf32, #tpu.memory_space<vmem>>)
      %dma_start3A_619 = arith.constant 2 : i32
      %dma_start3A_620 = arith.constant 0 : i32
      %dma_start3A_621 = arith.constant 0 : i32
      %dma_start3A_622 = tpu.memref_slice %arg8[%dma_start3A_619, %dma_start3A_620, %dma_start3A_621] : memref<4x128x128xf32, #tpu.memory_space<vmem>> -> memref<1x128x128xf32, #tpu.memory_space<vmem>>
      %dma_start3A_623 = tpu.memref_squeeze %dma_start3A_622 : memref<1x128x128xf32, #tpu.memory_space<vmem>> -> memref<128x128xf32, #tpu.memory_space<vmem>>
      %dma_start3A_624 = arith.constant 0 : i32
      %dma_start3A_625 = tpu.memref_slice %arg7[%add3A_605, %dma_start3A_624] : memref<160x128xi32, #tpu.memory_space<vmem>> -> memref<1x128xi32, #tpu.memory_space<vmem>>
      %dma_start3A_626 = tpu.memref_squeeze %dma_start3A_625 : memref<1x128xi32, #tpu.memory_space<vmem>> -> memref<128xi32, #tpu.memory_space<vmem>>
      %dma_start3A_627 = arith.constant 0 : i32
      %dma_start3A_628 = arith.constant 0 : i32
      %dma_start3A_629 = tpu.memref_slice %arg9[%dma_start3A_627, %dma_start3A_628] : memref<5248x128xf32, #tpu.memory_space<vmem_shared>> -> memref<5248x128xf32, #tpu.memory_space<vmem_shared>>
      tpu.enqueue_indirect_dma source(%dma_start3A_623 : memref<128x128xf32, #tpu.memory_space<vmem>>) target(%dma_start3A_629 : memref<5248x128xf32, #tpu.memory_space<vmem_shared>>) offsets(%dma_start3A_626 : memref<128xi32, #tpu.memory_space<vmem>>) semaphore(%arg18 : memref<!tpu.dma_semaphore, #tpu.memory_space<semaphore_mem>>) {add = true}
      %dma_wait3A_630 = arith.constant 2 : i32
      %dma_wait3A_631 = arith.constant 0 : i32
      %dma_wait3A_632 = arith.constant 0 : i32
      %dma_wait3A_633 = tpu.memref_slice %arg8[%dma_wait3A_630, %dma_wait3A_631, %dma_wait3A_632] : memref<4x128x128xf32, #tpu.memory_space<vmem>> -> memref<1x128x128xf32, #tpu.memory_space<vmem>>
      %dma_wait3A_634 = tpu.memref_squeeze %dma_wait3A_633 : memref<1x128x128xf32, #tpu.memory_space<vmem>> -> memref<128x128xf32, #tpu.memory_space<vmem>>
      %dma_wait3A_635 = arith.constant 0 : i32
      %dma_wait3A_636 = tpu.memref_slice %arg7[%add3A_605, %dma_wait3A_635] : memref<160x128xi32, #tpu.memory_space<vmem>> -> memref<1x128xi32, #tpu.memory_space<vmem>>
      %dma_wait3A_637 = tpu.memref_squeeze %dma_wait3A_636 : memref<1x128xi32, #tpu.memory_space<vmem>> -> memref<128xi32, #tpu.memory_space<vmem>>
      %dma_wait3A_638 = arith.constant 0 : i32
      %dma_wait3A_639 = arith.constant 0 : i32
      %dma_wait3A_640 = tpu.memref_slice %arg9[%dma_wait3A_638, %dma_wait3A_639] : memref<5248x128xf32, #tpu.memory_space<vmem_shared>> -> memref<5248x128xf32, #tpu.memory_space<vmem_shared>>
      tpu.wait_indirect_dma semaphore(%arg18 : memref<!tpu.dma_semaphore, #tpu.memory_space<semaphore_mem>>) src(%dma_wait3A_634 : memref<128x128xf32, #tpu.memory_space<vmem>>) dst(%dma_wait3A_640 : memref<5248x128xf32, #tpu.memory_space<vmem_shared>>)
      %add3A_641 = arith.constant 4 : i32
      %add3A_642 = arith.addi %add3A_605, %add3A_641 : i32
      %lt3A_643 = arith.constant 160 : i32
      %lt3A_644 = arith.cmpi slt, %add3A_642, %lt3A_643 : i32
      %convert_element_type3A_645 = arith.extui %lt3A_644 : i1 to i32
      %cond3A_646 = arith.constant 0 : i32
      %cond3A_647 = arith.cmpi ne, %convert_element_type3A_645, %cond3A_646 : i32
      scf.if %cond3A_647 {
        %dma_start3A_888 = arith.constant 1 : i32
        %dma_start3A_889 = arith.constant 6 : i32
        %dma_start3A_890 = arith.constant 2 : i32
        %dma_start3A_891 = arith.constant 0 : i32
        %dma_start3A_892 = arith.constant 0 : i32
        %dma_start3A_893 = tpu.memref_slice %arg8[%dma_start3A_890, %dma_start3A_891, %dma_start3A_892] : memref<4x128x128xf32, #tpu.memory_space<vmem>> -> memref<1x128x128xf32, #tpu.memory_space<vmem>>
        %dma_start3A_894 = tpu.memref_squeeze %dma_start3A_893 : memref<1x128x128xf32, #tpu.memory_space<vmem>> -> memref<128x128xf32, #tpu.memory_space<vmem>>
        %dma_start3A_895 = arith.constant 0 : i32
        %dma_start3A_896 = tpu.memref_slice %arg6[%dma_start3A_888, %dma_start3A_889, %dma_start3A_895] : memref<2x8x128xi32, #tpu.memory_space<vmem>> -> memref<1x1x128xi32, #tpu.memory_space<vmem>>
        %dma_start3A_897 = tpu.memref_squeeze %dma_start3A_896 : memref<1x1x128xi32, #tpu.memory_space<vmem>> -> memref<128xi32, #tpu.memory_space<vmem>>
        %dma_start3A_898 = arith.constant 0 : i32
        %dma_start3A_899 = arith.constant 0 : i32
        %dma_start3A_900 = tpu.memref_slice %arg2[%dma_start3A_898, %dma_start3A_899] : memref<10240x128xf32, #tpu.memory_space<hbm>> -> memref<10240x128xf32, #tpu.memory_space<hbm>>
        tpu.enqueue_indirect_dma source(%dma_start3A_900 : memref<10240x128xf32, #tpu.memory_space<hbm>>) target(%dma_start3A_894 : memref<128x128xf32, #tpu.memory_space<vmem>>) offsets(%dma_start3A_897 : memref<128xi32, #tpu.memory_space<vmem>>) semaphore(%arg14 : memref<!tpu.dma_semaphore, #tpu.memory_space<semaphore_mem>>)
      } else {
      }
      %mul3A_648 = arith.constant 8 : i32
      %mul3A_649 = arith.muli %add3A_509, %mul3A_648 : i32
      %add3A_650 = arith.constant 3 : i32
      %add3A_651 = arith.addi %mul3A_649, %add3A_650 : i32
      %dma_wait3A_652 = arith.constant 1 : i32
      %dma_wait3A_653 = arith.constant 3 : i32
      %dma_wait3A_654 = arith.constant 3 : i32
      %dma_wait3A_655 = arith.constant 0 : i32
      %dma_wait3A_656 = arith.constant 0 : i32
      %dma_wait3A_657 = tpu.memref_slice %arg8[%dma_wait3A_654, %dma_wait3A_655, %dma_wait3A_656] : memref<4x128x128xf32, #tpu.memory_space<vmem>> -> memref<1x128x128xf32, #tpu.memory_space<vmem>>
      %dma_wait3A_658 = tpu.memref_squeeze %dma_wait3A_657 : memref<1x128x128xf32, #tpu.memory_space<vmem>> -> memref<128x128xf32, #tpu.memory_space<vmem>>
      %dma_wait3A_659 = arith.constant 0 : i32
      %dma_wait3A_660 = tpu.memref_slice %arg6[%dma_wait3A_652, %dma_wait3A_653, %dma_wait3A_659] : memref<2x8x128xi32, #tpu.memory_space<vmem>> -> memref<1x1x128xi32, #tpu.memory_space<vmem>>
      %dma_wait3A_661 = tpu.memref_squeeze %dma_wait3A_660 : memref<1x1x128xi32, #tpu.memory_space<vmem>> -> memref<128xi32, #tpu.memory_space<vmem>>
      %dma_wait3A_662 = arith.constant 0 : i32
      %dma_wait3A_663 = arith.constant 0 : i32
      %dma_wait3A_664 = tpu.memref_slice %arg2[%dma_wait3A_662, %dma_wait3A_663] : memref<10240x128xf32, #tpu.memory_space<hbm>> -> memref<10240x128xf32, #tpu.memory_space<hbm>>
      tpu.wait_indirect_dma semaphore(%arg15 : memref<!tpu.dma_semaphore, #tpu.memory_space<semaphore_mem>>) src(%dma_wait3A_664 : memref<10240x128xf32, #tpu.memory_space<hbm>>) dst(%dma_wait3A_658 : memref<128x128xf32, #tpu.memory_space<vmem>>)
      %dma_start3A_665 = arith.constant 3 : i32
      %dma_start3A_666 = arith.constant 0 : i32
      %dma_start3A_667 = arith.constant 0 : i32
      %dma_start3A_668 = tpu.memref_slice %arg8[%dma_start3A_665, %dma_start3A_666, %dma_start3A_667] : memref<4x128x128xf32, #tpu.memory_space<vmem>> -> memref<1x128x128xf32, #tpu.memory_space<vmem>>
      %dma_start3A_669 = tpu.memref_squeeze %dma_start3A_668 : memref<1x128x128xf32, #tpu.memory_space<vmem>> -> memref<128x128xf32, #tpu.memory_space<vmem>>
      %dma_start3A_670 = arith.constant 0 : i32
      %dma_start3A_671 = tpu.memref_slice %arg7[%add3A_651, %dma_start3A_670] : memref<160x128xi32, #tpu.memory_space<vmem>> -> memref<1x128xi32, #tpu.memory_space<vmem>>
      %dma_start3A_672 = tpu.memref_squeeze %dma_start3A_671 : memref<1x128xi32, #tpu.memory_space<vmem>> -> memref<128xi32, #tpu.memory_space<vmem>>
      %dma_start3A_673 = arith.constant 0 : i32
      %dma_start3A_674 = arith.constant 0 : i32
      %dma_start3A_675 = tpu.memref_slice %arg9[%dma_start3A_673, %dma_start3A_674] : memref<5248x128xf32, #tpu.memory_space<vmem_shared>> -> memref<5248x128xf32, #tpu.memory_space<vmem_shared>>
      tpu.enqueue_indirect_dma source(%dma_start3A_669 : memref<128x128xf32, #tpu.memory_space<vmem>>) target(%dma_start3A_675 : memref<5248x128xf32, #tpu.memory_space<vmem_shared>>) offsets(%dma_start3A_672 : memref<128xi32, #tpu.memory_space<vmem>>) semaphore(%arg19 : memref<!tpu.dma_semaphore, #tpu.memory_space<semaphore_mem>>) {add = true}
      %dma_wait3A_676 = arith.constant 3 : i32
      %dma_wait3A_677 = arith.constant 0 : i32
      %dma_wait3A_678 = arith.constant 0 : i32
      %dma_wait3A_679 = tpu.memref_slice %arg8[%dma_wait3A_676, %dma_wait3A_677, %dma_wait3A_678] : memref<4x128x128xf32, #tpu.memory_space<vmem>> -> memref<1x128x128xf32, #tpu.memory_space<vmem>>
      %dma_wait3A_680 = tpu.memref_squeeze %dma_wait3A_679 : memref<1x128x128xf32, #tpu.memory_space<vmem>> -> memref<128x128xf32, #tpu.memory_space<vmem>>
      %dma_wait3A_681 = arith.constant 0 : i32
      %dma_wait3A_682 = tpu.memref_slice %arg7[%add3A_651, %dma_wait3A_681] : memref<160x128xi32, #tpu.memory_space<vmem>> -> memref<1x128xi32, #tpu.memory_space<vmem>>
      %dma_wait3A_683 = tpu.memref_squeeze %dma_wait3A_682 : memref<1x128xi32, #tpu.memory_space<vmem>> -> memref<128xi32, #tpu.memory_space<vmem>>
      %dma_wait3A_684 = arith.constant 0 : i32
      %dma_wait3A_685 = arith.constant 0 : i32
      %dma_wait3A_686 = tpu.memref_slice %arg9[%dma_wait3A_684, %dma_wait3A_685] : memref<5248x128xf32, #tpu.memory_space<vmem_shared>> -> memref<5248x128xf32, #tpu.memory_space<vmem_shared>>
      tpu.wait_indirect_dma semaphore(%arg19 : memref<!tpu.dma_semaphore, #tpu.memory_space<semaphore_mem>>) src(%dma_wait3A_680 : memref<128x128xf32, #tpu.memory_space<vmem>>) dst(%dma_wait3A_686 : memref<5248x128xf32, #tpu.memory_space<vmem_shared>>)
      %add3A_687 = arith.constant 4 : i32
      %add3A_688 = arith.addi %add3A_651, %add3A_687 : i32
      %lt3A_689 = arith.constant 160 : i32
      %lt3A_690 = arith.cmpi slt, %add3A_688, %lt3A_689 : i32
      %convert_element_type3A_691 = arith.extui %lt3A_690 : i1 to i32
      %cond3A_692 = arith.constant 0 : i32
      %cond3A_693 = arith.cmpi ne, %convert_element_type3A_691, %cond3A_692 : i32
      scf.if %cond3A_693 {
        %dma_start3A_888 = arith.constant 1 : i32
        %dma_start3A_889 = arith.constant 7 : i32
        %dma_start3A_890 = arith.constant 3 : i32
        %dma_start3A_891 = arith.constant 0 : i32
        %dma_start3A_892 = arith.constant 0 : i32
        %dma_start3A_893 = tpu.memref_slice %arg8[%dma_start3A_890, %dma_start3A_891, %dma_start3A_892] : memref<4x128x128xf32, #tpu.memory_space<vmem>> -> memref<1x128x128xf32, #tpu.memory_space<vmem>>
        %dma_start3A_894 = tpu.memref_squeeze %dma_start3A_893 : memref<1x128x128xf32, #tpu.memory_space<vmem>> -> memref<128x128xf32, #tpu.memory_space<vmem>>
        %dma_start3A_895 = arith.constant 0 : i32
        %dma_start3A_896 = tpu.memref_slice %arg6[%dma_start3A_888, %dma_start3A_889, %dma_start3A_895] : memref<2x8x128xi32, #tpu.memory_space<vmem>> -> memref<1x1x128xi32, #tpu.memory_space<vmem>>
        %dma_start3A_897 = tpu.memref_squeeze %dma_start3A_896 : memref<1x1x128xi32, #tpu.memory_space<vmem>> -> memref<128xi32, #tpu.memory_space<vmem>>
        %dma_start3A_898 = arith.constant 0 : i32
        %dma_start3A_899 = arith.constant 0 : i32
        %dma_start3A_900 = tpu.memref_slice %arg2[%dma_start3A_898, %dma_start3A_899] : memref<10240x128xf32, #tpu.memory_space<hbm>> -> memref<10240x128xf32, #tpu.memory_space<hbm>>
        tpu.enqueue_indirect_dma source(%dma_start3A_900 : memref<10240x128xf32, #tpu.memory_space<hbm>>) target(%dma_start3A_894 : memref<128x128xf32, #tpu.memory_space<vmem>>) offsets(%dma_start3A_897 : memref<128xi32, #tpu.memory_space<vmem>>) semaphore(%arg15 : memref<!tpu.dma_semaphore, #tpu.memory_space<semaphore_mem>>)
      } else {
      }
      %mul3A_694 = arith.constant 8 : i32
      %mul3A_695 = arith.muli %add3A_509, %mul3A_694 : i32
      %add3A_696 = arith.constant 4 : i32
      %add3A_697 = arith.addi %mul3A_695, %add3A_696 : i32
      %dma_wait3A_698 = arith.constant 1 : i32
      %dma_wait3A_699 = arith.constant 4 : i32
      %dma_wait3A_700 = arith.constant 0 : i32
      %dma_wait3A_701 = arith.constant 0 : i32
      %dma_wait3A_702 = arith.constant 0 : i32
      %dma_wait3A_703 = tpu.memref_slice %arg8[%dma_wait3A_700, %dma_wait3A_701, %dma_wait3A_702] : memref<4x128x128xf32, #tpu.memory_space<vmem>> -> memref<1x128x128xf32, #tpu.memory_space<vmem>>
      %dma_wait3A_704 = tpu.memref_squeeze %dma_wait3A_703 : memref<1x128x128xf32, #tpu.memory_space<vmem>> -> memref<128x128xf32, #tpu.memory_space<vmem>>
      %dma_wait3A_705 = arith.constant 0 : i32
      %dma_wait3A_706 = tpu.memref_slice %arg6[%dma_wait3A_698, %dma_wait3A_699, %dma_wait3A_705] : memref<2x8x128xi32, #tpu.memory_space<vmem>> -> memref<1x1x128xi32, #tpu.memory_space<vmem>>
      %dma_wait3A_707 = tpu.memref_squeeze %dma_wait3A_706 : memref<1x1x128xi32, #tpu.memory_space<vmem>> -> memref<128xi32, #tpu.memory_space<vmem>>
      %dma_wait3A_708 = arith.constant 0 : i32
      %dma_wait3A_709 = arith.constant 0 : i32
      %dma_wait3A_710 = tpu.memref_slice %arg2[%dma_wait3A_708, %dma_wait3A_709] : memref<10240x128xf32, #tpu.memory_space<hbm>> -> memref<10240x128xf32, #tpu.memory_space<hbm>>
      tpu.wait_indirect_dma semaphore(%arg12 : memref<!tpu.dma_semaphore, #tpu.memory_space<semaphore_mem>>) src(%dma_wait3A_710 : memref<10240x128xf32, #tpu.memory_space<hbm>>) dst(%dma_wait3A_704 : memref<128x128xf32, #tpu.memory_space<vmem>>)
      %dma_start3A_711 = arith.constant 0 : i32
      %dma_start3A_712 = arith.constant 0 : i32
      %dma_start3A_713 = arith.constant 0 : i32
      %dma_start3A_714 = tpu.memref_slice %arg8[%dma_start3A_711, %dma_start3A_712, %dma_start3A_713] : memref<4x128x128xf32, #tpu.memory_space<vmem>> -> memref<1x128x128xf32, #tpu.memory_space<vmem>>
      %dma_start3A_715 = tpu.memref_squeeze %dma_start3A_714 : memref<1x128x128xf32, #tpu.memory_space<vmem>> -> memref<128x128xf32, #tpu.memory_space<vmem>>
      %dma_start3A_716 = arith.constant 0 : i32
      %dma_start3A_717 = tpu.memref_slice %arg7[%add3A_697, %dma_start3A_716] : memref<160x128xi32, #tpu.memory_space<vmem>> -> memref<1x128xi32, #tpu.memory_space<vmem>>
      %dma_start3A_718 = tpu.memref_squeeze %dma_start3A_717 : memref<1x128xi32, #tpu.memory_space<vmem>> -> memref<128xi32, #tpu.memory_space<vmem>>
      %dma_start3A_719 = arith.constant 0 : i32
      %dma_start3A_720 = arith.constant 0 : i32
      %dma_start3A_721 = tpu.memref_slice %arg9[%dma_start3A_719, %dma_start3A_720] : memref<5248x128xf32, #tpu.memory_space<vmem_shared>> -> memref<5248x128xf32, #tpu.memory_space<vmem_shared>>
      tpu.enqueue_indirect_dma source(%dma_start3A_715 : memref<128x128xf32, #tpu.memory_space<vmem>>) target(%dma_start3A_721 : memref<5248x128xf32, #tpu.memory_space<vmem_shared>>) offsets(%dma_start3A_718 : memref<128xi32, #tpu.memory_space<vmem>>) semaphore(%arg16 : memref<!tpu.dma_semaphore, #tpu.memory_space<semaphore_mem>>) {add = true}
      %dma_wait3A_722 = arith.constant 0 : i32
      %dma_wait3A_723 = arith.constant 0 : i32
      %dma_wait3A_724 = arith.constant 0 : i32
      %dma_wait3A_725 = tpu.memref_slice %arg8[%dma_wait3A_722, %dma_wait3A_723, %dma_wait3A_724] : memref<4x128x128xf32, #tpu.memory_space<vmem>> -> memref<1x128x128xf32, #tpu.memory_space<vmem>>
      %dma_wait3A_726 = tpu.memref_squeeze %dma_wait3A_725 : memref<1x128x128xf32, #tpu.memory_space<vmem>> -> memref<128x128xf32, #tpu.memory_space<vmem>>
      %dma_wait3A_727 = arith.constant 0 : i32
      %dma_wait3A_728 = tpu.memref_slice %arg7[%add3A_697, %dma_wait3A_727] : memref<160x128xi32, #tpu.memory_space<vmem>> -> memref<1x128xi32, #tpu.memory_space<vmem>>
      %dma_wait3A_729 = tpu.memref_squeeze %dma_wait3A_728 : memref<1x128xi32, #tpu.memory_space<vmem>> -> memref<128xi32, #tpu.memory_space<vmem>>
      %dma_wait3A_730 = arith.constant 0 : i32
      %dma_wait3A_731 = arith.constant 0 : i32
      %dma_wait3A_732 = tpu.memref_slice %arg9[%dma_wait3A_730, %dma_wait3A_731] : memref<5248x128xf32, #tpu.memory_space<vmem_shared>> -> memref<5248x128xf32, #tpu.memory_space<vmem_shared>>
      tpu.wait_indirect_dma semaphore(%arg16 : memref<!tpu.dma_semaphore, #tpu.memory_space<semaphore_mem>>) src(%dma_wait3A_726 : memref<128x128xf32, #tpu.memory_space<vmem>>) dst(%dma_wait3A_732 : memref<5248x128xf32, #tpu.memory_space<vmem_shared>>)
      %lt3A_733 = arith.constant 19 : i32
      %lt3A_734 = arith.cmpi slt, %add3A_509, %lt3A_733 : i32
      %convert_element_type3A_735 = arith.extui %lt3A_734 : i1 to i32
      %cond3A_736 = arith.constant 0 : i32
      %cond3A_737 = arith.cmpi ne, %convert_element_type3A_735, %cond3A_736 : i32
      scf.if %cond3A_737 {
        %add3A_888 = arith.constant 1 : i32
        %add3A_889 = arith.addi %add3A_509, %add3A_888 : i32
        %mul3A_890 = arith.constant 8 : i32
        %mul3A_891 = arith.muli %add3A_889, %mul3A_890 : i32
        %dma_wait3A_892 = arith.constant 0 : i32
        %dma_wait3A_893 = arith.constant 0 : i32
        %dma_wait3A_894 = arith.constant 0 : i32
        %dma_wait3A_895 = tpu.memref_slice %arg6[%dma_wait3A_892, %dma_wait3A_893, %dma_wait3A_894] : memref<2x8x128xi32, #tpu.memory_space<vmem>> -> memref<1x8x128xi32, #tpu.memory_space<vmem>>
        %dma_wait3A_896 = tpu.memref_squeeze %dma_wait3A_895 : memref<1x8x128xi32, #tpu.memory_space<vmem>> -> memref<8x128xi32, #tpu.memory_space<vmem>>
        %dma_wait3A_897 = arith.constant 0 : i32
        %dma_wait3A_898 = tpu.memref_slice %arg3[%arg0, %arg1, %mul3A_891, %dma_wait3A_897] : memref<2x16x160x128xi32, #tpu.memory_space<hbm>> -> memref<1x1x8x128xi32, #tpu.memory_space<hbm>>
        %dma_wait3A_899 = tpu.memref_squeeze %dma_wait3A_898 : memref<1x1x8x128xi32, #tpu.memory_space<hbm>> -> memref<8x128xi32, #tpu.memory_space<hbm>>
        %dma_wait3A_900 = arith.constant 0 : i32
        %dma_wait3A_901 = arith.constant 0 : i32
        %dma_wait3A_902 = tpu.memref_slice %arg6[%dma_wait3A_892, %dma_wait3A_900, %dma_wait3A_901] : memref<2x8x128xi32, #tpu.memory_space<vmem>> -> memref<1x8x128xi32, #tpu.memory_space<vmem>>
        %dma_wait3A_903 = tpu.memref_squeeze %dma_wait3A_902 : memref<1x8x128xi32, #tpu.memory_space<vmem>> -> memref<8x128xi32, #tpu.memory_space<vmem>>
        %dma_wait3A_904 = arith.constant 0 : i32
        %dma_wait3A_905 = tpu.memref_slice %arg3[%arg0, %arg1, %mul3A_891, %dma_wait3A_904] : memref<2x16x160x128xi32, #tpu.memory_space<hbm>> -> memref<1x1x8x128xi32, #tpu.memory_space<hbm>>
        %dma_wait3A_906 = tpu.memref_squeeze %dma_wait3A_905 : memref<1x1x8x128xi32, #tpu.memory_space<hbm>> -> memref<8x128xi32, #tpu.memory_space<hbm>>
        tpu.wait_dma2 semaphore(%arg10 : memref<!tpu.dma_semaphore, #tpu.memory_space<semaphore_mem>>) src(%dma_wait3A_906 : memref<8x128xi32, #tpu.memory_space<hbm>>) dst(%dma_wait3A_903 : memref<8x128xi32, #tpu.memory_space<vmem>>)
      } else {
      }
      %add3A_738 = arith.constant 4 : i32
      %add3A_739 = arith.addi %add3A_697, %add3A_738 : i32
      %lt3A_740 = arith.constant 160 : i32
      %lt3A_741 = arith.cmpi slt, %add3A_739, %lt3A_740 : i32
      %convert_element_type3A_742 = arith.extui %lt3A_741 : i1 to i32
      %cond3A_743 = arith.constant 0 : i32
      %cond3A_744 = arith.cmpi ne, %convert_element_type3A_742, %cond3A_743 : i32
      scf.if %cond3A_744 {
        %dma_start3A_888 = arith.constant 0 : i32
        %dma_start3A_889 = arith.constant 0 : i32
        %dma_start3A_890 = arith.constant 0 : i32
        %dma_start3A_891 = arith.constant 0 : i32
        %dma_start3A_892 = arith.constant 0 : i32
        %dma_start3A_893 = tpu.memref_slice %arg8[%dma_start3A_890, %dma_start3A_891, %dma_start3A_892] : memref<4x128x128xf32, #tpu.memory_space<vmem>> -> memref<1x128x128xf32, #tpu.memory_space<vmem>>
        %dma_start3A_894 = tpu.memref_squeeze %dma_start3A_893 : memref<1x128x128xf32, #tpu.memory_space<vmem>> -> memref<128x128xf32, #tpu.memory_space<vmem>>
        %dma_start3A_895 = arith.constant 0 : i32
        %dma_start3A_896 = tpu.memref_slice %arg6[%dma_start3A_888, %dma_start3A_889, %dma_start3A_895] : memref<2x8x128xi32, #tpu.memory_space<vmem>> -> memref<1x1x128xi32, #tpu.memory_space<vmem>>
        %dma_start3A_897 = tpu.memref_squeeze %dma_start3A_896 : memref<1x1x128xi32, #tpu.memory_space<vmem>> -> memref<128xi32, #tpu.memory_space<vmem>>
        %dma_start3A_898 = arith.constant 0 : i32
        %dma_start3A_899 = arith.constant 0 : i32
        %dma_start3A_900 = tpu.memref_slice %arg2[%dma_start3A_898, %dma_start3A_899] : memref<10240x128xf32, #tpu.memory_space<hbm>> -> memref<10240x128xf32, #tpu.memory_space<hbm>>
        tpu.enqueue_indirect_dma source(%dma_start3A_900 : memref<10240x128xf32, #tpu.memory_space<hbm>>) target(%dma_start3A_894 : memref<128x128xf32, #tpu.memory_space<vmem>>) offsets(%dma_start3A_897 : memref<128xi32, #tpu.memory_space<vmem>>) semaphore(%arg12 : memref<!tpu.dma_semaphore, #tpu.memory_space<semaphore_mem>>)
      } else {
      }
      %mul3A_745 = arith.constant 8 : i32
      %mul3A_746 = arith.muli %add3A_509, %mul3A_745 : i32
      %add3A_747 = arith.constant 5 : i32
      %add3A_748 = arith.addi %mul3A_746, %add3A_747 : i32
      %dma_wait3A_749 = arith.constant 1 : i32
      %dma_wait3A_750 = arith.constant 5 : i32
      %dma_wait3A_751 = arith.constant 1 : i32
      %dma_wait3A_752 = arith.constant 0 : i32
      %dma_wait3A_753 = arith.constant 0 : i32
      %dma_wait3A_754 = tpu.memref_slice %arg8[%dma_wait3A_751, %dma_wait3A_752, %dma_wait3A_753] : memref<4x128x128xf32, #tpu.memory_space<vmem>> -> memref<1x128x128xf32, #tpu.memory_space<vmem>>
      %dma_wait3A_755 = tpu.memref_squeeze %dma_wait3A_754 : memref<1x128x128xf32, #tpu.memory_space<vmem>> -> memref<128x128xf32, #tpu.memory_space<vmem>>
      %dma_wait3A_756 = arith.constant 0 : i32
      %dma_wait3A_757 = tpu.memref_slice %arg6[%dma_wait3A_749, %dma_wait3A_750, %dma_wait3A_756] : memref<2x8x128xi32, #tpu.memory_space<vmem>> -> memref<1x1x128xi32, #tpu.memory_space<vmem>>
      %dma_wait3A_758 = tpu.memref_squeeze %dma_wait3A_757 : memref<1x1x128xi32, #tpu.memory_space<vmem>> -> memref<128xi32, #tpu.memory_space<vmem>>
      %dma_wait3A_759 = arith.constant 0 : i32
      %dma_wait3A_760 = arith.constant 0 : i32
      %dma_wait3A_761 = tpu.memref_slice %arg2[%dma_wait3A_759, %dma_wait3A_760] : memref<10240x128xf32, #tpu.memory_space<hbm>> -> memref<10240x128xf32, #tpu.memory_space<hbm>>
      tpu.wait_indirect_dma semaphore(%arg13 : memref<!tpu.dma_semaphore, #tpu.memory_space<semaphore_mem>>) src(%dma_wait3A_761 : memref<10240x128xf32, #tpu.memory_space<hbm>>) dst(%dma_wait3A_755 : memref<128x128xf32, #tpu.memory_space<vmem>>)
      %dma_start3A_762 = arith.constant 1 : i32
      %dma_start3A_763 = arith.constant 0 : i32
      %dma_start3A_764 = arith.constant 0 : i32
      %dma_start3A_765 = tpu.memref_slice %arg8[%dma_start3A_762, %dma_start3A_763, %dma_start3A_764] : memref<4x128x128xf32, #tpu.memory_space<vmem>> -> memref<1x128x128xf32, #tpu.memory_space<vmem>>
      %dma_start3A_766 = tpu.memref_squeeze %dma_start3A_765 : memref<1x128x128xf32, #tpu.memory_space<vmem>> -> memref<128x128xf32, #tpu.memory_space<vmem>>
      %dma_start3A_767 = arith.constant 0 : i32
      %dma_start3A_768 = tpu.memref_slice %arg7[%add3A_748, %dma_start3A_767] : memref<160x128xi32, #tpu.memory_space<vmem>> -> memref<1x128xi32, #tpu.memory_space<vmem>>
      %dma_start3A_769 = tpu.memref_squeeze %dma_start3A_768 : memref<1x128xi32, #tpu.memory_space<vmem>> -> memref<128xi32, #tpu.memory_space<vmem>>
      %dma_start3A_770 = arith.constant 0 : i32
      %dma_start3A_771 = arith.constant 0 : i32
      %dma_start3A_772 = tpu.memref_slice %arg9[%dma_start3A_770, %dma_start3A_771] : memref<5248x128xf32, #tpu.memory_space<vmem_shared>> -> memref<5248x128xf32, #tpu.memory_space<vmem_shared>>
      tpu.enqueue_indirect_dma source(%dma_start3A_766 : memref<128x128xf32, #tpu.memory_space<vmem>>) target(%dma_start3A_772 : memref<5248x128xf32, #tpu.memory_space<vmem_shared>>) offsets(%dma_start3A_769 : memref<128xi32, #tpu.memory_space<vmem>>) semaphore(%arg17 : memref<!tpu.dma_semaphore, #tpu.memory_space<semaphore_mem>>) {add = true}
      %dma_wait3A_773 = arith.constant 1 : i32
      %dma_wait3A_774 = arith.constant 0 : i32
      %dma_wait3A_775 = arith.constant 0 : i32
      %dma_wait3A_776 = tpu.memref_slice %arg8[%dma_wait3A_773, %dma_wait3A_774, %dma_wait3A_775] : memref<4x128x128xf32, #tpu.memory_space<vmem>> -> memref<1x128x128xf32, #tpu.memory_space<vmem>>
      %dma_wait3A_777 = tpu.memref_squeeze %dma_wait3A_776 : memref<1x128x128xf32, #tpu.memory_space<vmem>> -> memref<128x128xf32, #tpu.memory_space<vmem>>
      %dma_wait3A_778 = arith.constant 0 : i32
      %dma_wait3A_779 = tpu.memref_slice %arg7[%add3A_748, %dma_wait3A_778] : memref<160x128xi32, #tpu.memory_space<vmem>> -> memref<1x128xi32, #tpu.memory_space<vmem>>
      %dma_wait3A_780 = tpu.memref_squeeze %dma_wait3A_779 : memref<1x128xi32, #tpu.memory_space<vmem>> -> memref<128xi32, #tpu.memory_space<vmem>>
      %dma_wait3A_781 = arith.constant 0 : i32
      %dma_wait3A_782 = arith.constant 0 : i32
      %dma_wait3A_783 = tpu.memref_slice %arg9[%dma_wait3A_781, %dma_wait3A_782] : memref<5248x128xf32, #tpu.memory_space<vmem_shared>> -> memref<5248x128xf32, #tpu.memory_space<vmem_shared>>
      tpu.wait_indirect_dma semaphore(%arg17 : memref<!tpu.dma_semaphore, #tpu.memory_space<semaphore_mem>>) src(%dma_wait3A_777 : memref<128x128xf32, #tpu.memory_space<vmem>>) dst(%dma_wait3A_783 : memref<5248x128xf32, #tpu.memory_space<vmem_shared>>)
      %add3A_784 = arith.constant 4 : i32
      %add3A_785 = arith.addi %add3A_748, %add3A_784 : i32
      %lt3A_786 = arith.constant 160 : i32
      %lt3A_787 = arith.cmpi slt, %add3A_785, %lt3A_786 : i32
      %convert_element_type3A_788 = arith.extui %lt3A_787 : i1 to i32
      %cond3A_789 = arith.constant 0 : i32
      %cond3A_790 = arith.cmpi ne, %convert_element_type3A_788, %cond3A_789 : i32
      scf.if %cond3A_790 {
        %dma_start3A_888 = arith.constant 0 : i32
        %dma_start3A_889 = arith.constant 1 : i32
        %dma_start3A_890 = arith.constant 1 : i32
        %dma_start3A_891 = arith.constant 0 : i32
        %dma_start3A_892 = arith.constant 0 : i32
        %dma_start3A_893 = tpu.memref_slice %arg8[%dma_start3A_890, %dma_start3A_891, %dma_start3A_892] : memref<4x128x128xf32, #tpu.memory_space<vmem>> -> memref<1x128x128xf32, #tpu.memory_space<vmem>>
        %dma_start3A_894 = tpu.memref_squeeze %dma_start3A_893 : memref<1x128x128xf32, #tpu.memory_space<vmem>> -> memref<128x128xf32, #tpu.memory_space<vmem>>
        %dma_start3A_895 = arith.constant 0 : i32
        %dma_start3A_896 = tpu.memref_slice %arg6[%dma_start3A_888, %dma_start3A_889, %dma_start3A_895] : memref<2x8x128xi32, #tpu.memory_space<vmem>> -> memref<1x1x128xi32, #tpu.memory_space<vmem>>
        %dma_start3A_897 = tpu.memref_squeeze %dma_start3A_896 : memref<1x1x128xi32, #tpu.memory_space<vmem>> -> memref<128xi32, #tpu.memory_space<vmem>>
        %dma_start3A_898 = arith.constant 0 : i32
        %dma_start3A_899 = arith.constant 0 : i32
        %dma_start3A_900 = tpu.memref_slice %arg2[%dma_start3A_898, %dma_start3A_899] : memref<10240x128xf32, #tpu.memory_space<hbm>> -> memref<10240x128xf32, #tpu.memory_space<hbm>>
        tpu.enqueue_indirect_dma source(%dma_start3A_900 : memref<10240x128xf32, #tpu.memory_space<hbm>>) target(%dma_start3A_894 : memref<128x128xf32, #tpu.memory_space<vmem>>) offsets(%dma_start3A_897 : memref<128xi32, #tpu.memory_space<vmem>>) semaphore(%arg13 : memref<!tpu.dma_semaphore, #tpu.memory_space<semaphore_mem>>)
      } else {
      }
      %mul3A_791 = arith.constant 8 : i32
      %mul3A_792 = arith.muli %add3A_509, %mul3A_791 : i32
      %add3A_793 = arith.constant 6 : i32
      %add3A_794 = arith.addi %mul3A_792, %add3A_793 : i32
      %dma_wait3A_795 = arith.constant 1 : i32
      %dma_wait3A_796 = arith.constant 6 : i32
      %dma_wait3A_797 = arith.constant 2 : i32
      %dma_wait3A_798 = arith.constant 0 : i32
      %dma_wait3A_799 = arith.constant 0 : i32
      %dma_wait3A_800 = tpu.memref_slice %arg8[%dma_wait3A_797, %dma_wait3A_798, %dma_wait3A_799] : memref<4x128x128xf32, #tpu.memory_space<vmem>> -> memref<1x128x128xf32, #tpu.memory_space<vmem>>
      %dma_wait3A_801 = tpu.memref_squeeze %dma_wait3A_800 : memref<1x128x128xf32, #tpu.memory_space<vmem>> -> memref<128x128xf32, #tpu.memory_space<vmem>>
      %dma_wait3A_802 = arith.constant 0 : i32
      %dma_wait3A_803 = tpu.memref_slice %arg6[%dma_wait3A_795, %dma_wait3A_796, %dma_wait3A_802] : memref<2x8x128xi32, #tpu.memory_space<vmem>> -> memref<1x1x128xi32, #tpu.memory_space<vmem>>
      %dma_wait3A_804 = tpu.memref_squeeze %dma_wait3A_803 : memref<1x1x128xi32, #tpu.memory_space<vmem>> -> memref<128xi32, #tpu.memory_space<vmem>>
      %dma_wait3A_805 = arith.constant 0 : i32
      %dma_wait3A_806 = arith.constant 0 : i32
      %dma_wait3A_807 = tpu.memref_slice %arg2[%dma_wait3A_805, %dma_wait3A_806] : memref<10240x128xf32, #tpu.memory_space<hbm>> -> memref<10240x128xf32, #tpu.memory_space<hbm>>
      tpu.wait_indirect_dma semaphore(%arg14 : memref<!tpu.dma_semaphore, #tpu.memory_space<semaphore_mem>>) src(%dma_wait3A_807 : memref<10240x128xf32, #tpu.memory_space<hbm>>) dst(%dma_wait3A_801 : memref<128x128xf32, #tpu.memory_space<vmem>>)
      %dma_start3A_808 = arith.constant 2 : i32
      %dma_start3A_809 = arith.constant 0 : i32
      %dma_start3A_810 = arith.constant 0 : i32
      %dma_start3A_811 = tpu.memref_slice %arg8[%dma_start3A_808, %dma_start3A_809, %dma_start3A_810] : memref<4x128x128xf32, #tpu.memory_space<vmem>> -> memref<1x128x128xf32, #tpu.memory_space<vmem>>
      %dma_start3A_812 = tpu.memref_squeeze %dma_start3A_811 : memref<1x128x128xf32, #tpu.memory_space<vmem>> -> memref<128x128xf32, #tpu.memory_space<vmem>>
      %dma_start3A_813 = arith.constant 0 : i32
      %dma_start3A_814 = tpu.memref_slice %arg7[%add3A_794, %dma_start3A_813] : memref<160x128xi32, #tpu.memory_space<vmem>> -> memref<1x128xi32, #tpu.memory_space<vmem>>
      %dma_start3A_815 = tpu.memref_squeeze %dma_start3A_814 : memref<1x128xi32, #tpu.memory_space<vmem>> -> memref<128xi32, #tpu.memory_space<vmem>>
      %dma_start3A_816 = arith.constant 0 : i32
      %dma_start3A_817 = arith.constant 0 : i32
      %dma_start3A_818 = tpu.memref_slice %arg9[%dma_start3A_816, %dma_start3A_817] : memref<5248x128xf32, #tpu.memory_space<vmem_shared>> -> memref<5248x128xf32, #tpu.memory_space<vmem_shared>>
      tpu.enqueue_indirect_dma source(%dma_start3A_812 : memref<128x128xf32, #tpu.memory_space<vmem>>) target(%dma_start3A_818 : memref<5248x128xf32, #tpu.memory_space<vmem_shared>>) offsets(%dma_start3A_815 : memref<128xi32, #tpu.memory_space<vmem>>) semaphore(%arg18 : memref<!tpu.dma_semaphore, #tpu.memory_space<semaphore_mem>>) {add = true}
      %dma_wait3A_819 = arith.constant 2 : i32
      %dma_wait3A_820 = arith.constant 0 : i32
      %dma_wait3A_821 = arith.constant 0 : i32
      %dma_wait3A_822 = tpu.memref_slice %arg8[%dma_wait3A_819, %dma_wait3A_820, %dma_wait3A_821] : memref<4x128x128xf32, #tpu.memory_space<vmem>> -> memref<1x128x128xf32, #tpu.memory_space<vmem>>
      %dma_wait3A_823 = tpu.memref_squeeze %dma_wait3A_822 : memref<1x128x128xf32, #tpu.memory_space<vmem>> -> memref<128x128xf32, #tpu.memory_space<vmem>>
      %dma_wait3A_824 = arith.constant 0 : i32
      %dma_wait3A_825 = tpu.memref_slice %arg7[%add3A_794, %dma_wait3A_824] : memref<160x128xi32, #tpu.memory_space<vmem>> -> memref<1x128xi32, #tpu.memory_space<vmem>>
      %dma_wait3A_826 = tpu.memref_squeeze %dma_wait3A_825 : memref<1x128xi32, #tpu.memory_space<vmem>> -> memref<128xi32, #tpu.memory_space<vmem>>
      %dma_wait3A_827 = arith.constant 0 : i32
      %dma_wait3A_828 = arith.constant 0 : i32
      %dma_wait3A_829 = tpu.memref_slice %arg9[%dma_wait3A_827, %dma_wait3A_828] : memref<5248x128xf32, #tpu.memory_space<vmem_shared>> -> memref<5248x128xf32, #tpu.memory_space<vmem_shared>>
      tpu.wait_indirect_dma semaphore(%arg18 : memref<!tpu.dma_semaphore, #tpu.memory_space<semaphore_mem>>) src(%dma_wait3A_823 : memref<128x128xf32, #tpu.memory_space<vmem>>) dst(%dma_wait3A_829 : memref<5248x128xf32, #tpu.memory_space<vmem_shared>>)
      %add3A_830 = arith.constant 4 : i32
      %add3A_831 = arith.addi %add3A_794, %add3A_830 : i32
      %lt3A_832 = arith.constant 160 : i32
      %lt3A_833 = arith.cmpi slt, %add3A_831, %lt3A_832 : i32
      %convert_element_type3A_834 = arith.extui %lt3A_833 : i1 to i32
      %cond3A_835 = arith.constant 0 : i32
      %cond3A_836 = arith.cmpi ne, %convert_element_type3A_834, %cond3A_835 : i32
      scf.if %cond3A_836 {
        %dma_start3A_888 = arith.constant 0 : i32
        %dma_start3A_889 = arith.constant 2 : i32
        %dma_start3A_890 = arith.constant 2 : i32
        %dma_start3A_891 = arith.constant 0 : i32
        %dma_start3A_892 = arith.constant 0 : i32
        %dma_start3A_893 = tpu.memref_slice %arg8[%dma_start3A_890, %dma_start3A_891, %dma_start3A_892] : memref<4x128x128xf32, #tpu.memory_space<vmem>> -> memref<1x128x128xf32, #tpu.memory_space<vmem>>
        %dma_start3A_894 = tpu.memref_squeeze %dma_start3A_893 : memref<1x128x128xf32, #tpu.memory_space<vmem>> -> memref<128x128xf32, #tpu.memory_space<vmem>>
        %dma_start3A_895 = arith.constant 0 : i32
        %dma_start3A_896 = tpu.memref_slice %arg6[%dma_start3A_888, %dma_start3A_889, %dma_start3A_895] : memref<2x8x128xi32, #tpu.memory_space<vmem>> -> memref<1x1x128xi32, #tpu.memory_space<vmem>>
        %dma_start3A_897 = tpu.memref_squeeze %dma_start3A_896 : memref<1x1x128xi32, #tpu.memory_space<vmem>> -> memref<128xi32, #tpu.memory_space<vmem>>
        %dma_start3A_898 = arith.constant 0 : i32
        %dma_start3A_899 = arith.constant 0 : i32
        %dma_start3A_900 = tpu.memref_slice %arg2[%dma_start3A_898, %dma_start3A_899] : memref<10240x128xf32, #tpu.memory_space<hbm>> -> memref<10240x128xf32, #tpu.memory_space<hbm>>
        tpu.enqueue_indirect_dma source(%dma_start3A_900 : memref<10240x128xf32, #tpu.memory_space<hbm>>) target(%dma_start3A_894 : memref<128x128xf32, #tpu.memory_space<vmem>>) offsets(%dma_start3A_897 : memref<128xi32, #tpu.memory_space<vmem>>) semaphore(%arg14 : memref<!tpu.dma_semaphore, #tpu.memory_space<semaphore_mem>>)
      } else {
      }
      %mul3A_837 = arith.constant 8 : i32
      %mul3A_838 = arith.muli %add3A_509, %mul3A_837 : i32
      %add3A_839 = arith.constant 7 : i32
      %add3A_840 = arith.addi %mul3A_838, %add3A_839 : i32
      %dma_wait3A_841 = arith.constant 1 : i32
      %dma_wait3A_842 = arith.constant 7 : i32
      %dma_wait3A_843 = arith.constant 3 : i32
      %dma_wait3A_844 = arith.constant 0 : i32
      %dma_wait3A_845 = arith.constant 0 : i32
      %dma_wait3A_846 = tpu.memref_slice %arg8[%dma_wait3A_843, %dma_wait3A_844, %dma_wait3A_845] : memref<4x128x128xf32, #tpu.memory_space<vmem>> -> memref<1x128x128xf32, #tpu.memory_space<vmem>>
      %dma_wait3A_847 = tpu.memref_squeeze %dma_wait3A_846 : memref<1x128x128xf32, #tpu.memory_space<vmem>> -> memref<128x128xf32, #tpu.memory_space<vmem>>
      %dma_wait3A_848 = arith.constant 0 : i32
      %dma_wait3A_849 = tpu.memref_slice %arg6[%dma_wait3A_841, %dma_wait3A_842, %dma_wait3A_848] : memref<2x8x128xi32, #tpu.memory_space<vmem>> -> memref<1x1x128xi32, #tpu.memory_space<vmem>>
      %dma_wait3A_850 = tpu.memref_squeeze %dma_wait3A_849 : memref<1x1x128xi32, #tpu.memory_space<vmem>> -> memref<128xi32, #tpu.memory_space<vmem>>
      %dma_wait3A_851 = arith.constant 0 : i32
      %dma_wait3A_852 = arith.constant 0 : i32
      %dma_wait3A_853 = tpu.memref_slice %arg2[%dma_wait3A_851, %dma_wait3A_852] : memref<10240x128xf32, #tpu.memory_space<hbm>> -> memref<10240x128xf32, #tpu.memory_space<hbm>>
      tpu.wait_indirect_dma semaphore(%arg15 : memref<!tpu.dma_semaphore, #tpu.memory_space<semaphore_mem>>) src(%dma_wait3A_853 : memref<10240x128xf32, #tpu.memory_space<hbm>>) dst(%dma_wait3A_847 : memref<128x128xf32, #tpu.memory_space<vmem>>)
      %dma_start3A_854 = arith.constant 3 : i32
      %dma_start3A_855 = arith.constant 0 : i32
      %dma_start3A_856 = arith.constant 0 : i32
      %dma_start3A_857 = tpu.memref_slice %arg8[%dma_start3A_854, %dma_start3A_855, %dma_start3A_856] : memref<4x128x128xf32, #tpu.memory_space<vmem>> -> memref<1x128x128xf32, #tpu.memory_space<vmem>>
      %dma_start3A_858 = tpu.memref_squeeze %dma_start3A_857 : memref<1x128x128xf32, #tpu.memory_space<vmem>> -> memref<128x128xf32, #tpu.memory_space<vmem>>
      %dma_start3A_859 = arith.constant 0 : i32
      %dma_start3A_860 = tpu.memref_slice %arg7[%add3A_840, %dma_start3A_859] : memref<160x128xi32, #tpu.memory_space<vmem>> -> memref<1x128xi32, #tpu.memory_space<vmem>>
      %dma_start3A_861 = tpu.memref_squeeze %dma_start3A_860 : memref<1x128xi32, #tpu.memory_space<vmem>> -> memref<128xi32, #tpu.memory_space<vmem>>
      %dma_start3A_862 = arith.constant 0 : i32
      %dma_start3A_863 = arith.constant 0 : i32
      %dma_start3A_864 = tpu.memref_slice %arg9[%dma_start3A_862, %dma_start3A_863] : memref<5248x128xf32, #tpu.memory_space<vmem_shared>> -> memref<5248x128xf32, #tpu.memory_space<vmem_shared>>
      tpu.enqueue_indirect_dma source(%dma_start3A_858 : memref<128x128xf32, #tpu.memory_space<vmem>>) target(%dma_start3A_864 : memref<5248x128xf32, #tpu.memory_space<vmem_shared>>) offsets(%dma_start3A_861 : memref<128xi32, #tpu.memory_space<vmem>>) semaphore(%arg19 : memref<!tpu.dma_semaphore, #tpu.memory_space<semaphore_mem>>) {add = true}
      %dma_wait3A_865 = arith.constant 3 : i32
      %dma_wait3A_866 = arith.constant 0 : i32
      %dma_wait3A_867 = arith.constant 0 : i32
      %dma_wait3A_868 = tpu.memref_slice %arg8[%dma_wait3A_865, %dma_wait3A_866, %dma_wait3A_867] : memref<4x128x128xf32, #tpu.memory_space<vmem>> -> memref<1x128x128xf32, #tpu.memory_space<vmem>>
      %dma_wait3A_869 = tpu.memref_squeeze %dma_wait3A_868 : memref<1x128x128xf32, #tpu.memory_space<vmem>> -> memref<128x128xf32, #tpu.memory_space<vmem>>
      %dma_wait3A_870 = arith.constant 0 : i32
      %dma_wait3A_871 = tpu.memref_slice %arg7[%add3A_840, %dma_wait3A_870] : memref<160x128xi32, #tpu.memory_space<vmem>> -> memref<1x128xi32, #tpu.memory_space<vmem>>
      %dma_wait3A_872 = tpu.memref_squeeze %dma_wait3A_871 : memref<1x128xi32, #tpu.memory_space<vmem>> -> memref<128xi32, #tpu.memory_space<vmem>>
      %dma_wait3A_873 = arith.constant 0 : i32
      %dma_wait3A_874 = arith.constant 0 : i32
      %dma_wait3A_875 = tpu.memref_slice %arg9[%dma_wait3A_873, %dma_wait3A_874] : memref<5248x128xf32, #tpu.memory_space<vmem_shared>> -> memref<5248x128xf32, #tpu.memory_space<vmem_shared>>
      tpu.wait_indirect_dma semaphore(%arg19 : memref<!tpu.dma_semaphore, #tpu.memory_space<semaphore_mem>>) src(%dma_wait3A_869 : memref<128x128xf32, #tpu.memory_space<vmem>>) dst(%dma_wait3A_875 : memref<5248x128xf32, #tpu.memory_space<vmem_shared>>)
      %add3A_876 = arith.constant 4 : i32
      %add3A_877 = arith.addi %add3A_840, %add3A_876 : i32
      %lt3A_878 = arith.constant 160 : i32
      %lt3A_879 = arith.cmpi slt, %add3A_877, %lt3A_878 : i32
      %convert_element_type3A_880 = arith.extui %lt3A_879 : i1 to i32
      %cond3A_881 = arith.constant 0 : i32
      %cond3A_882 = arith.cmpi ne, %convert_element_type3A_880, %cond3A_881 : i32
      scf.if %cond3A_882 {
        %dma_start3A_888 = arith.constant 0 : i32
        %dma_start3A_889 = arith.constant 3 : i32
        %dma_start3A_890 = arith.constant 3 : i32
        %dma_start3A_891 = arith.constant 0 : i32
        %dma_start3A_892 = arith.constant 0 : i32
        %dma_start3A_893 = tpu.memref_slice %arg8[%dma_start3A_890, %dma_start3A_891, %dma_start3A_892] : memref<4x128x128xf32, #tpu.memory_space<vmem>> -> memref<1x128x128xf32, #tpu.memory_space<vmem>>
        %dma_start3A_894 = tpu.memref_squeeze %dma_start3A_893 : memref<1x128x128xf32, #tpu.memory_space<vmem>> -> memref<128x128xf32, #tpu.memory_space<vmem>>
        %dma_start3A_895 = arith.constant 0 : i32
        %dma_start3A_896 = tpu.memref_slice %arg6[%dma_start3A_888, %dma_start3A_889, %dma_start3A_895] : memref<2x8x128xi32, #tpu.memory_space<vmem>> -> memref<1x1x128xi32, #tpu.memory_space<vmem>>
        %dma_start3A_897 = tpu.memref_squeeze %dma_start3A_896 : memref<1x1x128xi32, #tpu.memory_space<vmem>> -> memref<128xi32, #tpu.memory_space<vmem>>
        %dma_start3A_898 = arith.constant 0 : i32
        %dma_start3A_899 = arith.constant 0 : i32
        %dma_start3A_900 = tpu.memref_slice %arg2[%dma_start3A_898, %dma_start3A_899] : memref<10240x128xf32, #tpu.memory_space<hbm>> -> memref<10240x128xf32, #tpu.memory_space<hbm>>
        tpu.enqueue_indirect_dma source(%dma_start3A_900 : memref<10240x128xf32, #tpu.memory_space<hbm>>) target(%dma_start3A_894 : memref<128x128xf32, #tpu.memory_space<vmem>>) offsets(%dma_start3A_897 : memref<128xi32, #tpu.memory_space<vmem>>) semaphore(%arg15 : memref<!tpu.dma_semaphore, #tpu.memory_space<semaphore_mem>>)
      } else {
      }
      %lt3A_883 = arith.constant 18 : i32
      %lt3A_884 = arith.cmpi slt, %add3A_509, %lt3A_883 : i32
      %convert_element_type3A_885 = arith.extui %lt3A_884 : i1 to i32
      %cond3A_886 = arith.constant 0 : i32
      %cond3A_887 = arith.cmpi ne, %convert_element_type3A_885, %cond3A_886 : i32
      scf.if %cond3A_887 {
        %add3A_888 = arith.constant 2 : i32
        %add3A_889 = arith.addi %add3A_509, %add3A_888 : i32
        %mul3A_890 = arith.constant 8 : i32
        %mul3A_891 = arith.muli %add3A_889, %mul3A_890 : i32
        %dma_start3A_892 = arith.constant 1 : i32
        %dma_start3A_893 = arith.constant 0 : i32
        %dma_start3A_894 = arith.constant 0 : i32
        %dma_start3A_895 = tpu.memref_slice %arg6[%dma_start3A_892, %dma_start3A_893, %dma_start3A_894] : memref<2x8x128xi32, #tpu.memory_space<vmem>> -> memref<1x8x128xi32, #tpu.memory_space<vmem>>
        %dma_start3A_896 = tpu.memref_squeeze %dma_start3A_895 : memref<1x8x128xi32, #tpu.memory_space<vmem>> -> memref<8x128xi32, #tpu.memory_space<vmem>>
        %dma_start3A_897 = arith.constant 0 : i32
        %dma_start3A_898 = tpu.memref_slice %arg3[%arg0, %arg1, %mul3A_891, %dma_start3A_897] : memref<2x16x160x128xi32, #tpu.memory_space<hbm>> -> memref<1x1x8x128xi32, #tpu.memory_space<hbm>>
        %dma_start3A_899 = tpu.memref_squeeze %dma_start3A_898 : memref<1x1x8x128xi32, #tpu.memory_space<hbm>> -> memref<8x128xi32, #tpu.memory_space<hbm>>
        %dma_start3A_900 = arith.constant 0 : i32
        %dma_start3A_901 = arith.constant 0 : i32
        %dma_start3A_902 = tpu.memref_slice %arg6[%dma_start3A_892, %dma_start3A_900, %dma_start3A_901] : memref<2x8x128xi32, #tpu.memory_space<vmem>> -> memref<1x8x128xi32, #tpu.memory_space<vmem>>
        %dma_start3A_903 = tpu.memref_squeeze %dma_start3A_902 : memref<1x8x128xi32, #tpu.memory_space<vmem>> -> memref<8x128xi32, #tpu.memory_space<vmem>>
        %dma_start3A_904 = arith.constant 0 : i32
        %dma_start3A_905 = tpu.memref_slice %arg3[%arg0, %arg1, %mul3A_891, %dma_start3A_904] : memref<2x16x160x128xi32, #tpu.memory_space<hbm>> -> memref<1x1x8x128xi32, #tpu.memory_space<hbm>>
        %dma_start3A_906 = tpu.memref_squeeze %dma_start3A_905 : memref<1x1x8x128xi32, #tpu.memory_space<hbm>> -> memref<8x128xi32, #tpu.memory_space<hbm>>
        tpu.enqueue_dma source(%dma_start3A_906 : memref<8x128xi32, #tpu.memory_space<hbm>>) target(%dma_start3A_903 : memref<8x128xi32, #tpu.memory_space<vmem>>) target_semaphore(%arg11 : memref<!tpu.dma_semaphore, #tpu.memory_space<semaphore_mem>>)
      } else {
      }
    }
    %scan3A_126 = arith.constant 10 : i32
    %barrier3A_127 = arith.constant 0 : index
    tpu.barrier barrier_id(%barrier3A_127)
    "tpu.region"() ({
      %run_scoped3A_128 = tpu.sem_alloc : memref<!tpu.dma_semaphore, #tpu.memory_space<semaphore_mem>>
      %dma_start3A_129 = arith.constant 0 : i32
      %dma_start3A_130 = tpu.memref_slice %arg5[%arg0, %mul3A_13, %dma_start3A_129] : memref<2x5248x128xf32, #tpu.memory_space<hbm>> -> memref<1x328x128xf32, #tpu.memory_space<hbm>>
      %dma_start3A_131 = tpu.memref_squeeze %dma_start3A_130 : memref<1x328x128xf32, #tpu.memory_space<hbm>> -> memref<328x128xf32, #tpu.memory_space<hbm>>
      %dma_start3A_132 = arith.constant 0 : i32
      %dma_start3A_133 = tpu.memref_slice %arg9[%mul3A_13, %dma_start3A_132] : memref<5248x128xf32, #tpu.memory_space<vmem_shared>> -> memref<328x128xf32, #tpu.memory_space<vmem_shared>>
      tpu.enqueue_dma source(%dma_start3A_133 : memref<328x128xf32, #tpu.memory_space<vmem_shared>>) target(%dma_start3A_131 : memref<328x128xf32, #tpu.memory_space<hbm>>) target_semaphore(%run_scoped3A_128 : memref<!tpu.dma_semaphore, #tpu.memory_space<semaphore_mem>>)
      %dma_wait3A_134 = arith.constant 0 : i32
      %dma_wait3A_135 = tpu.memref_slice %arg5[%arg0, %mul3A_13, %dma_wait3A_134] : memref<2x5248x128xf32, #tpu.memory_space<hbm>> -> memref<1x328x128xf32, #tpu.memory_space<hbm>>
      %dma_wait3A_136 = tpu.memref_squeeze %dma_wait3A_135 : memref<1x328x128xf32, #tpu.memory_space<hbm>> -> memref<328x128xf32, #tpu.memory_space<hbm>>
      %dma_wait3A_137 = arith.constant 0 : i32
      %dma_wait3A_138 = tpu.memref_slice %arg9[%mul3A_13, %dma_wait3A_137] : memref<5248x128xf32, #tpu.memory_space<vmem_shared>> -> memref<328x128xf32, #tpu.memory_space<vmem_shared>>
      tpu.wait_dma2 semaphore(%run_scoped3A_128 : memref<!tpu.dma_semaphore, #tpu.memory_space<semaphore_mem>>) src(%dma_wait3A_138 : memref<328x128xf32, #tpu.memory_space<vmem_shared>>) dst(%dma_wait3A_136 : memref<328x128xf32, #tpu.memory_space<hbm>>)
      tpu.yield
    }) : () -> ()
    return
  }
}

module attributes {stable_mosaic.version = 14 : i64} {
  func.func @_tc_mid_body(%arg0: i32, %arg1: memref<1x1024x128xf32, #tpu.memory_space<vmem>>, %arg2: memref<1024x128xf32, #tpu.memory_space<vmem>>, %arg3: memref<1024x1xf32, #tpu.memory_space<vmem>>, %arg4: memref<128x128xf32, #tpu.memory_space<vmem>>, %arg5: memref<1x128xf32, #tpu.memory_space<vmem>>, %arg6: memref<1024x128xf32, #tpu.memory_space<vmem>>, %arg7: memref<1024x128xf32, #tpu.memory_space<vmem>>) attributes {dimension_semantics = [#tpu.dimension_semantics<arbitrary>], iteration_bounds = array<i64: 10>, scalar_prefetch = 0 : i64, scratch_operands = 0 : i64, tpu.core_type = #tpu.core_type<tc>, window_params = [{transform_indices = @transform_0, window_bounds = array<i64: 1, 1024, 128>}, {transform_indices = @transform_1, window_bounds = array<i64: 1024, 128>}, {transform_indices = @transform_2, window_bounds = array<i64: 1024, 1>}, {pipeline_mode = #tpu.pipeline_mode<synchronous>, transform_indices = @transform_3, window_bounds = array<i64: 128, 128>}, {pipeline_mode = #tpu.pipeline_mode<synchronous>, transform_indices = @transform_4, window_bounds = array<i64: 1, 128>}, {transform_indices = @transform_5, window_bounds = array<i64: 1024, 128>}, {transform_indices = @transform_6, window_bounds = array<i64: 1024, 128>}]} {
    %get3A = arith.constant 0 : index
    %get3A_0 = arith.constant 0 : index
    %get3A_1 = vector.load %arg3[%get3A, %get3A_0] : memref<1024x1xf32, #tpu.memory_space<vmem>>, vector<1024x1xf32>
    %get3A_2 = arith.constant 0 : index
    %get3A_3 = arith.constant 0 : index
    %get3A_4 = arith.constant 0 : index
    %get3A_5 = vector.load %arg1[%get3A_2, %get3A_3, %get3A_4] : memref<1x1024x128xf32, #tpu.memory_space<vmem>>, vector<1x1024x128xf32>
    %get3A_6 = vector.shape_cast %get3A_5 : vector<1x1024x128xf32> to vector<1024x128xf32>
    %get3A_7 = arith.constant 0 : index
    %get3A_8 = arith.constant 0 : index
    %get3A_9 = vector.load %arg2[%get3A_7, %get3A_8] : memref<1024x128xf32, #tpu.memory_space<vmem>>, vector<1024x128xf32>
    %add3A = arith.addf %get3A_6, %get3A_9 : vector<1024x128xf32>
    %mul3A = vector.broadcast %get3A_1 : vector<1024x1xf32> to vector<1024x128xf32>
    %mul3A_10 = arith.mulf %mul3A, %add3A : vector<1024x128xf32>
    %get3A_11 = arith.constant 0 : index
    %get3A_12 = arith.constant 0 : index
    %get3A_13 = vector.load %arg5[%get3A_11, %get3A_12] : memref<1x128xf32, #tpu.memory_space<vmem>>, vector<1x128xf32>
    %add3A_14 = vector.broadcast %get3A_13 : vector<1x128xf32> to vector<1024x128xf32>
    %add3A_15 = arith.addf %mul3A_10, %add3A_14 : vector<1024x128xf32>
    %swap3A = arith.constant 0 : index
    %swap3A_16 = arith.constant 0 : index
    %swap3A_17 = vector.load %arg6[%swap3A, %swap3A_16] : memref<1024x128xf32, #tpu.memory_space<vmem>>, vector<1024x128xf32>
    tpu.vector_store %arg6[%swap3A, %swap3A_16], %add3A_15 {strides = array<i32>} : memref<1024x128xf32, #tpu.memory_space<vmem>>, vector<1024x128xf32>,
    %neg3A = arith.constant 0.000000e+00 : f32
    %neg3A_18 = vector.broadcast %neg3A : f32 to vector<1024x128xf32>
    %neg3A_19 = arith.subf %neg3A_18, %add3A_15 : vector<1024x128xf32>
    %exp3A = math.exp %neg3A_19 : vector<1024x128xf32>
    %add3A_20 = arith.constant 1.000000e+00 : f32
    %add3A_21 = vector.broadcast %add3A_20 : f32 to vector<1024x128xf32>
    %add3A_22 = arith.addf %add3A_21, %exp3A : vector<1024x128xf32>
    %div3A = arith.constant 1.000000e+00 : f32
    %div3A_23 = vector.broadcast %div3A : f32 to vector<1024x128xf32>
    %div3A_24 = arith.divf %div3A_23, %add3A_22 : vector<1024x128xf32>
    %mul3A_25 = arith.mulf %add3A_15, %div3A_24 : vector<1024x128xf32>
    %get3A_26 = arith.constant 0 : index
    %get3A_27 = arith.constant 0 : index
    %get3A_28 = vector.load %arg4[%get3A_26, %get3A_27] : memref<128x128xf32, #tpu.memory_space<vmem>>, vector<128x128xf32>
    %dot_general3A = arith.constant dense<0.000000e+00> : vector<1024x128xf32>
    %dot_general3A_29 = tpu.matmul %mul3A_25, %get3A_28, %dot_general3A {dimension_numbers = #tpu.dot_dimension_numbers<[1], [0], [0], [1], [0, 0, 1, 1], [], []>, transpose_lhs_hint = false} : vector<1024x128xf32>, vector<128x128xf32>, vector<1024x128xf32> -> vector<1024x128xf32>
    %mul3A_30 = vector.broadcast %get3A_1 : vector<1024x1xf32> to vector<1024x128xf32>
    %mul3A_31 = arith.mulf %mul3A_30, %dot_general3A_29 : vector<1024x128xf32>
    %mul3A_32 = arith.constant 1024 : i32
    %mul3A_33 = arith.muli %arg0, %mul3A_32 : i32
    %iota3A = tpu.iota {dimensions = array<i32: 0>} : vector<1024x1xi32>
    %add3A_34 = vector.broadcast %mul3A_33 : i32 to vector<1024x1xi32>
    %add3A_35 = arith.addi %add3A_34, %iota3A : vector<1024x1xi32>
    %lt3A = arith.constant 10000 : i32
    %lt3A_36 = vector.broadcast %lt3A : i32 to vector<1024x1xi32>
    %lt3A_37 = arith.cmpi slt, %add3A_35, %lt3A_36 : vector<1024x1xi32>
    %jit3A = arith.constant 0.000000e+00 : f32
    %broadcast_in_dim3A = vector.shape_cast %lt3A_37 : vector<1024x1xi1> to vector<1024x1xi1>
    %broadcast_in_dim3A_38 = vector.broadcast %broadcast_in_dim3A : vector<1024x1xi1> to vector<1024x128xi1>
    %broadcast_in_dim3A_39 = vector.broadcast %jit3A : f32 to vector<1024x128xf32>
    %select_n3A = arith.select %broadcast_in_dim3A_38, %mul3A_31, %broadcast_in_dim3A_39 : vector<1024x128xi1>, vector<1024x128xf32>
    %swap3A_40 = arith.constant 0 : index
    %swap3A_41 = arith.constant 0 : index
    %swap3A_42 = vector.load %arg7[%swap3A_40, %swap3A_41] : memref<1024x128xf32, #tpu.memory_space<vmem>>, vector<1024x128xf32>
    tpu.vector_store %arg7[%swap3A_40, %swap3A_41], %select_n3A {strides = array<i32>} : memref<1024x128xf32, #tpu.memory_space<vmem>>, vector<1024x128xf32>,
    return
  }
  func.func @transform_0(%arg0: i32) -> (i32, i32, i32) {
    %jit3A = arith.constant 5 : i32
    %div3A = arith.divsi %arg0, %jit3A : i32
    %sign3A = arith.constant 0 : i32
    %sign3A_0 = arith.cmpi sgt, %arg0, %sign3A : i32
    %sign3A_1 = arith.extui %sign3A_0 : i1 to i32
    %sign3A_2 = arith.constant 0 : i32
    %sign3A_3 = arith.cmpi slt, %arg0, %sign3A_2 : i32
    %sign3A_4 = arith.extui %sign3A_3 : i1 to i32
    %sign3A_5 = arith.subi %sign3A_1, %sign3A_4 : i32
    %sign3A_6 = arith.constant 0 : i32
    %sign3A_7 = arith.cmpi sgt, %jit3A, %sign3A_6 : i32
    %sign3A_8 = arith.extui %sign3A_7 : i1 to i32
    %sign3A_9 = arith.constant 0 : i32
    %sign3A_10 = arith.cmpi slt, %jit3A, %sign3A_9 : i32
    %sign3A_11 = arith.extui %sign3A_10 : i1 to i32
    %sign3A_12 = arith.subi %sign3A_8, %sign3A_11 : i32
    %ne3A = arith.cmpi ne, %sign3A_5, %sign3A_12 : i32
    %rem3A = arith.remsi %arg0, %jit3A : i32
    %ne3A_13 = arith.constant 0 : i32
    %ne3A_14 = arith.cmpi ne, %rem3A, %ne3A_13 : i32
    %and3A = arith.andi %ne3A, %ne3A_14 : i1
    %sub3A = arith.constant 1 : i32
    %sub3A_15 = arith.subi %div3A, %sub3A : i32
    %select_n3A = arith.select %and3A, %sub3A_15, %div3A : i32
    %jit3A_16 = arith.constant 5 : i32
    %eq3A = arith.constant 0 : i32
    %eq3A_17 = arith.cmpi eq, %jit3A_16, %eq3A : i32
    %jit3A_18 = arith.constant 1 : i32
    %select_n3A_19 = arith.select %eq3A_17, %jit3A_18, %jit3A_16 : i32
    %rem3A_20 = arith.remsi %arg0, %select_n3A_19 : i32
    %ne3A_21 = arith.constant 0 : i32
    %ne3A_22 = arith.cmpi ne, %rem3A_20, %ne3A_21 : i32
    %lt3A = arith.constant 0 : i32
    %lt3A_23 = arith.cmpi slt, %rem3A_20, %lt3A : i32
    %lt3A_24 = arith.constant 0 : i32
    %lt3A_25 = arith.cmpi slt, %select_n3A_19, %lt3A_24 : i32
    %ne3A_26 = arith.xori %lt3A_23, %lt3A_25 : i1
    %and3A_27 = arith.andi %ne3A_26, %ne3A_22 : i1
    %add3A = arith.addi %rem3A_20, %select_n3A_19 : i32
    %select_n3A_28 = arith.select %and3A_27, %add3A, %rem3A_20 : i32
    %c0_i32 = arith.constant 0 : i32
    %c0_i32_29 = arith.constant 0 : i32
    return %select_n3A, %select_n3A_28, %c0_i32 : i32, i32, i32
  }
  func.func @transform_1(%arg0: i32) -> (i32, i32) {
    %c0_i32 = arith.constant 0 : i32
    %c0_i32_0 = arith.constant 0 : i32
    return %arg0, %c0_i32 : i32, i32
  }
  func.func @transform_2(%arg0: i32) -> (i32, i32) {
    %c0_i32 = arith.constant 0 : i32
    %c0_i32_0 = arith.constant 0 : i32
    return %arg0, %c0_i32 : i32, i32
  }
  func.func @transform_3(%arg0: i32) -> (i32, i32) {
    %c0_i32 = arith.constant 0 : i32
    %c0_i32_0 = arith.constant 0 : i32
    %c0_i32_1 = arith.constant 0 : i32
    return %c0_i32, %c0_i32_0 : i32, i32
  }
  func.func @transform_4(%arg0: i32) -> (i32, i32) {
    %c0_i32 = arith.constant 0 : i32
    %c0_i32_0 = arith.constant 0 : i32
    %c0_i32_1 = arith.constant 0 : i32
    return %c0_i32, %c0_i32_0 : i32, i32
  }
  func.func @transform_5(%arg0: i32) -> (i32, i32) {
    %c0_i32 = arith.constant 0 : i32
    %c0_i32_0 = arith.constant 0 : i32
    return %arg0, %c0_i32 : i32, i32
  }
  func.func @transform_6(%arg0: i32) -> (i32, i32) {
    %c0_i32 = arith.constant 0 : i32
    %c0_i32_0 = arith.constant 0 : i32
    return %arg0, %c0_i32 : i32, i32
  }
}

module attributes {stable_mosaic.version = 14 : i64} {
  func.func @_tc0_body(%arg0: i32, %arg1: memref<1024x128xf32, #tpu.memory_space<vmem>>, %arg2: memref<128x128xf32, #tpu.memory_space<vmem>>, %arg3: memref<2x1024x128xf32, #tpu.memory_space<vmem>>, %arg4: memref<1024x128xf32, #tpu.memory_space<vmem>>, %arg5: memref<1024x1xf32, #tpu.memory_space<vmem>>) attributes {dimension_semantics = [#tpu.dimension_semantics<arbitrary>], iteration_bounds = array<i64: 10>, scalar_prefetch = 0 : i64, scratch_operands = 0 : i64, tpu.core_type = #tpu.core_type<tc>, window_params = [{transform_indices = @transform_0, window_bounds = array<i64: 1024, 128>}, {pipeline_mode = #tpu.pipeline_mode<synchronous>, transform_indices = @transform_1, window_bounds = array<i64: 128, 128>}, {transform_indices = @transform_2, window_bounds = array<i64: 2, 1024, 128>}, {transform_indices = @transform_3, window_bounds = array<i64: 1024, 128>}, {transform_indices = @transform_4, window_bounds = array<i64: 1024, 1>}]} {
    %get3A = arith.constant 0 : index
    %get3A_0 = arith.constant 0 : index
    %get3A_1 = arith.constant 0 : index
    %get3A_2 = vector.load %arg3[%get3A, %get3A_0, %get3A_1] : memref<2x1024x128xf32, #tpu.memory_space<vmem>>, vector<1x1024x1xf32>
    %get3A_3 = vector.shape_cast %get3A_2 : vector<1x1024x1xf32> to vector<1024x1xf32>
    %get3A_4 = arith.constant 1 : index
    %get3A_5 = arith.constant 0 : index
    %get3A_6 = arith.constant 0 : index
    %get3A_7 = vector.load %arg3[%get3A_4, %get3A_5, %get3A_6] : memref<2x1024x128xf32, #tpu.memory_space<vmem>>, vector<1x1024x1xf32>
    %get3A_8 = vector.shape_cast %get3A_7 : vector<1x1024x1xf32> to vector<1024x1xf32>
    %add3A = arith.addf %get3A_3, %get3A_8 : vector<1024x1xf32>
    %add3A_9 = arith.constant 1.000000e+00 : f32
    %add3A_10 = vector.broadcast %add3A_9 : f32 to vector<1024x1xf32>
    %add3A_11 = arith.addf %add3A, %add3A_10 : vector<1024x1xf32>
    %rsqrt3A = math.rsqrt %add3A_11 : vector<1024x1xf32>
    %mul3A = arith.constant 1024 : i32
    %mul3A_12 = arith.muli %arg0, %mul3A : i32
    %iota3A = tpu.iota {dimensions = array<i32: 0>} : vector<1024x1xi32>
    %add3A_13 = vector.broadcast %mul3A_12 : i32 to vector<1024x1xi32>
    %add3A_14 = arith.addi %add3A_13, %iota3A : vector<1024x1xi32>
    %lt3A = arith.constant 10000 : i32
    %lt3A_15 = vector.broadcast %lt3A : i32 to vector<1024x1xi32>
    %lt3A_16 = arith.cmpi slt, %add3A_14, %lt3A_15 : vector<1024x1xi32>
    %get3A_17 = arith.constant 0 : index
    %get3A_18 = arith.constant 0 : index
    %get3A_19 = vector.load %arg1[%get3A_17, %get3A_18] : memref<1024x128xf32, #tpu.memory_space<vmem>>, vector<1024x128xf32>
    %get3A_20 = arith.constant 0 : index
    %get3A_21 = arith.constant 0 : index
    %get3A_22 = vector.load %arg2[%get3A_20, %get3A_21] : memref<128x128xf32, #tpu.memory_space<vmem>>, vector<128x128xf32>
    %dot_general3A = arith.constant dense<0.000000e+00> : vector<1024x128xf32>
    %dot_general3A_23 = tpu.matmul %get3A_19, %get3A_22, %dot_general3A {dimension_numbers = #tpu.dot_dimension_numbers<[1], [0], [0], [1], [0, 0, 1, 1], [], []>, transpose_lhs_hint = false} : vector<1024x128xf32>, vector<128x128xf32>, vector<1024x128xf32> -> vector<1024x128xf32>
    %mul3A_24 = vector.broadcast %rsqrt3A : vector<1024x1xf32> to vector<1024x128xf32>
    %mul3A_25 = arith.mulf %mul3A_24, %dot_general3A_23 : vector<1024x128xf32>
    %jit3A = arith.constant 0.000000e+00 : f32
    %broadcast_in_dim3A = vector.shape_cast %lt3A_16 : vector<1024x1xi1> to vector<1024x1xi1>
    %broadcast_in_dim3A_26 = vector.broadcast %broadcast_in_dim3A : vector<1024x1xi1> to vector<1024x128xi1>
    %broadcast_in_dim3A_27 = vector.broadcast %jit3A : f32 to vector<1024x128xf32>
    %select_n3A = arith.select %broadcast_in_dim3A_26, %mul3A_25, %broadcast_in_dim3A_27 : vector<1024x128xi1>, vector<1024x128xf32>
    %swap3A = arith.constant 0 : index
    %swap3A_28 = arith.constant 0 : index
    %swap3A_29 = vector.load %arg4[%swap3A, %swap3A_28] : memref<1024x128xf32, #tpu.memory_space<vmem>>, vector<1024x128xf32>
    tpu.vector_store %arg4[%swap3A, %swap3A_28], %select_n3A {strides = array<i32>} : memref<1024x128xf32, #tpu.memory_space<vmem>>, vector<1024x128xf32>,
    %jit3A_30 = arith.constant 0.000000e+00 : f32
    %broadcast_in_dim3A_31 = vector.broadcast %jit3A_30 : f32 to vector<1024x1xf32>
    %select_n3A_32 = arith.select %lt3A_16, %rsqrt3A, %broadcast_in_dim3A_31 : vector<1024x1xi1>, vector<1024x1xf32>
    %swap3A_33 = arith.constant 0 : index
    %swap3A_34 = arith.constant 0 : index
    %swap3A_35 = vector.load %arg5[%swap3A_33, %swap3A_34] : memref<1024x1xf32, #tpu.memory_space<vmem>>, vector<1024x1xf32>
    tpu.vector_store %arg5[%swap3A_33, %swap3A_34], %select_n3A_32 {strides = array<i32>} : memref<1024x1xf32, #tpu.memory_space<vmem>>, vector<1024x1xf32>,
    return
  }
  func.func @transform_0(%arg0: i32) -> (i32, i32) {
    %c0_i32 = arith.constant 0 : i32
    %c0_i32_0 = arith.constant 0 : i32
    return %arg0, %c0_i32 : i32, i32
  }
  func.func @transform_1(%arg0: i32) -> (i32, i32) {
    %c0_i32 = arith.constant 0 : i32
    %c0_i32_0 = arith.constant 0 : i32
    %c0_i32_1 = arith.constant 0 : i32
    return %c0_i32, %c0_i32_0 : i32, i32
  }
  func.func @transform_2(%arg0: i32) -> (i32, i32, i32) {
    %c0_i32 = arith.constant 0 : i32
    %c0_i32_0 = arith.constant 0 : i32
    %c0_i32_1 = arith.constant 0 : i32
    return %c0_i32, %arg0, %c0_i32_0 : i32, i32, i32
  }
  func.func @transform_3(%arg0: i32) -> (i32, i32) {
    %c0_i32 = arith.constant 0 : i32
    %c0_i32_0 = arith.constant 0 : i32
    return %arg0, %c0_i32 : i32, i32
  }
  func.func @transform_4(%arg0: i32) -> (i32, i32) {
    %c0_i32 = arith.constant 0 : i32
    %c0_i32_0 = arith.constant 0 : i32
    return %arg0, %c0_i32 : i32, i32
  }
}

</mosaic_0001>

<sc_bundles>
// kernel: closed_call.13.cloned.1.call-start
scs
__scs_entry_jumppad:
0x0: {  	(pc) =	sbr.rel $0x88, $3  }
0x1: {  	(tag) =	ssettag $0x0;
	lr =	simm.s32 $0x1  }
0x2: {  	[smem:$0x3F95] =	sst lr;
	_ =	strace $0xD0000000  }
0x3: {  	_ = 	snop  }
0x4: {  	_ = 	snop  }
0x5: {  	_ = 	snop  }
0x6: {  	_ = 	snop  }
0x7: {  	_ = 	snop  }
__scs_overlays_trampoline_lowered:
0x8: {  	[smem:$0x3FA4] =	sst s0  }
0x9: {  	[smem:$0x3FA5] =	sst s1  }
0xa: {  	[smem:$0x3FA6] =	sst s2  }
0xb: {  	[smem:$0x3FA7] =	sst s3  }
0xc: {  	[smem:$0x3FA8] =	sst s4  }
0xd: {  	[smem:$0x3FA9] =	sst s5  }
0xe: {  	[smem:$0x3FAA] =	sst s6  }
0xf: {  	[smem:$0x3FAB] =	sst s7  }
0x10: {  	[smem:$0x3FAC] =	sst s8  }
0x11: {  	[smem:$0x3FAD] =	sst s9;
	s0 =	simm.s32 @!p0 $0x0  }
0x12: {  	s1 =	sld [smem:$0x3F93];
	s0 =	simm.s32 @p0 $0x1  }
0x13: {  	[smem:$0x3FAE] =	sst s0;
	s0 =	simm.s32 @!p1 $0x0  }
0x14: {  	s2 =	sld [smem:$0x3F92];
	s0 =	simm.s32 @p1 $0x1  }
0x15: {  	[smem:$0x3FAF] =	sst s0;
	s0 =	simm.s32 @!p2 $0x0  }
0x16: {  	s3 =	sld [smem:$0x3FDB];
	s0 =	simm.s32 @p2 $0x1  }
0x17: {  	s4 =	simm.s32 $0x1BF5;
	[smem:$0x3FB1] =	sst s0  }
0x18: {  	s0 =	sld [smem:$0x3F94];
	_ =	swait.ge [sflag:s4], $0x0  }
0x19: {  	s7 =	sld [smem:$0x3F95]  }
0x1a: {  	s8 =	sadd.s32 $0xFFFFE003, lr  }
0x1b: {  	s9 =	sadd.s32 $0xFFFFFEF7, lr;
	s5 =	simm.s32 $0xFFFFFFFF;
	p2 =	slt.u32 s8, $0xFFFFF086  }
0x1c: {  	p1 =	slt.u32 s9, $0xF7A;
	s5 =	simm.s32 @!p2 $0x0  }
0x1d: {  	s5 =	simm.s32 @p1 $0x1;
	p0 =	seq.s32 s7, s2  }
0x1e: {  	s7 =	smul.u32 @!p0 $0xF7A, s2;
	p2 =	seq.s32 @!p0 s5, $0x0  }
0x1f: {  	s9 =	smul.u32 $0xF7A, s1;
	s8 =	simm.s32 @!p0 $0x1BF5;
	p2 =	por !p2, p0  }
0x20: {  	[sflag:s8] =	ssyncset.s32 @!p0 $0xFFFFF086;
	s6 =	sadd.s32 @!p0 s3, s7;
	s7 =	simm.s32 @!p0 $0x108  }
0x21: {  	s3 =	sadd.s32 s3, s9;
	s6 =	sadd.s32 @!p0 $0x88, s6;
	s7 =	simm.s32 @p2 $0x1082  }
0x22: {  	[simem:s7], [sflag:s8] =	dma.local @!p0 [hbm:s6], $0xF7A  }
0x23: {  	s9 =	sor.u32 $0xD0000000, s2;
	s6 =	simm.s32 $0x108;
	_ =	swait.ge @!p0 [sflag:s8], $0x0  }
0x24: {  	s3 =	sadd.s32 $0x88, s3;
	s6 =	simm.s32 @!p1 $0x1082;
	[sflag:s4] =	ssyncset.s32 $0xFFFFF086  }
0x25: {  	[simem:s6], [sflag:s4] =	dma.local [hbm:s3], $0xF7A  }
0x26: {  	[smem:$0x3F95] =	sst s1;
	(tag) =	ssettag s2;
	_ =	strace s9  }
0x27: {  	s1 =	sld [smem:$0x3FA5]  }
0x28: {  	s2 =	sld [smem:$0x3FA6]  }
0x29: {  	s4 =	sld [smem:$0x3FA8]  }
0x2a: {  	p0 =	seq.s32 s5, $0x0;
	s5 =	sld [smem:$0x3FA9]  }
0x2b: {  	s6 =	sld [smem:$0x3FAA]  }
0x2c: {  	s7 =	sld [smem:$0x3FAB]  }
0x2d: {  	s3 =	simm.s32 $0x108;
	s8 =	sld [smem:$0x3FAC]  }
0x2e: {  	s3 =	simm.s32 @!p0 $0x1082;
	s9 =	sld [smem:$0x3FAD]  }
0x2f: {  	lr =	sadd.s32 s0, s3;
	s0 =	sld [smem:$0x3FA4]  }
0x30: {  	s3 =	sld [smem:$0x3FA7]  }
0x31: {  	[smem:$0x3FB0] =	sst s10  }
0x32: {  	s10 =	sld [smem:$0x3FAE];
	_ =	sdelay $0x3  }
0x33: {  	p0 =	seq.s32 s10, $0x1;
	s10 =	sld [smem:$0x3FB0];
	_ =	sdelay $0x3  }
0x34: {  	[smem:$0x3FB0] =	sst s10  }
0x35: {  	s10 =	sld [smem:$0x3FAF];
	_ =	sdelay $0x3  }
0x36: {  	p1 =	seq.s32 s10, $0x1;
	s10 =	sld [smem:$0x3FB0];
	_ =	sdelay $0x3  }
0x37: {  	[smem:$0x3FB0] =	sst s10  }
0x38: {  	s10 =	sld [smem:$0x3FB1]  }
0x39: {  	_ = 	snop;
	(pc) =	sbr.ind lr, $3  }
0x3a: {  	_ = 	snop  }
0x3b: {  	_ = 	snop  }
0x3c: {  	p2 =	seq.s32 s10, $0x1;
	s10 =	sld [smem:$0x3FB0]  }
0x3d: {  	_ =	shalt  }
0x3e: {  	_ =	shalt  }
0x3f: {  	_ =	shalt  }
0x40: {  	_ =	shalt  }
0x41: {  	_ =	shalt  }
0x42: {  	_ =	shalt  }
0x43: {  	_ =	shalt  }
0x44: {  	_ =	shalt  }
0x45: {  	_ =	shalt  }
0x46: {  	_ =	shalt  }
0x47: {  	_ =	shalt  }
0x48: {  	_ =	shalt  }
0x49: {  	_ =	shalt  }
0x4a: {  	_ =	shalt  }
0x4b: {  	_ =	shalt  }
0x4c: {  	_ =	shalt  }
0x4d: {  	_ =	shalt  }
0x4e: {  	_ =	shalt  }
0x4f: {  	_ =	shalt  }
0x50: {  	_ =	shalt  }
0x51: {  	_ =	shalt  }
0x52: {  	_ =	shalt  }
0x53: {  	_ =	shalt  }
0x54: {  	_ =	shalt  }
0x55: {  	_ =	shalt  }
0x56: {  	_ =	shalt  }
0x57: {  	_ =	shalt  }
0x58: {  	_ =	shalt  }
0x59: {  	_ =	shalt  }
0x5a: {  	_ =	shalt  }
0x5b: {  	_ =	shalt  }
0x5c: {  	_ =	shalt  }
0x5d: {  	_ =	shalt  }
0x5e: {  	_ =	shalt  }
0x5f: {  	_ =	shalt  }
0x60: {  	_ =	shalt  }
0x61: {  	_ =	shalt  }
0x62: {  	_ =	shalt  }
0x63: {  	_ =	shalt  }
0x64: {  	_ =	shalt  }
0x65: {  	_ =	shalt  }
0x66: {  	_ =	shalt  }
0x67: {  	_ =	shalt  }
0x68: {  	_ =	shalt  }
0x69: {  	_ =	shalt  }
0x6a: {  	_ =	shalt  }
0x6b: {  	_ =	shalt  }
0x6c: {  	_ =	shalt  }
0x6d: {  	_ =	shalt  }
0x6e: {  	_ =	shalt  }
0x6f: {  	_ =	shalt  }
0x70: {  	_ =	shalt  }
0x71: {  	_ =	shalt  }
0x72: {  	_ =	shalt  }
0x73: {  	_ =	shalt  }
0x74: {  	_ =	shalt  }
0x75: {  	_ =	shalt  }
0x76: {  	_ =	shalt  }
0x77: {  	_ =	shalt  }
0x78: {  	_ =	shalt  }
0x79: {  	_ =	shalt  }
0x7a: {  	_ =	shalt  }
0x7b: {  	_ =	shalt  }
0x7c: {  	_ =	shalt  }
0x7d: {  	_ =	shalt  }
0x7e: {  	_ =	shalt  }
0x7f: {  	_ =	shalt  }
0x80: {  	_ =	shalt  }
0x81: {  	_ =	shalt  }
0x82: {  	_ =	shalt  }
0x83: {  	_ =	shalt  }
0x84: {  	_ =	shalt  }
0x85: {  	_ =	shalt  }
0x86: {  	_ =	shalt  }
0x87: {  	_ =	shalt  }
.Lfunc_end0:
.L_simem_size_0:
called_computation_lowered:
.L_overlay_start_0:
0x88: {  	s2 =	sld [smem:$0x3FD9]  }
0x89: {  	s3 =	sld [smem:$0x3FFE];
	_ =	sdelay $0x1  }
0x8a: {  	s1 =	srdreg.scid  }
0x8b: {  	s0 =	sand.u32 $0x1, s1  }
0x8c: {  	s17 =	sshll.u32 s0, $0xA;
	s2 =	sadd.s32 s3, s2  }
0x8d: {  	s2 =	sadd.s32 s2, s17  }
0x8e: {  	[smem:$0x3FBC] =	sst s2  }
0x8f: {  	_ = 	snop  }
0x90: {  	s2 =	sld [smem:$0x3FD0];
	(tm) =	ssettm $0x1  }
0x91: {  	s18 =	sld [smem:$0x3FFB];
	_ =	sdelay $0x3  }
0x92: {  	_ =	strace s18  }
0x93: {  	s3 =	sld [smem:$0x3FFC];
	_ =	sdelay $0x3  }
0x94: {  	_ =	strace s3  }
0x95: {  	s3 =	sld [smem:$0x3FFD];
	_ =	sdelay $0x3  }
0x96: {  	_ =	strace s3  }
0x97: {  	_ =	strace $0x8FFFFFFF  }
0x98: {  	s19 =	sld [smem:$0x3FDB];
	_ =	sdelay $0x1  }
0x99: {  	s4 =	simm.s32 $_scs_section_size  }
0x9a: {  	s5 =	simm.s32 $_size__tile_overlayer_lowered;
	s6 =	simm.s32 $_tile_overlayer_lowered  }
0x9b: {  	s22 =	simm.s32 $0x1BFF;
	s21 =	sshll.u32 s6, $0x1;
	s3 =	sadd.s32 s4, s19  }
0x9c: {  	s7 =	simm.s32 $0x0;
	s20 =	sshll.u32 s5, $0x1;
	s5 =	sadd.s32 s21, s3  }
0x9d: {  	[timem:s7], [sflag:s22] =	dma.local [hbm:s5], s20  }
0x9e: {  	_ =	swait.ge [sflag:s22], s20  }
0x9f: {  	s4 =	ssub.s32 $0x0, s20;
	[sflag:s22] =	ssyncset.done $0x0  }
0xa0: {  	[sflag:s22] =	ssyncadd.s32 s4;
	_ =	sdelay $0x1  }
0xa1: {  	s23 =	simm.s32 $0x1B8B  }
0xa2: {  	_ =	swait.ge [sflag:s23], $0x1  }
0xa3: {  	[sflag:s23] =	ssyncset.done $0x0  }
0xa4: {  	s25 =	simm.s32 $0x1B8E;
	s24 =	sld [smem:$0x3FFE];
	[sflag:s23] =	ssyncadd.s32 $0xFFFFFFFF  }
0xa5: {  	s26 =	simm.s32 $execute0_lowered;
	[smem:$0x3FD2] =	sst s25  }
0xa6: {  	s5 =	sshll.u32 s26, $0x1;
	_ =	strace $0x80000049;
	[dreg:$0x1] =	wrdreg $0xFFFFFFFF  }
0xa7: {  	s28 =	simm.s32 $_size_execute0_lowered;
	s3 =	sadd.s32 s3, s5;
	[dreg:$0x0] =	wrdreg $0x0  }
0xa8: {  	s5 =	sshll.u32 s28, $0x1;
	[dreg:$0x2] =	wrdreg s3  }
0xa9: {  	[dreg:$0x3] =	wrdreg s5  }
0xaa: {  	[dreg:$0x4] =	wrdreg $0xC0  }
0xab: {  	_ =	task [dreg:s7], $0x5FFFF  }
0xac: {  	[dreg:$0x1] =	wrdreg $0xFFFFFFFF  }
0xad: {  	[dreg:$0x0] =	wrdreg $0x60  }
0xae: {  	[dreg:$0x2] =	wrdreg s24  }
0xaf: {  	[dreg:$0x3] =	wrdreg s2  }
0xb0: {  	[dreg:$0x4] =	wrdreg $0x158000  }
0xb1: {  	[dreg:$0x5] =	wrdreg $0x9  }
0xb2: {  	_ =	task.clear_ibuf [dreg:s7], $0x6FFFF;
	_ =	strace $0x90000049  }
0xb3: {  	s29 =	simm.s32 $0x9;
	_ =	strace $0x8000004B  }
0xb4: {  	_ =	swait.ge [sflag:s29], $0x1  }
0xb5: {  	[sflag:s29] =	ssyncadd.s32 $0xFFFFFFFF  }
0xb6: {  	_ =	strace $0x9000004B  }
0xb7: {  	_ =	sfence  }
0xb8: {  	s30 =	sld [smem:$0x0];
	_ =	sdelay $0x2  }
0xb9: {  	s31 =	sshll.u32 s1, $0xD;
	s1 =	sshrl.u32 s1, $0x2  }
0xba: {  	s3 =	sand.u32 $0x4000, s31;
	s1 =	sadd.s32 s1, s30  }
0xbb: {  	s0 =	sor.u32 s3, s0;
	s1 =	sshll.u32 s1, $0x11  }
0xbc: {  	s0 =	sor.u32 s1, s0  }
0xbd: {  	s0 =	sadd.s32 $0x8F2B, s0  }
0xbe: {  	[sflag:s0] =	ssyncadd.remote.s32 $0x1  }
0xbf: {  	_ =	sfence.sel $0xFFFF  }
0xc0: {  	[dreg:$0x0] =	wrdreg $0xFFFFFFFF;
	(pc) =	sbr.abs _section_cstart, $3  }
0xc1: {  	[dreg:$0x1] =	wrdreg $0xFFFFFFFF  }
0xc2: {  	_ =	task.clear_ibuf [dreg:s7], $0x2FFFF;
	_ =	strace $0x9FFFFFFF  }
0xc3: {  	(tm) =	ssettm $0x7FFFFFFF  }
tec
execute0_lowered:
.L_overlay_start_1:
0x0: {  	(tag) =	ssettag $0x1  }
0x1: {  	s0 =	rddreg [dreg:$0x0];
	s1 =	srdreg.scid  }
0x2: {  	s3 =	rddreg [dreg:$0x1];
	s10 =	stileid.u32  }
0x3: {  	s2 =	rddreg [dreg:$0x2];
	s5 =	smul.u32 $0x5000, s10  }
0x4: {  	s7 =	simm.s32 $0x0;
	s22 =	simm.s32 $0xD800;
	s15 =	smul.u32 $0xA400, s10  }
0x5: {  	s29 =	simm.s32 $0x4;
	s1 =	sand.u32 $0x1, s1;
	s10 =	smul.u32 $0x29000, s10  }
0x6: {  	s30 =	simm.s32 $0x8;
	s13 =	simm.s32 $0x680;
	s4 =	smul.u32 $0x50000, s1  }
0x7: {  	[smem:$0x7FF] =	sst s7;
	s7 =	simm.s32 $0x700;
	s6 =	smul.u32 $0xA4000, s1  }
0x8: {  	_ =	strace $0x8000004A;
	s16 =	ssub.s32 $0x2, s1;
	s14 =	smul.u32 $0x1400, s1  }
0x9: {  	s17 =	sshrl.u32 s16, $0x1;
	s20 =	sshrl.u32 s10, $0x2;
	s10 =	simm.s32 $0xB  }
0xa: {  	s5 =	sadd.s32 s5, s4;
	s4 =	sadd.s32 $0x17C00, s0;
	s6 =	sadd.s32 s15, s6  }
0xb: {  	s18 =	ssub.s32 s16, s17;
	s21 =	sadd.s32 $0x1400, s14;
	s17 =	simm.s32 $0x5800  }
0xc: {  	s15 =	simm.s32 $0x9;
	v0 =	vmov s14;
	s14 =	simm.s32 $0x780;
	s8 =	sshrl.u32 s5, $0x3  }
0xd: {  	s6 =	sshrl.u32 s6, $0x3;
	s26 =	sor.u32 $0xC00, s5;
	s5 =	sor.u32 $0x800, s5  }
0xe: {  	s1 =	smax.u32 s18, $0x1;
	s18 =	simm.s32 $0x400;
	s9 =	sadd.s32 s8, s0  }
0xf: {  	s0 =	sadd.s32 s6, s0;
	s23 =	sadd.s32 s3, s8;
	[dreg:$0xb] =	wrdreg s1  }
0x10: {  	s28 =	sshrl.u32 s5, $0x3;
	s1 =	simm.s32 $0x5;
	s8 =	simm.s32 $0x2  }
0x11: {  	s5 =	simm.s32 $0x0;
	s19 =	sadd.s32 $0x3C00, s9;
	[dreg:$0x6] =	wrdreg s23  }
0x12: {  	s9 =	sadd.s32 s20, s2;
	s6 =	sadd.s32 $0x80, s23;
	[dreg:$0x4] =	wrdreg s19  }
0x13: {  	s0 =	sadd.s32 $0x7BE00, s0;
	s31 =	sadd.s32 s28, s3;
	[dreg:$0x9] =	wrdreg s6  }
0x14: {  	s20 =	simm.s32 $0x9800;
	s23 =	simm.s32 $0x6;
	[dreg:$0xa] =	wrdreg s0  }
.Ltmp0:
0x15: {  	s24 =	sadd.s32 $0x4000, s9;
	[dreg:$0xd] =	wrdreg s31;
	(pc) =	sbr.rel .LBB2_1-.Ltmp0, $4  }
0x16: {  	s25 =	sadd.s32 $0x8000, s9;
	s0 =	sshrl.u32 s26, $0x3;
	[dreg:$0x5] =	wrdreg s9  }
0x17: {  	s19 =	simm.s32 $0x80;
	s26 =	simm.s32 $0x7;
	[dreg:$0x7] =	wrdreg s24  }
0x18: {  	[dreg:$0x8] =	wrdreg s25;
	s0 =	sadd.s32 s0, s3;
	s24 =	simm.s32 $0x11800  }
0x19: {  	v2 =	vimm.f32 $0.0e+00;
	v1 =	vmov s21;
	s25 =	simm.s32 $0x3;
	[dreg:$0xc] =	wrdreg s0;
	s0 =	simm.s32 $0xA  }
.LBB2_8:
0x1a: {  	s3 =	stileid.u32;
	[bflag:$0x0] =	sbarrier.arrive $0xFFFF  }
0x1b: {  	s10 =	simm.s32 $0xB;
	s3 =	sshll.u32 s3, $0x6;
	s9 =	rddreg [dreg:$0x5]  }
0x1c: {  	s6 =	rddreg [dreg:$0xa];
	s3 =	sor.u32 $0x1C0B, s3;
	s5 =	sshrl.u32 s9, $0x3  }
0x1d: {  	[hbm:s6], [sflag:s3] =	dma.local [spmem:s5], $0x1480  }
0x1e: {  	_ =	swait.ge [sflag:s10], $0x1480  }
0x1f: {  	s28 =	rddreg [dreg:$0xe]  }
0x20: {  	s31 =	rddreg [dreg:$0xb];
	s5 =	sadd.s32 $0x1, s28  }
0x21: {  	p0 =	sne.s32 s5, s31  }
.Ltmp1:
0x22: {  	_ = 	snop;
	(pc) =	sbr.rel @!p0 .LBB2_9-.Ltmp1, $3  }
0x23: {  	_ =	sdelay $0x1  }
0x24: {  	[sflag:s10] =	ssyncset.done $0x0  }
0x25: {  	[sflag:s10] =	ssyncadd.s32 $0xFFFFEB80  }
.LBB2_1:
0x26: {  	[dreg:$0xe] =	wrdreg s5  }
0x27: {  	s3 =	simm.s32 $0x0;
	s31 =	rddreg [dreg:$0x4];
	s6 =	simm.s32 $0x800  }
0x28: {  	[tilespmem:s6], [sflag:$0xB] =	stream.linear.gather [hbm4b:s31+s3], $0x5000, $0x38;
	[tilespmem:$0x1FC00] =	vst v63  }
0x29: {  	_ =	swait.ge [sflag:s10], $0x5000  }
0x2a: {  	[sflag:s10] =	ssyncset.done $0x0  }
0x2b: {  	s3 =	simm.s32 $0x0;
	[sflag:s10] =	ssyncadd.s32 $0xFFFFB000  }
0x2c: {  	v3 =	vld [tilespmem:s3+$0x870]  }
0x2d: {  	v5 =	vld [tilespmem:s3+$0x830];
	_ =	sdelay $0x1  }
0x2e: {  	v7 =	vld [tilespmem:s3+$0x850]  }
0x2f: {  	v6 =	vld [tilespmem:s3+$0x810]  }
0x30: {  	vm0 =	vge.s32 v3, v0;
	vm1 =	vlt.s32 v3, v1  }
0x31: {  	v10 =	vand.u32 $0x7F, v5;
	v8 =	vand.u32 $0x7F, v3;
	vm3 =	vge.s32 v5, v0  }
0x32: {  	v9 =	vld [tilespmem:s3+$0x800];
	vm4 =	vlt.s32 v5, v1;
	v11 =	vsub.s32 v3, v0;
	v13 =	vsub.s32 v5, v0  }
0x33: {  	v4 =	vld [tilespmem:s3+$0x860];
	v5 =	vand.u32 $0x7F, v7;
	vm2 =	vmand vm0, vm1;
	v8 =	vor.u32 $0x1400, v8  }
0x34: {  	v3 =	vld [tilespmem:s3+$0x820];
	vm0 =	vge.s32 v6, v0;
	vm1 =	vlt.s32 v6, v1;
	vm5 =	vmand vm3, vm4  }
0x35: {  	v12 =	vsel vm2, v11, v8;
	v8 =	vsub.s32 v6, v0;
	v11 =	vand.u32 $0x7F, v6;
	v6 =	vld [tilespmem:s3+$0x840]  }
0x36: {  	vm3 =	vge.s32 v7, v0;
	vm4 =	vlt.s32 v7, v1;
	v7 =	vsub.s32 v7, v0  }
0x37: {  	v14 =	vor.u32 $0x1400, v5;
	v5 =	vsub.s32 v9, v0;
	v10 =	vor.u32 $0x1400, v10  }
0x38: {  	vm3 =	vmand vm3, vm4;
	vm2 =	vlt.s32 v4, v1;
	v13 =	vsel vm5, v13, v10;
	[tilespmem:s3+$0x870] =	vst v12  }
0x39: {  	vm4 =	vge.s32 v9, v0;
	v10 =	vand.u32 $0x7F, v9;
	v7 =	vsel vm3, v7, v14;
	[tilespmem:s3+$0x830] =	vst v13  }
0x3a: {  	s6 =	simm.s32 $0x200;
	[tilespmem:s3+$0x850] =	vst v7;
	vm3 =	vge.s32 v3, v0;
	v12 =	vand.u32 $0x7F, v3;
	v7 =	vsub.s32 v6, v0  }
.LBB2_2:
0x3b: {  	s16 =	sshra.s32 s6, $0x2;
	p0 =	sne.s32 s6, $0x13E00;
	s6 =	sadd.s32 $0x200, s6;
	vm5 =	vlt.s32 v9, v1;
	v9 =	vor.u32 $0x1400, v11;
	vm6 =	vge.s32 v4, v0  }
0x3c: {  	vm0 =	vmand vm0, vm1;
	vm1 =	vlt.s32 v3, v1;
	v13 =	vand.u32 $0x7F, v4;
	v11 =	vld [tilespmem:s16+$0x870]  }
0x3d: {  	vm7 =	vge.s32 v6, v0;
	v4 =	vsub.s32 v4, v0;
	v13 =	vor.u32 $0x1400, v13;
	v14 =	vld [tilespmem:s16+$0x830]  }
0x3e: {  	v12 =	vor.u32 $0x1400, v12;
	vm4 =	vmand vm4, vm5;
	vm2 =	vmand vm6, vm2  }
0x3f: {  	v8 =	vsel vm0, v8, v9;
	vm0 =	vmand vm3, vm1;
	v9 =	vand.u32 $0x7F, v6  }
0x40: {  	vm1 =	vlt.s32 v6, v1;
	v6 =	vor.u32 $0x1400, v9;
	v4 =	vsel vm2, v4, v13;
	[tilespmem:s3+$0x810] =	vst v8  }
0x41: {  	v3 =	vsub.s32 v3, v0;
	v13 =	vld [tilespmem:s16+$0x810];
	vm2 =	vge.s32 v11, v0;
	vm3 =	vlt.s32 v11, v1;
	[tilespmem:s3+$0x860] =	vst v4  }
0x42: {  	v4 =	vor.u32 $0x1400, v10;
	v15 =	vand.u32 $0x7F, v14;
	v16 =	vld [tilespmem:s16+$0x850];
	vm2 =	vmand vm2, vm3  }
0x43: {  	v3 =	vsel vm0, v3, v12;
	vm0 =	vmand vm7, vm1;
	v8 =	vand.u32 $0x7F, v11  }
0x44: {  	vm3 =	vge.s32 v14, v0;
	vm5 =	vlt.s32 v14, v1;
	v5 =	vsel vm4, v5, v4;
	[tilespmem:s3+$0x820] =	vst v3  }
0x45: {  	v10 =	vsub.s32 v11, v0;
	v8 =	vor.u32 $0x1400, v8;
	v3 =	vsel vm0, v7, v6;
	v4 =	vld [tilespmem:s16+$0x860];
	[tilespmem:s3+$0x800] =	vst v5  }
0x46: {  	vm5 =	vmand vm3, vm5;
	v9 =	vld [tilespmem:s16+$0x800];
	vm0 =	vge.s32 v13, v0;
	vm1 =	vlt.s32 v13, v1;
	[tilespmem:s3+$0x840] =	vst v3;
	s3 =	smov.u32 s16  }
0x47: {  	v5 =	vsel vm2, v10, v8;
	v3 =	vld [tilespmem:s3+$0x820];
	vm3 =	vge.s32 v16, v0;
	vm4 =	vlt.s32 v16, v1  }
0x48: {  	v8 =	vsub.s32 v13, v0;
	v11 =	vand.u32 $0x7F, v13;
	v6 =	vld [tilespmem:s3+$0x840];
	vm3 =	vmand vm3, vm4;
	[tilespmem:s3+$0x870] =	vst v5  }
.Ltmp2:
0x49: {  	v7 =	vsub.s32 v14, v0;
	v5 =	vand.u32 $0x7F, v16;
	(pc) =	sbr.rel @p0 .LBB2_2-.Ltmp2, $4  }
0x4a: {  	v10 =	vsub.s32 v16, v0;
	v12 =	vor.u32 $0x1400, v5;
	vm2 =	vlt.s32 v4, v1  }
0x4b: {  	v13 =	vor.u32 $0x1400, v15;
	v10 =	vsel vm3, v10, v12;
	v5 =	vsub.s32 v9, v0  }
0x4c: {  	v7 =	vsel vm5, v7, v13;
	vm4 =	vge.s32 v9, v0;
	vm3 =	vge.s32 v3, v0;
	[tilespmem:s3+$0x850] =	vst v10  }
0x4d: {  	v10 =	vand.u32 $0x7F, v9;
	v12 =	vand.u32 $0x7F, v3;
	[tilespmem:s3+$0x830] =	vst v7;
	v7 =	vsub.s32 v6, v0  }
0x4e: {  	vm5 =	vlt.s32 v9, v1;
	v58 =	vor.u32 $0x1400, v11  }
0x4f: {  	vm6 =	vge.s32 v4, v0;
	vm0 =	vmand vm0, vm1;
	vm12 =	vlt.s32 v3, v1  }
0x50: {  	v59 =	vand.u32 $0x7F, v4;
	vm7 =	vge.s32 v6, v0;
	v60 =	vsub.s32 v4, v0  }
0x51: {  	v12 =	vor.u32 $0x1400, v12;
	v61 =	vand.u32 $0x7F, v6;
	v3 =	vsub.s32 v3, v0  }
0x52: {  	v11 =	vor.u32 $0x1400, v59;
	vm2 =	vmand vm6, vm2;
	v8 =	vsel vm0, v8, v58  }
0x53: {  	vm14 =	vlt.s32 v6, v1;
	vm13 =	vmand vm3, vm12;
	[tilespmem:s3+$0x810] =	vst v8;
	v4 =	vsel vm2, v60, v11  }
0x54: {  	v62 =	vor.u32 $0x1400, v10;
	vm4 =	vmand vm4, vm5;
	v3 =	vsel vm13, v3, v12;
	[tilespmem:s3+$0x860] =	vst v4  }
0x55: {  	v63 =	vor.u32 $0x1400, v61;
	vm15 =	vmand vm7, vm14;
	v4 =	vsel vm4, v5, v62;
	[tilespmem:s3+$0x820] =	vst v3  }
0x56: {  	v3 =	vsel vm15, v7, v63;
	[tilespmem:s3+$0x800] =	vst v4  }
0x57: {  	s6 =	simm.s32 $0x200;
	[tilespmem:s3+$0x840] =	vst v3;
	s3 =	simm.s32 $0x0  }
.LBB2_4:
0x58: {  	p0 =	sne.s32 s6, $0xFE00;
	[tilespmem:s3+$0x5870] =	vst v2  }
0x59: {  	[tilespmem:s3+$0x5800] =	vst v2  }
0x5a: {  	[tilespmem:s3+$0x5810] =	vst v2  }
.Ltmp3:
0x5b: {  	[tilespmem:s3+$0x5820] =	vst v2;
	(pc) =	sbr.rel @p0 .LBB2_4-.Ltmp3, $4  }
0x5c: {  	[tilespmem:s3+$0x5830] =	vst v2  }
0x5d: {  	[tilespmem:s3+$0x5840] =	vst v2  }
0x5e: {  	[tilespmem:s3+$0x5850] =	vst v2  }
0x5f: {  	[tilespmem:s3+$0x5860] =	vst v2;
	s3 =	sshra.s32 s6, $0x2;
	s6 =	sadd.s32 $0x200, s6  }
0x60: {  	[tilespmem:s3+$0x5870] =	vst v2  }
0x61: {  	[tilespmem:s3+$0x5800] =	vst v2  }
0x62: {  	[tilespmem:s3+$0x5810] =	vst v2  }
0x63: {  	[tilespmem:s3+$0x5820] =	vst v2  }
0x64: {  	[tilespmem:s3+$0x5830] =	vst v2  }
0x65: {  	[tilespmem:s3+$0x5840] =	vst v2  }
0x66: {  	[tilespmem:s3+$0x5850] =	vst v2  }
0x67: {  	[tilespmem:s3+$0x5860] =	vst v2  }
0x68: {  	[spmem:s9] =	stream.linear.scatter [tilespmem:s17], [sflag:$0xB], $0x4000, $0x38;
	[tilespmem:$0x1FC00] =	vst v63  }
0x69: {  	_ =	swait.ge [sflag:s10], $0x4000  }
0x6a: {  	[sflag:s10] =	ssyncset.done $0x0  }
0x6b: {  	s9 =	rddreg [dreg:$0x7];
	[sflag:s10] =	ssyncadd.s32 $0xFFFFC000  }
0x6c: {  	[spmem:s9] =	stream.linear.scatter [tilespmem:s17], [sflag:$0xB], $0x4000, $0x38;
	[tilespmem:$0x1FC00] =	vst v63  }
0x6d: {  	_ =	swait.ge [sflag:s10], $0x4000  }
0x6e: {  	[sflag:s10] =	ssyncset.done $0x0  }
0x6f: {  	s11 =	rddreg [dreg:$0x8];
	[sflag:s10] =	ssyncadd.s32 $0xFFFFC000  }
0x70: {  	[spmem:s11] =	stream.linear.scatter [tilespmem:s17], [sflag:$0xB], $0x2400, $0x38;
	[tilespmem:$0x1FC00] =	vst v63  }
0x71: {  	_ =	swait.ge [sflag:s10], $0x2400  }
0x72: {  	[sflag:s10] =	ssyncset.done $0x0  }
0x73: {  	[sflag:s10] =	ssyncadd.s32 $0xFFFFDC00  }
0x74: {  	[bflag:$0x0] =	sbarrier.arrive $0xFFFF  }
0x75: {  	s6 =	simm.s32 $0x0;
	s12 =	rddreg [dreg:$0x6]  }
0x76: {  	[tilespmem:s6], [sflag:$0x1] =	stream.linear.gather [hbm4b:s12+s6], $0x400, $0x38;
	[tilespmem:$0x1FC00] =	vst v63  }
0x77: {  	s16 =	rddreg [dreg:$0x9]  }
0x78: {  	[tilespmem:s18], [sflag:$0x2] =	stream.linear.gather [hbm4b:s16+s6], $0x400, $0x38;
	[tilespmem:$0x1FC00] =	vst v63  }
0x79: {  	s16 =	simm.s32 $0x1  }
0x7a: {  	_ =	swait.ge [sflag:s16], $0x400  }
0x7b: {  	[sflag:s16] =	ssyncset.done $0x0  }
0x7c: {  	[sflag:s16] =	ssyncadd.s32 $0xFFFFFC00  }
0x7d: {  	[tilespmem:s17], [sflag:$0x3] =	stream.indirect.gather [hbm4b:s4+s19], $0x80, s6, s19, $0xb8;
	[tilespmem:$0x1FC00] =	vst v63  }
0x7e: {  	_ = 	snop  }
0x7f: {  	[tilespmem:s20], [sflag:$0x4] =	stream.indirect.gather [hbm4b:s4+s19], $0x80, s19, s19, $0xb8;
	[tilespmem:$0x1FC00] =	vst v63  }
0x80: {  	s21 =	simm.s32 $0x100;
	s3 =	rddreg [dreg:$0xd]  }
0x81: {  	[tilespmem:s22], [sflag:$0x5] =	stream.indirect.gather [hbm4b:s4+s19], $0x80, s21, s19, $0xb8;
	[tilespmem:$0x1FC00] =	vst v63  }
0x82: {  	s31 =	simm.s32 $0x180;
	s28 =	rddreg [dreg:$0xc]  }
0x83: {  	[tilespmem:s24], [sflag:$0x6] =	stream.indirect.gather [hbm4b:s4+s19], $0x80, s31, s19, $0xb8;
	[tilespmem:$0x1FC00] =	vst v63  }
.LBB2_6:
0x84: {  	_ =	swait.ge [sflag:s25], $0x4000  }
0x85: {  	s31 =	sshra.s32 s6, $0x2;
	[sflag:s25] =	ssyncset.done $0x0  }
0x86: {  	s21 =	sadd.s32 $0x800, s31;
	[sflag:s25] =	ssyncadd.s32 $0xFFFFC000  }
0x87: {  	[spmem:s2] =	stream.indirect.scatter.add.f32 [tilespmem:s17], [sflag:$0x7], $0x80, s21, s19, $0xb8;
	[tilespmem:$0x1FC00] =	vst v63  }
0x88: {  	_ =	swait.ge [sflag:s26], $0x4000  }
0x89: {  	[sflag:s26] =	ssyncset.done $0x0  }
0x8a: {  	s5 =	simm.s32 $0x200;
	[sflag:s26] =	ssyncadd.s32 $0xFFFFC000  }
0x8b: {  	[tilespmem:s17], [sflag:$0x3] =	stream.indirect.gather [hbm4b:s4+s19], $0x80, s5, s19, $0xb8;
	[tilespmem:$0x1FC00] =	vst v63  }
0x8c: {  	_ =	swait.ge [sflag:s29], $0x4000  }
0x8d: {  	[sflag:s29] =	ssyncset.done $0x0  }
0x8e: {  	s10 =	sadd.s32 $0x880, s31;
	[sflag:s29] =	ssyncadd.s32 $0xFFFFC000  }
0x8f: {  	[spmem:s2] =	stream.indirect.scatter.add.f32 [tilespmem:s20], [sflag:$0x8], $0x80, s10, s19, $0xb8;
	[tilespmem:$0x1FC00] =	vst v63  }
0x90: {  	_ =	swait.ge [sflag:s30], $0x4000  }
0x91: {  	[sflag:s30] =	ssyncset.done $0x0  }
0x92: {  	s11 =	simm.s32 $0x280;
	[sflag:s30] =	ssyncadd.s32 $0xFFFFC000  }
0x93: {  	[tilespmem:s20], [sflag:$0x4] =	stream.indirect.gather [hbm4b:s4+s19], $0x80, s11, s19, $0xb8;
	[tilespmem:$0x1FC00] =	vst v63  }
0x94: {  	_ =	swait.ge [sflag:s1], $0x4000  }
0x95: {  	[sflag:s1] =	ssyncset.done $0x0  }
0x96: {  	s12 =	sadd.s32 $0x900, s31;
	[sflag:s1] =	ssyncadd.s32 $0xFFFFC000  }
0x97: {  	[spmem:s2] =	stream.indirect.scatter.add.f32 [tilespmem:s22], [sflag:$0x9], $0x80, s12, s19, $0xb8;
	[tilespmem:$0x1FC00] =	vst v63  }
0x98: {  	_ =	swait.ge [sflag:s15], $0x4000  }
0x99: {  	[sflag:s15] =	ssyncset.done $0x0  }
0x9a: {  	s21 =	simm.s32 $0x300;
	[sflag:s15] =	ssyncadd.s32 $0xFFFFC000  }
0x9b: {  	[tilespmem:s22], [sflag:$0x5] =	stream.indirect.gather [hbm4b:s4+s19], $0x80, s21, s19, $0xb8;
	[tilespmem:$0x1FC00] =	vst v63  }
0x9c: {  	_ =	swait.ge [sflag:s23], $0x4000  }
0x9d: {  	[sflag:s23] =	ssyncset.done $0x0  }
0x9e: {  	s9 =	sadd.s32 $0x980, s31;
	[sflag:s23] =	ssyncadd.s32 $0xFFFFC000  }
0x9f: {  	[spmem:s2] =	stream.indirect.scatter.add.f32 [tilespmem:s24], [sflag:$0xA], $0x80, s9, s19, $0xb8;
	[tilespmem:$0x1FC00] =	vst v63  }
0xa0: {  	_ =	swait.ge [sflag:s0], $0x4000  }
0xa1: {  	[sflag:s0] =	ssyncset.done $0x0  }
0xa2: {  	s10 =	simm.s32 $0x380;
	[sflag:s0] =	ssyncadd.s32 $0xFFFFC000  }
0xa3: {  	[tilespmem:s24], [sflag:$0x6] =	stream.indirect.gather [hbm4b:s4+s19], $0x80, s10, s19, $0xb8;
	[tilespmem:$0x1FC00] =	vst v63  }
0xa4: {  	_ =	swait.ge [sflag:s25], $0x4000  }
0xa5: {  	[sflag:s25] =	ssyncset.done $0x0  }
0xa6: {  	s11 =	sadd.s32 $0xA00, s31;
	[sflag:s25] =	ssyncadd.s32 $0xFFFFC000  }
0xa7: {  	[spmem:s2] =	stream.indirect.scatter.add.f32 [tilespmem:s17], [sflag:$0x7], $0x80, s11, s19, $0xb8;
	[tilespmem:$0x1FC00] =	vst v63  }
0xa8: {  	_ =	swait.ge [sflag:s26], $0x4000  }
0xa9: {  	[sflag:s26] =	ssyncset.done $0x0  }
0xaa: {  	[sflag:s26] =	ssyncadd.s32 $0xFFFFC000  }
0xab: {  	_ =	swait.ge [sflag:s8], $0x400  }
0xac: {  	[sflag:s8] =	ssyncset.done $0x0  }
0xad: {  	[sflag:s8] =	ssyncadd.s32 $0xFFFFFC00  }
0xae: {  	[tilespmem:s17], [sflag:$0x3] =	stream.indirect.gather [hbm4b:s4+s19], $0x80, s18, s19, $0xb8;
	[tilespmem:$0x1FC00] =	vst v63  }
0xaf: {  	_ =	swait.ge [sflag:s29], $0x4000  }
0xb0: {  	[sflag:s29] =	ssyncset.done $0x0  }
0xb1: {  	s12 =	sadd.s32 $0xA80, s31;
	[sflag:s29] =	ssyncadd.s32 $0xFFFFC000  }
0xb2: {  	[spmem:s2] =	stream.indirect.scatter.add.f32 [tilespmem:s20], [sflag:$0x8], $0x80, s12, s19, $0xb8;
	[tilespmem:$0x1FC00] =	vst v63  }
0xb3: {  	_ =	swait.ge [sflag:s30], $0x4000  }
0xb4: {  	[sflag:s30] =	ssyncset.done $0x0  }
0xb5: {  	s21 =	simm.s32 $0x480;
	[sflag:s30] =	ssyncadd.s32 $0xFFFFC000  }
0xb6: {  	[tilespmem:s20], [sflag:$0x4] =	stream.indirect.gather [hbm4b:s4+s19], $0x80, s21, s19, $0xb8;
	[tilespmem:$0x1FC00] =	vst v63  }
0xb7: {  	_ =	swait.ge [sflag:s1], $0x4000  }
0xb8: {  	[sflag:s1] =	ssyncset.done $0x0  }
0xb9: {  	s5 =	sadd.s32 $0xB00, s31;
	[sflag:s1] =	ssyncadd.s32 $0xFFFFC000  }
0xba: {  	[spmem:s2] =	stream.indirect.scatter.add.f32 [tilespmem:s22], [sflag:$0x9], $0x80, s5, s19, $0xb8;
	[tilespmem:$0x1FC00] =	vst v63  }
0xbb: {  	_ =	swait.ge [sflag:s15], $0x4000  }
0xbc: {  	[sflag:s15] =	ssyncset.done $0x0  }
0xbd: {  	s9 =	simm.s32 $0x500;
	[sflag:s15] =	ssyncadd.s32 $0xFFFFC000  }
0xbe: {  	[tilespmem:s22], [sflag:$0x5] =	stream.indirect.gather [hbm4b:s4+s19], $0x80, s9, s19, $0xb8;
	[tilespmem:$0x1FC00] =	vst v63  }
0xbf: {  	_ =	swait.ge [sflag:s23], $0x4000  }
0xc0: {  	[sflag:s23] =	ssyncset.done $0x0  }
0xc1: {  	s10 =	sadd.s32 $0xB80, s31;
	[sflag:s23] =	ssyncadd.s32 $0xFFFFC000  }
0xc2: {  	[spmem:s2] =	stream.indirect.scatter.add.f32 [tilespmem:s24], [sflag:$0xA], $0x80, s10, s19, $0xb8;
	[tilespmem:$0x1FC00] =	vst v63  }
0xc3: {  	_ =	swait.ge [sflag:s0], $0x4000  }
0xc4: {  	[sflag:s0] =	ssyncset.done $0x0  }
0xc5: {  	p0 =	seq.s32 s6, $0x12000;
	s11 =	simm.s32 $0x580;
	[sflag:s0] =	ssyncadd.s32 $0xFFFFC000  }
0xc6: {  	[tilespmem:s24], [sflag:$0x6] =	stream.indirect.gather [hbm4b:s4+s19], $0x80, s11, s19, $0xb8;
	[tilespmem:$0x1FC00] =	vst v63  }
0xc7: {  	s21 =	simm.s32 @!p0 $0x0  }
0xc8: {  	[tilespmem:s21], [sflag:$0x1] =	stream.linear.gather @!p0 [hbm4b:s3+s21], $0x400, $0x38;
	[tilespmem:$0x1FC00] =	vst v63  }
0xc9: {  	_ =	swait.ge [sflag:s25], $0x4000  }
0xca: {  	[sflag:s25] =	ssyncset.done $0x0  }
0xcb: {  	s12 =	sadd.s32 $0xC00, s31;
	[sflag:s25] =	ssyncadd.s32 $0xFFFFC000  }
0xcc: {  	[spmem:s2] =	stream.indirect.scatter.add.f32 [tilespmem:s17], [sflag:$0x7], $0x80, s12, s19, $0xb8;
	[tilespmem:$0x1FC00] =	vst v63  }
0xcd: {  	_ =	swait.ge [sflag:s26], $0x4000  }
0xce: {  	[sflag:s26] =	ssyncset.done $0x0  }
0xcf: {  	s21 =	simm.s32 $0x600;
	[sflag:s26] =	ssyncadd.s32 $0xFFFFC000  }
0xd0: {  	[tilespmem:s17], [sflag:$0x3] =	stream.indirect.gather [hbm4b:s4+s19], $0x80, s21, s19, $0xb8;
	[tilespmem:$0x1FC00] =	vst v63  }
0xd1: {  	_ =	swait.ge [sflag:s29], $0x4000  }
0xd2: {  	[sflag:s29] =	ssyncset.done $0x0  }
0xd3: {  	s9 =	sadd.s32 $0xC80, s31;
	[sflag:s29] =	ssyncadd.s32 $0xFFFFC000  }
0xd4: {  	[spmem:s2] =	stream.indirect.scatter.add.f32 [tilespmem:s20], [sflag:$0x8], $0x80, s9, s19, $0xb8;
	[tilespmem:$0x1FC00] =	vst v63  }
0xd5: {  	_ =	swait.ge [sflag:s30], $0x4000  }
0xd6: {  	[sflag:s30] =	ssyncset.done $0x0  }
0xd7: {  	[sflag:s30] =	ssyncadd.s32 $0xFFFFC000  }
0xd8: {  	[tilespmem:s20], [sflag:$0x4] =	stream.indirect.gather [hbm4b:s4+s19], $0x80, s13, s19, $0xb8;
	[tilespmem:$0x1FC00] =	vst v63  }
0xd9: {  	_ =	swait.ge [sflag:s1], $0x4000  }
0xda: {  	[sflag:s1] =	ssyncset.done $0x0  }
0xdb: {  	s10 =	sadd.s32 $0xD00, s31;
	[sflag:s1] =	ssyncadd.s32 $0xFFFFC000  }
0xdc: {  	[spmem:s2] =	stream.indirect.scatter.add.f32 [tilespmem:s22], [sflag:$0x9], $0x80, s10, s19, $0xb8;
	[tilespmem:$0x1FC00] =	vst v63  }
0xdd: {  	_ =	swait.ge [sflag:s15], $0x4000  }
0xde: {  	[sflag:s15] =	ssyncset.done $0x0  }
0xdf: {  	[sflag:s15] =	ssyncadd.s32 $0xFFFFC000  }
0xe0: {  	[tilespmem:s22], [sflag:$0x5] =	stream.indirect.gather [hbm4b:s4+s19], $0x80, s7, s19, $0xb8;
	[tilespmem:$0x1FC00] =	vst v63  }
0xe1: {  	_ =	swait.ge [sflag:s23], $0x4000  }
0xe2: {  	[sflag:s23] =	ssyncset.done $0x0  }
0xe3: {  	s11 =	sadd.s32 $0xD80, s31;
	[sflag:s23] =	ssyncadd.s32 $0xFFFFC000  }
0xe4: {  	[spmem:s2] =	stream.indirect.scatter.add.f32 [tilespmem:s24], [sflag:$0xA], $0x80, s11, s19, $0xb8;
	[tilespmem:$0x1FC00] =	vst v63  }
0xe5: {  	_ =	swait.ge [sflag:s0], $0x4000  }
0xe6: {  	[sflag:s0] =	ssyncset.done $0x0  }
0xe7: {  	[sflag:s0] =	ssyncadd.s32 $0xFFFFC000  }
0xe8: {  	[tilespmem:s24], [sflag:$0x6] =	stream.indirect.gather [hbm4b:s4+s19], $0x80, s14, s19, $0xb8;
	[tilespmem:$0x1FC00] =	vst v63  }
0xe9: {  	_ =	swait.ge [sflag:s25], $0x4000  }
0xea: {  	[sflag:s25] =	ssyncset.done $0x0  }
0xeb: {  	s12 =	sadd.s32 $0xE00, s31;
	[sflag:s25] =	ssyncadd.s32 $0xFFFFC000  }
0xec: {  	[spmem:s2] =	stream.indirect.scatter.add.f32 [tilespmem:s17], [sflag:$0x7], $0x80, s12, s19, $0xb8;
	[tilespmem:$0x1FC00] =	vst v63  }
0xed: {  	_ =	swait.ge [sflag:s26], $0x4000  }
0xee: {  	p1 =	sgt.u32 s16, $0x12;
	[sflag:s26] =	ssyncset.done $0x0  }
0xef: {  	s21 =	simm.s32 @p1 $0x4;
	[sflag:s26] =	ssyncadd.s32 $0xFFFFC000  }
0xf0: {  	_ =	swait.ge @p1 [sflag:s21], $0x4000  }
0xf1: {  	[sflag:s21] =	ssyncset.done @p1 $0x0  }
0xf2: {  	[sflag:s21] =	ssyncadd.s32 @p1 $0xFFFFC000;
	s21 =	sshra.s32 @p1 s6, $0x2  }
0xf3: {  	s9 =	simm.s32 @p1 $0x80;
	s10 =	simm.s32 @p1 $0x9800;
	s5 =	sadd.s32 @p1 $0xE80, s21  }
0xf4: {  	[spmem:s2] =	stream.indirect.scatter.add.f32 @p1 [tilespmem:s10], [sflag:$0x8], $0x80, s5, s9, $0xb8;
	[tilespmem:$0x1FC00] =	vst v63  }
0xf5: {  	s5 =	simm.s32 @p1 $0x8  }
0xf6: {  	_ =	swait.ge @p1 [sflag:s5], $0x4000  }
0xf7: {  	[sflag:s5] =	ssyncset.done @p1 $0x0  }
0xf8: {  	[sflag:s5] =	ssyncadd.s32 @p1 $0xFFFFC000;
	s5 =	simm.s32 @!p1 $0x1  }
0xf9: {  	_ =	swait.ge @!p1 [sflag:s5], $0x400  }
0xfa: {  	s11 =	simm.s32 @!p1 $0x5800;
	[sflag:s5] =	ssyncset.done @!p1 $0x0  }
0xfb: {  	s10 =	simm.s32 @!p1 $0x0;
	[sflag:s5] =	ssyncadd.s32 @!p1 $0xFFFFFC00;
	s5 =	simm.s32 @!p1 $0x80  }
0xfc: {  	[tilespmem:s11], [sflag:$0x3] =	stream.indirect.gather @!p1 [hbm4b:s4+s5], $0x80, s10, s5, $0xb8;
	[tilespmem:$0x1FC00] =	vst v63  }
0xfd: {  	s10 =	simm.s32 @!p1 $0x4  }
0xfe: {  	_ =	swait.ge @!p1 [sflag:s10], $0x4000  }
0xff: {  	s11 =	sshra.s32 @!p1 s6, $0x2;
	[sflag:s10] =	ssyncset.done @!p1 $0x0  }
0x100: {  	s12 =	simm.s32 @!p1 $0x9800;
	[sflag:s10] =	ssyncadd.s32 @!p1 $0xFFFFC000;
	s10 =	sadd.s32 @!p1 $0xE80, s11  }
0x101: {  	[spmem:s2] =	stream.indirect.scatter.add.f32 @!p1 [tilespmem:s12], [sflag:$0x8], $0x80, s10, s5, $0xb8;
	[tilespmem:$0x1FC00] =	vst v63  }
0x102: {  	s10 =	simm.s32 @!p1 $0x8  }
0x103: {  	_ =	swait.ge @!p1 [sflag:s10], $0x4000  }
0x104: {  	[sflag:s10] =	ssyncset.done @!p1 $0x0  }
0x105: {  	[sflag:s10] =	ssyncadd.s32 @!p1 $0xFFFFC000  }
0x106: {  	[tilespmem:s12], [sflag:$0x4] =	stream.indirect.gather @!p1 [hbm4b:s4+s5], $0x80, s5, s5, $0xb8;
	[tilespmem:$0x1FC00] =	vst v63  }
0x107: {  	_ =	swait.ge [sflag:s1], $0x4000  }
0x108: {  	[sflag:s1] =	ssyncset.done $0x0  }
0x109: {  	s31 =	sadd.s32 $0xF00, s31;
	[sflag:s1] =	ssyncadd.s32 $0xFFFFC000  }
0x10a: {  	[spmem:s2] =	stream.indirect.scatter.add.f32 [tilespmem:s22], [sflag:$0x9], $0x80, s31, s19, $0xb8;
	[tilespmem:$0x1FC00] =	vst v63  }
0x10b: {  	_ =	swait.ge [sflag:s15], $0x4000  }
0x10c: {  	[sflag:s15] =	ssyncset.done $0x0  }
0x10d: {  	s10 =	simm.s32 @p1 $0x6;
	[sflag:s15] =	ssyncadd.s32 $0xFFFFC000  }
0x10e: {  	_ =	swait.ge @p1 [sflag:s10], $0x4000  }
0x10f: {  	[sflag:s10] =	ssyncset.done @p1 $0x0  }
0x110: {  	s12 =	simm.s32 @p1 $0x11800;
	[sflag:s10] =	ssyncadd.s32 @p1 $0xFFFFC000;
	s10 =	sadd.s32 @p1 $0xF80, s21  }
0x111: {  	[spmem:s2] =	stream.indirect.scatter.add.f32 @p1 [tilespmem:s12], [sflag:$0xA], $0x80, s10, s9, $0xb8;
	[tilespmem:$0x1FC00] =	vst v63  }
0x112: {  	s9 =	simm.s32 @p1 $0xA  }
0x113: {  	_ =	swait.ge @p1 [sflag:s9], $0x4000  }
0x114: {  	[sflag:s9] =	ssyncset.done @p1 $0x0  }
0x115: {  	s10 =	simm.s32 @!p1 $0xD800;
	[sflag:s9] =	ssyncadd.s32 @p1 $0xFFFFC000;
	s9 =	simm.s32 @!p1 $0x100  }
0x116: {  	[tilespmem:s10], [sflag:$0x5] =	stream.indirect.gather @!p1 [hbm4b:s4+s5], $0x80, s9, s5, $0xb8;
	[tilespmem:$0x1FC00] =	vst v63  }
0x117: {  	s9 =	simm.s32 @!p1 $0x6  }
0x118: {  	_ =	swait.ge @!p1 [sflag:s9], $0x4000  }
0x119: {  	[sflag:s9] =	ssyncset.done @!p1 $0x0  }
0x11a: {  	s10 =	simm.s32 @!p1 $0x11800;
	[sflag:s9] =	ssyncadd.s32 @!p1 $0xFFFFC000;
	s9 =	sadd.s32 @!p1 $0xF80, s11  }
0x11b: {  	[spmem:s2] =	stream.indirect.scatter.add.f32 @!p1 [tilespmem:s10], [sflag:$0xA], $0x80, s9, s5, $0xb8;
	[tilespmem:$0x1FC00] =	vst v63  }
.Ltmp4:
0x11c: {  	s9 =	simm.s32 @!p1 $0xA;
	(pc) =	sbr.rel @p0 .LBB2_8-.Ltmp4, $4  }
0x11d: {  	_ =	swait.ge @!p1 [sflag:s9], $0x4000  }
0x11e: {  	[sflag:s9] =	ssyncset.done @!p1 $0x0  }
0x11f: {  	[sflag:s9] =	ssyncadd.s32 @!p1 $0xFFFFC000;
	s9 =	simm.s32 @!p1 $0x180  }
0x120: {  	[tilespmem:s10], [sflag:$0x6] =	stream.indirect.gather @!p1 [hbm4b:s4+s5], $0x80, s9, s5, $0xb8;
	[tilespmem:$0x1FC00] =	vst v63  }
.Ltmp5:
0x121: {  	(pc) =	sbr.rel .LBB2_6-.Ltmp5, $4  }
0x122: {  	_ = 	snop  }
0x123: {  	s5 =	simm.s32 $0x0;
	s3 =	sadd.s32 $0x100, s3  }
0x124: {  	[tilespmem:s18], [sflag:$0x2] =	stream.linear.gather [hbm4b:s28+s5], $0x400, $0x38;
	[tilespmem:$0x1FC00] =	vst v63  }
0x125: {  	s6 =	sadd.s32 $0x2000, s6;
	s16 =	sadd.s32 $0x2, s16;
	s28 =	sadd.s32 $0x100, s28  }
.LBB2_9:
0x126: {  	_ =	sfence.sel $0x180000  }
0x127: {  	[bflag:$0x0] =	sbarrier.arrive $0xFFFF  }
0x128: {  	_ =	strace $0x9000004A  }
0x129: {  	s0 =	stileid.u32;
	[bflag:$0x2] =	sbarrier.arrive $0xFFFF  }
0x12a: {  	p0 =	sne.s32 s0, $0x0;
	s0 =	rddreg [dreg:$0x3]  }
0x12b: {  	s0 =	sadd.s32 @!p0 $0x100000, s0  }
0x12c: {  	[sflag:s0] =	ssyncadd.tile.s32 @!p0 $0x1;
	_ =	shalt  }
.Lfunc_end2:
_tile_overlayer_lowered:
.L_overlay_start_2:
0x12d: {  	(tag) =	ssettag $0x2  }
0x12e: {  	s0 =	rddreg [dreg:$0x0];
	s2 =	stileid.u32  }
0x12f: {  	s1 =	rddreg [dreg:$0x1];
	p0 =	sne.s32 s2, $0x0  }
0x130: {  	s3 =	rddreg [dreg:$0x2];
	[bflag:$0x3] =	sbarrier.arrive $0xFFFF;
	s2 =	simm.s32 @!p0 $0x1C0B  }
0x131: {  	[timem:s3], [sflag:s2] =	dma.local @!p0 [hbm:s0], s1  }
0x132: {  	s0 =	simm.s32 @!p0 $0xB  }
0x133: {  	_ =	swait.ge @!p0 [sflag:s0], s1  }
0x134: {  	s1 =	ssub.s32 @!p0 $0x0, s1;
	[sflag:s0] =	ssyncset.done @!p0 $0x0  }
0x135: {  	[sflag:s0] =	ssyncadd.s32 @!p0 s1  }
0x136: {  	[bflag:$0x3] =	sbarrier.arrive $0xFFFF  }
0x137: {  	_ =	shalt  }

// kernel: kernel.4.cloned.1.call-start
scs
__scs_entry_jumppad:
0x0: {  	(pc) =	sbr.rel $0x88, $3  }
0x1: {  	(tag) =	ssettag $0x0;
	lr =	simm.s32 $0x1  }
0x2: {  	[smem:$0x3F95] =	sst lr;
	_ =	strace $0xD0000000  }
0x3: {  	_ = 	snop  }
0x4: {  	_ = 	snop  }
0x5: {  	_ = 	snop  }
0x6: {  	_ = 	snop  }
0x7: {  	_ = 	snop  }
__scs_overlays_trampoline_lowered:
0x8: {  	[smem:$0x3FA4] =	sst s0  }
0x9: {  	[smem:$0x3FA5] =	sst s1  }
0xa: {  	[smem:$0x3FA6] =	sst s2  }
0xb: {  	[smem:$0x3FA7] =	sst s3  }
0xc: {  	[smem:$0x3FA8] =	sst s4  }
0xd: {  	[smem:$0x3FA9] =	sst s5  }
0xe: {  	[smem:$0x3FAA] =	sst s6  }
0xf: {  	[smem:$0x3FAB] =	sst s7  }
0x10: {  	[smem:$0x3FAC] =	sst s8  }
0x11: {  	[smem:$0x3FAD] =	sst s9;
	s0 =	simm.s32 @!p0 $0x0  }
0x12: {  	s1 =	sld [smem:$0x3F93];
	s0 =	simm.s32 @p0 $0x1  }
0x13: {  	[smem:$0x3FAE] =	sst s0;
	s0 =	simm.s32 @!p1 $0x0  }
0x14: {  	s2 =	sld [smem:$0x3F92];
	s0 =	simm.s32 @p1 $0x1  }
0x15: {  	[smem:$0x3FAF] =	sst s0;
	s0 =	simm.s32 @!p2 $0x0  }
0x16: {  	s3 =	sld [smem:$0x3FDB];
	s0 =	simm.s32 @p2 $0x1  }
0x17: {  	s4 =	simm.s32 $0x1BF5;
	[smem:$0x3FB1] =	sst s0  }
0x18: {  	s0 =	sld [smem:$0x3F94];
	_ =	swait.ge [sflag:s4], $0x0  }
0x19: {  	s7 =	sld [smem:$0x3F95]  }
0x1a: {  	s8 =	sadd.s32 $0xFFFFE003, lr  }
0x1b: {  	s9 =	sadd.s32 $0xFFFFFEF7, lr;
	s5 =	simm.s32 $0xFFFFFFFF;
	p2 =	slt.u32 s8, $0xFFFFF086  }
0x1c: {  	p1 =	slt.u32 s9, $0xF7A;
	s5 =	simm.s32 @!p2 $0x0  }
0x1d: {  	s5 =	simm.s32 @p1 $0x1;
	p0 =	seq.s32 s7, s2  }
0x1e: {  	s7 =	smul.u32 @!p0 $0xF7A, s2;
	p2 =	seq.s32 @!p0 s5, $0x0  }
0x1f: {  	s9 =	smul.u32 $0xF7A, s1;
	s8 =	simm.s32 @!p0 $0x1BF5;
	p2 =	por !p2, p0  }
0x20: {  	[sflag:s8] =	ssyncset.s32 @!p0 $0xFFFFF086;
	s6 =	sadd.s32 @!p0 s3, s7;
	s7 =	simm.s32 @!p0 $0x108  }
0x21: {  	s3 =	sadd.s32 s3, s9;
	s6 =	sadd.s32 @!p0 $0x88, s6;
	s7 =	simm.s32 @p2 $0x1082  }
0x22: {  	[simem:s7], [sflag:s8] =	dma.local @!p0 [hbm:s6], $0xF7A  }
0x23: {  	s9 =	sor.u32 $0xD0000000, s2;
	s6 =	simm.s32 $0x108;
	_ =	swait.ge @!p0 [sflag:s8], $0x0  }
0x24: {  	s3 =	sadd.s32 $0x88, s3;
	s6 =	simm.s32 @!p1 $0x1082;
	[sflag:s4] =	ssyncset.s32 $0xFFFFF086  }
0x25: {  	[simem:s6], [sflag:s4] =	dma.local [hbm:s3], $0xF7A  }
0x26: {  	[smem:$0x3F95] =	sst s1;
	(tag) =	ssettag s2;
	_ =	strace s9  }
0x27: {  	s1 =	sld [smem:$0x3FA5]  }
0x28: {  	s2 =	sld [smem:$0x3FA6]  }
0x29: {  	s4 =	sld [smem:$0x3FA8]  }
0x2a: {  	p0 =	seq.s32 s5, $0x0;
	s5 =	sld [smem:$0x3FA9]  }
0x2b: {  	s6 =	sld [smem:$0x3FAA]  }
0x2c: {  	s7 =	sld [smem:$0x3FAB]  }
0x2d: {  	s3 =	simm.s32 $0x108;
	s8 =	sld [smem:$0x3FAC]  }
0x2e: {  	s3 =	simm.s32 @!p0 $0x1082;
	s9 =	sld [smem:$0x3FAD]  }
0x2f: {  	lr =	sadd.s32 s0, s3;
	s0 =	sld [smem:$0x3FA4]  }
0x30: {  	s3 =	sld [smem:$0x3FA7]  }
0x31: {  	[smem:$0x3FB0] =	sst s10  }
0x32: {  	s10 =	sld [smem:$0x3FAE];
	_ =	sdelay $0x3  }
0x33: {  	p0 =	seq.s32 s10, $0x1;
	s10 =	sld [smem:$0x3FB0];
	_ =	sdelay $0x3  }
0x34: {  	[smem:$0x3FB0] =	sst s10  }
0x35: {  	s10 =	sld [smem:$0x3FAF];
	_ =	sdelay $0x3  }
0x36: {  	p1 =	seq.s32 s10, $0x1;
	s10 =	sld [smem:$0x3FB0];
	_ =	sdelay $0x3  }
0x37: {  	[smem:$0x3FB0] =	sst s10  }
0x38: {  	s10 =	sld [smem:$0x3FB1]  }
0x39: {  	_ = 	snop;
	(pc) =	sbr.ind lr, $3  }
0x3a: {  	_ = 	snop  }
0x3b: {  	_ = 	snop  }
0x3c: {  	p2 =	seq.s32 s10, $0x1;
	s10 =	sld [smem:$0x3FB0]  }
0x3d: {  	_ =	shalt  }
0x3e: {  	_ =	shalt  }
0x3f: {  	_ =	shalt  }
0x40: {  	_ =	shalt  }
0x41: {  	_ =	shalt  }
0x42: {  	_ =	shalt  }
0x43: {  	_ =	shalt  }
0x44: {  	_ =	shalt  }
0x45: {  	_ =	shalt  }
0x46: {  	_ =	shalt  }
0x47: {  	_ =	shalt  }
0x48: {  	_ =	shalt  }
0x49: {  	_ =	shalt  }
0x4a: {  	_ =	shalt  }
0x4b: {  	_ =	shalt  }
0x4c: {  	_ =	shalt  }
0x4d: {  	_ =	shalt  }
0x4e: {  	_ =	shalt  }
0x4f: {  	_ =	shalt  }
0x50: {  	_ =	shalt  }
0x51: {  	_ =	shalt  }
0x52: {  	_ =	shalt  }
0x53: {  	_ =	shalt  }
0x54: {  	_ =	shalt  }
0x55: {  	_ =	shalt  }
0x56: {  	_ =	shalt  }
0x57: {  	_ =	shalt  }
0x58: {  	_ =	shalt  }
0x59: {  	_ =	shalt  }
0x5a: {  	_ =	shalt  }
0x5b: {  	_ =	shalt  }
0x5c: {  	_ =	shalt  }
0x5d: {  	_ =	shalt  }
0x5e: {  	_ =	shalt  }
0x5f: {  	_ =	shalt  }
0x60: {  	_ =	shalt  }
0x61: {  	_ =	shalt  }
0x62: {  	_ =	shalt  }
0x63: {  	_ =	shalt  }
0x64: {  	_ =	shalt  }
0x65: {  	_ =	shalt  }
0x66: {  	_ =	shalt  }
0x67: {  	_ =	shalt  }
0x68: {  	_ =	shalt  }
0x69: {  	_ =	shalt  }
0x6a: {  	_ =	shalt  }
0x6b: {  	_ =	shalt  }
0x6c: {  	_ =	shalt  }
0x6d: {  	_ =	shalt  }
0x6e: {  	_ =	shalt  }
0x6f: {  	_ =	shalt  }
0x70: {  	_ =	shalt  }
0x71: {  	_ =	shalt  }
0x72: {  	_ =	shalt  }
0x73: {  	_ =	shalt  }
0x74: {  	_ =	shalt  }
0x75: {  	_ =	shalt  }
0x76: {  	_ =	shalt  }
0x77: {  	_ =	shalt  }
0x78: {  	_ =	shalt  }
0x79: {  	_ =	shalt  }
0x7a: {  	_ =	shalt  }
0x7b: {  	_ =	shalt  }
0x7c: {  	_ =	shalt  }
0x7d: {  	_ =	shalt  }
0x7e: {  	_ =	shalt  }
0x7f: {  	_ =	shalt  }
0x80: {  	_ =	shalt  }
0x81: {  	_ =	shalt  }
0x82: {  	_ =	shalt  }
0x83: {  	_ =	shalt  }
0x84: {  	_ =	shalt  }
0x85: {  	_ =	shalt  }
0x86: {  	_ =	shalt  }
0x87: {  	_ =	shalt  }
.Lfunc_end0:
.L_simem_size_0:
called_computation.1_lowered:
.L_overlay_start_0:
0x88: {  	s2 =	sld [smem:$0x3FD9]  }
0x89: {  	s3 =	sld [smem:$0x3FFE];
	_ =	sdelay $0x1  }
0x8a: {  	s1 =	srdreg.scid  }
0x8b: {  	s0 =	sand.u32 $0x1, s1  }
0x8c: {  	s17 =	sshll.u32 s0, $0xA;
	s2 =	sadd.s32 s3, s2  }
0x8d: {  	s2 =	sadd.s32 s2, s17  }
0x8e: {  	[smem:$0x3FBC] =	sst s2  }
0x8f: {  	_ = 	snop  }
0x90: {  	s2 =	sld [smem:$0x3FD0];
	(tm) =	ssettm $0x1  }
0x91: {  	s18 =	sld [smem:$0x3FFB];
	_ =	sdelay $0x3  }
0x92: {  	_ =	strace s18  }
0x93: {  	s3 =	sld [smem:$0x3FFC];
	_ =	sdelay $0x3  }
0x94: {  	_ =	strace s3  }
0x95: {  	s3 =	sld [smem:$0x3FFD];
	_ =	sdelay $0x3  }
0x96: {  	_ =	strace s3  }
0x97: {  	_ =	strace $0x8FFFFFFF  }
0x98: {  	s19 =	sld [smem:$0x3FDB];
	_ =	sdelay $0x1  }
0x99: {  	s4 =	simm.s32 $_scs_section_size  }
0x9a: {  	s5 =	simm.s32 $_size__tile_overlayer_lowered;
	s6 =	simm.s32 $_tile_overlayer_lowered  }
0x9b: {  	s22 =	simm.s32 $0x1BFF;
	s21 =	sshll.u32 s6, $0x1;
	s3 =	sadd.s32 s4, s19  }
0x9c: {  	s7 =	simm.s32 $0x0;
	s20 =	sshll.u32 s5, $0x1;
	s5 =	sadd.s32 s21, s3  }
0x9d: {  	[timem:s7], [sflag:s22] =	dma.local [hbm:s5], s20  }
0x9e: {  	_ =	swait.ge [sflag:s22], s20  }
0x9f: {  	s4 =	ssub.s32 $0x0, s20;
	[sflag:s22] =	ssyncset.done $0x0  }
0xa0: {  	[sflag:s22] =	ssyncadd.s32 s4;
	_ =	sdelay $0x1  }
0xa1: {  	s23 =	simm.s32 $0x1B8B  }
0xa2: {  	_ =	swait.ge [sflag:s23], $0x1  }
0xa3: {  	[sflag:s23] =	ssyncset.done $0x0  }
0xa4: {  	s25 =	simm.s32 $0x1B8E;
	s24 =	sld [smem:$0x3FFE];
	[sflag:s23] =	ssyncadd.s32 $0xFFFFFFFF  }
0xa5: {  	s26 =	simm.s32 $execute0_lowered;
	[smem:$0x3FD2] =	sst s25  }
0xa6: {  	s5 =	sshll.u32 s26, $0x1;
	_ =	strace $0x80000046;
	[dreg:$0x1] =	wrdreg $0xFFFFFFFF  }
0xa7: {  	s28 =	simm.s32 $_size_execute0_lowered;
	s3 =	sadd.s32 s3, s5;
	[dreg:$0x0] =	wrdreg $0x0  }
0xa8: {  	s5 =	sshll.u32 s28, $0x1;
	[dreg:$0x2] =	wrdreg s3  }
0xa9: {  	[dreg:$0x3] =	wrdreg s5  }
0xaa: {  	[dreg:$0x4] =	wrdreg $0xC0  }
0xab: {  	_ =	task [dreg:s7], $0x5FFFF  }
0xac: {  	[dreg:$0x1] =	wrdreg $0xFFFFFFFF  }
0xad: {  	[dreg:$0x0] =	wrdreg $0x60  }
0xae: {  	[dreg:$0x2] =	wrdreg s2  }
0xaf: {  	[dreg:$0x3] =	wrdreg s24  }
0xb0: {  	[dreg:$0x4] =	wrdreg $0x90000  }
0xb1: {  	[dreg:$0x5] =	wrdreg $0x9  }
0xb2: {  	_ =	task.clear_ibuf [dreg:s7], $0x6FFFF;
	_ =	strace $0x90000046  }
0xb3: {  	s29 =	simm.s32 $0x9;
	_ =	strace $0x80000048  }
0xb4: {  	_ =	swait.ge [sflag:s29], $0x1  }
0xb5: {  	[sflag:s29] =	ssyncadd.s32 $0xFFFFFFFF  }
0xb6: {  	_ =	strace $0x90000048  }
0xb7: {  	_ =	sfence  }
0xb8: {  	s30 =	sld [smem:$0x0];
	_ =	sdelay $0x2  }
0xb9: {  	s31 =	sshll.u32 s1, $0xD;
	s1 =	sshrl.u32 s1, $0x2  }
0xba: {  	s3 =	sand.u32 $0x4000, s31;
	s1 =	sadd.s32 s1, s30  }
0xbb: {  	s0 =	sor.u32 s3, s0;
	s1 =	sshll.u32 s1, $0x11  }
0xbc: {  	s0 =	sor.u32 s1, s0  }
0xbd: {  	s0 =	sadd.s32 $0x8F2B, s0  }
0xbe: {  	[sflag:s0] =	ssyncadd.remote.s32 $0x1  }
0xbf: {  	_ =	sfence.sel $0xFFFF  }
0xc0: {  	[dreg:$0x0] =	wrdreg $0xFFFFFFFF;
	(pc) =	sbr.abs _section_cstart, $3  }
0xc1: {  	[dreg:$0x1] =	wrdreg $0xFFFFFFFF  }
0xc2: {  	_ =	task.clear_ibuf [dreg:s7], $0x2FFFF;
	_ =	strace $0x9FFFFFFF  }
0xc3: {  	(tm) =	ssettm $0x7FFFFFFF  }
tec
execute0_lowered:
.L_overlay_start_1:
0x0: {  	(tag) =	ssettag $0x1  }
0x1: {  	s4 =	rddreg [dreg:$0x0]  }
0x2: {  	s5 =	rddreg [dreg:$0x1]  }
0x3: {  	s1 =	rddreg [dreg:$0x2];
	s2 =	srdreg.scid  }
0x4: {  	s0 =	rddreg [dreg:$0x3];
	s6 =	sand.u32 $0x1, s2  }
0x5: {  	s3 =	simm.s32 $0x0;
	s2 =	stileid.u32;
	s7 =	smul.u32 $0x140000, s6  }
0x6: {  	s14 =	simm.s32 $0x5000;
	s15 =	simm.s32 $0x80;
	s8 =	smul.u32 $0x14000, s2  }
0x7: {  	s16 =	simm.s32 $0x1;
	[smem:$0x7FF] =	sst s3;
	s9 =	smul.u32 $0x50000, s2  }
0x8: {  	s19 =	simm.s32 $0x0;
	_ =	strace $0x80000047;
	s11 =	smul.u32 $0xA00, s2  }
0x9: {  	s29 =	ssub.s32 $0x2, s6;
	s31 =	smul.u32 $0xA000, s6;
	s17 =	sshll.u32 s2, $0x6  }
0xa: {  	s10 =	sshrl.u32 s29, $0x1;
	s17 =	sor.u32 $0x1C02, s17;
	s7 =	sadd.s32 s8, s7  }
0xb: {  	s13 =	ssub.s32 s29, s10;
	s30 =	sshrl.u32 s9, $0x2;
	s7 =	sshrl.u32 s7, $0x3  }
0xc: {  	s4 =	sadd.s32 s4, s11;
	s12 =	sadd.s32 s7, s5;
	s5 =	sadd.s32 s30, s1  }
0xd: {  	s10 =	sshrl.u32 s31, $0x2;
	s6 =	sadd.s32 $0x4000, s5;
	s7 =	sadd.s32 $0x8000, s5  }
0xe: {  	s8 =	sadd.s32 $0xC000, s5;
	s9 =	sadd.s32 $0x10000, s5;
	s11 =	sadd.s32 $0x3C00, s12  }
0xf: {  	v0 =	vimm.f32 $0.0e+00;
	v1 =	vimm.f32 $1.000000000e+00;
	s12 =	smax.u32 s13, $0x1;
	s13 =	simm.s32 $0x2;
	s18 =	sshrl.u32 s5, $0x3  }
.LBB2_1:
0x10: {  	[tilespmem:s3], [sflag:$0x2] =	stream.linear.gather [hbm4b:s4+s3], $0x5000, $0x38;
	[tilespmem:$0x1D000] =	vst v63  }
0x11: {  	_ =	swait.ge [sflag:s13], $0x5000  }
0x12: {  	[sflag:s13] =	ssyncset.done $0x0  }
0x13: {  	s20 =	simm.s32 $0x0;
	s21 =	simm.s32 $0x200;
	[sflag:s13] =	ssyncadd.s32 $0xFFFFB000  }
.LBB2_2:
0x14: {  	p0 =	sne.s32 s21, $0xFE00;
	[tilespmem:s20+$0x5070] =	vst v0  }
0x15: {  	[tilespmem:s20+$0x5000] =	vst v0  }
0x16: {  	[tilespmem:s20+$0x5010] =	vst v0  }
.Ltmp0:
0x17: {  	[tilespmem:s20+$0x5020] =	vst v0;
	(pc) =	sbr.rel @p0 .LBB2_2-.Ltmp0, $4  }
0x18: {  	[tilespmem:s20+$0x5030] =	vst v0  }
0x19: {  	[tilespmem:s20+$0x5040] =	vst v0  }
0x1a: {  	[tilespmem:s20+$0x5050] =	vst v0  }
0x1b: {  	[tilespmem:s20+$0x5060] =	vst v0;
	s20 =	sshra.s32 s21, $0x2;
	s21 =	sadd.s32 $0x200, s21  }
0x1c: {  	[tilespmem:s20+$0x5070] =	vst v0  }
0x1d: {  	[tilespmem:s20+$0x5000] =	vst v0  }
0x1e: {  	[tilespmem:s20+$0x5010] =	vst v0  }
0x1f: {  	[tilespmem:s20+$0x5020] =	vst v0  }
0x20: {  	[tilespmem:s20+$0x5030] =	vst v0  }
0x21: {  	[tilespmem:s20+$0x5040] =	vst v0  }
0x22: {  	[tilespmem:s20+$0x5050] =	vst v0  }
0x23: {  	[tilespmem:s20+$0x5060] =	vst v0  }
0x24: {  	[spmem:s5] =	stream.linear.scatter [tilespmem:s14], [sflag:$0x2], $0x4000, $0x38;
	[tilespmem:$0x1D000] =	vst v63  }
0x25: {  	_ =	swait.ge [sflag:s13], $0x4000  }
0x26: {  	[sflag:s13] =	ssyncset.done $0x0  }
0x27: {  	[sflag:s13] =	ssyncadd.s32 $0xFFFFC000  }
0x28: {  	[spmem:s6] =	stream.linear.scatter [tilespmem:s14], [sflag:$0x2], $0x4000, $0x38;
	[tilespmem:$0x1D000] =	vst v63  }
0x29: {  	_ =	swait.ge [sflag:s13], $0x4000  }
0x2a: {  	[sflag:s13] =	ssyncset.done $0x0  }
0x2b: {  	[sflag:s13] =	ssyncadd.s32 $0xFFFFC000  }
0x2c: {  	[spmem:s7] =	stream.linear.scatter [tilespmem:s14], [sflag:$0x2], $0x4000, $0x38;
	[tilespmem:$0x1D000] =	vst v63  }
0x2d: {  	_ =	swait.ge [sflag:s13], $0x4000  }
0x2e: {  	[sflag:s13] =	ssyncset.done $0x0  }
0x2f: {  	[sflag:s13] =	ssyncadd.s32 $0xFFFFC000  }
0x30: {  	[spmem:s8] =	stream.linear.scatter [tilespmem:s14], [sflag:$0x2], $0x4000, $0x38;
	[tilespmem:$0x1D000] =	vst v63  }
0x31: {  	_ =	swait.ge [sflag:s13], $0x4000  }
0x32: {  	[sflag:s13] =	ssyncset.done $0x0  }
0x33: {  	[sflag:s13] =	ssyncadd.s32 $0xFFFFC000  }
0x34: {  	[spmem:s9] =	stream.linear.scatter [tilespmem:s14], [sflag:$0x2], $0x4000, $0x38;
	[tilespmem:$0x1D000] =	vst v63  }
0x35: {  	_ =	swait.ge [sflag:s13], $0x4000  }
0x36: {  	[sflag:s13] =	ssyncset.done $0x0  }
0x37: {  	s20 =	simm.s32 $0x0;
	s21 =	simm.s32 $0x200;
	[sflag:s13] =	ssyncadd.s32 $0xFFFFC000  }
.LBB2_4:
0x38: {  	p0 =	sne.s32 s21, $0xFE00;
	[tilespmem:s20+$0x5070] =	vst v1  }
0x39: {  	[tilespmem:s20+$0x5000] =	vst v1  }
0x3a: {  	[tilespmem:s20+$0x5010] =	vst v1  }
.Ltmp1:
0x3b: {  	[tilespmem:s20+$0x5020] =	vst v1;
	(pc) =	sbr.rel @p0 .LBB2_4-.Ltmp1, $4  }
0x3c: {  	[tilespmem:s20+$0x5030] =	vst v1  }
0x3d: {  	[tilespmem:s20+$0x5040] =	vst v1  }
0x3e: {  	[tilespmem:s20+$0x5050] =	vst v1  }
0x3f: {  	[tilespmem:s20+$0x5060] =	vst v1;
	s20 =	sshra.s32 s21, $0x2;
	s21 =	sadd.s32 $0x200, s21  }
0x40: {  	[tilespmem:s20+$0x5070] =	vst v1  }
0x41: {  	[tilespmem:s20+$0x5000] =	vst v1  }
0x42: {  	[tilespmem:s20+$0x5010] =	vst v1  }
0x43: {  	[tilespmem:s20+$0x5020] =	vst v1  }
0x44: {  	[tilespmem:s20+$0x5030] =	vst v1  }
0x45: {  	[tilespmem:s20+$0x5040] =	vst v1  }
0x46: {  	[tilespmem:s20+$0x5050] =	vst v1  }
0x47: {  	[tilespmem:s20+$0x5060] =	vst v1  }
0x48: {  	s25 =	sadd.s32 $0x0, s10;
	[bflag:$0x0] =	sbarrier.arrive $0xFFFF  }
0x49: {  	[spmem:s1] =	stream.indirect.scatter.add.f32 [tilespmem:s14], [sflag:$0x1], $0x80, s25, s15, $0xb8;
	[tilespmem:$0x1D000] =	vst v63  }
0x4a: {  	s21 =	sadd.s32 $0x80, s25  }
0x4b: {  	[spmem:s1] =	stream.indirect.scatter.add.f32 [tilespmem:s14], [sflag:$0x1], $0x80, s21, s15, $0xb8;
	[tilespmem:$0x1D000] =	vst v63  }
0x4c: {  	s26 =	sadd.s32 $0x100, s25  }
0x4d: {  	[spmem:s1] =	stream.indirect.scatter.add.f32 [tilespmem:s14], [sflag:$0x1], $0x80, s26, s15, $0xb8;
	[tilespmem:$0x1D000] =	vst v63  }
0x4e: {  	s28 =	sadd.s32 $0x180, s25  }
0x4f: {  	[spmem:s1] =	stream.indirect.scatter.add.f32 [tilespmem:s14], [sflag:$0x1], $0x80, s28, s15, $0xb8;
	[tilespmem:$0x1D000] =	vst v63  }
0x50: {  	s29 =	sadd.s32 $0x200, s25  }
0x51: {  	[spmem:s1] =	stream.indirect.scatter.add.f32 [tilespmem:s14], [sflag:$0x1], $0x80, s29, s15, $0xb8;
	[tilespmem:$0x1D000] =	vst v63  }
0x52: {  	s30 =	sadd.s32 $0x280, s25  }
0x53: {  	[spmem:s1] =	stream.indirect.scatter.add.f32 [tilespmem:s14], [sflag:$0x1], $0x80, s30, s15, $0xb8;
	[tilespmem:$0x1D000] =	vst v63  }
0x54: {  	s31 =	sadd.s32 $0x300, s25  }
0x55: {  	[spmem:s1] =	stream.indirect.scatter.add.f32 [tilespmem:s14], [sflag:$0x1], $0x80, s31, s15, $0xb8;
	[tilespmem:$0x1D000] =	vst v63  }
0x56: {  	s20 =	sadd.s32 $0x380, s25  }
0x57: {  	[spmem:s1] =	stream.indirect.scatter.add.f32 [tilespmem:s14], [sflag:$0x1], $0x80, s20, s15, $0xb8;
	[tilespmem:$0x1D000] =	vst v63  }
0x58: {  	_ =	swait.ge [sflag:s16], $0x4000  }
0x59: {  	[sflag:s16] =	ssyncset.done $0x0  }
0x5a: {  	[sflag:s16] =	ssyncadd.s32 $0xFFFFC000  }
0x5b: {  	_ =	swait.ge [sflag:s16], $0x4000  }
0x5c: {  	[sflag:s16] =	ssyncset.done $0x0  }
0x5d: {  	[sflag:s16] =	ssyncadd.s32 $0xFFFFC000  }
0x5e: {  	_ =	swait.ge [sflag:s16], $0x4000  }
0x5f: {  	[sflag:s16] =	ssyncset.done $0x0  }
0x60: {  	[sflag:s16] =	ssyncadd.s32 $0xFFFFC000  }
0x61: {  	_ =	swait.ge [sflag:s16], $0x4000  }
0x62: {  	[sflag:s16] =	ssyncset.done $0x0  }
0x63: {  	[sflag:s16] =	ssyncadd.s32 $0xFFFFC000  }
0x64: {  	_ =	swait.ge [sflag:s16], $0x4000  }
0x65: {  	[sflag:s16] =	ssyncset.done $0x0  }
0x66: {  	[sflag:s16] =	ssyncadd.s32 $0xFFFFC000  }
0x67: {  	_ =	swait.ge [sflag:s16], $0x4000  }
0x68: {  	[sflag:s16] =	ssyncset.done $0x0  }
0x69: {  	[sflag:s16] =	ssyncadd.s32 $0xFFFFC000  }
0x6a: {  	_ =	swait.ge [sflag:s16], $0x4000  }
0x6b: {  	[sflag:s16] =	ssyncset.done $0x0  }
0x6c: {  	[sflag:s16] =	ssyncadd.s32 $0xFFFFC000  }
0x6d: {  	_ =	swait.ge [sflag:s16], $0x4000  }
0x6e: {  	s22 =	simm.s32 $0x2000;
	s21 =	simm.s32 $0x400;
	[sflag:s16] =	ssyncset.done $0x0  }
.LBB2_6:
0x6f: {  	s23 =	sadd.s32 s21, s10  }
0x70: {  	[sflag:s16] =	ssyncadd.s32 $0xFFFFC000;
	s21 =	smov.u32 s22;
	s20 =	sadd.s32 $0x1000, s22  }
0x71: {  	[spmem:s1] =	stream.indirect.scatter.add.f32 [tilespmem:s14], [sflag:$0x1], $0x80, s23, s15, $0xb8;
	[tilespmem:$0x1D000] =	vst v63  }
0x72: {  	p0 =	sne.s32 s22, $0x9000;
	s22 =	sadd.s32 $0x80, s23  }
0x73: {  	[spmem:s1] =	stream.indirect.scatter.add.f32 [tilespmem:s14], [sflag:$0x1], $0x80, s22, s15, $0xb8;
	[tilespmem:$0x1D000] =	vst v63  }
0x74: {  	s22 =	sadd.s32 $0x100, s23  }
0x75: {  	[spmem:s1] =	stream.indirect.scatter.add.f32 [tilespmem:s14], [sflag:$0x1], $0x80, s22, s15, $0xb8;
	[tilespmem:$0x1D000] =	vst v63  }
0x76: {  	s22 =	sadd.s32 $0x180, s23  }
0x77: {  	[spmem:s1] =	stream.indirect.scatter.add.f32 [tilespmem:s14], [sflag:$0x1], $0x80, s22, s15, $0xb8;
	[tilespmem:$0x1D000] =	vst v63  }
0x78: {  	s22 =	sadd.s32 $0x200, s23  }
0x79: {  	[spmem:s1] =	stream.indirect.scatter.add.f32 [tilespmem:s14], [sflag:$0x1], $0x80, s22, s15, $0xb8;
	[tilespmem:$0x1D000] =	vst v63  }
0x7a: {  	s22 =	sadd.s32 $0x280, s23  }
0x7b: {  	[spmem:s1] =	stream.indirect.scatter.add.f32 [tilespmem:s14], [sflag:$0x1], $0x80, s22, s15, $0xb8;
	[tilespmem:$0x1D000] =	vst v63  }
0x7c: {  	s22 =	sadd.s32 $0x300, s23  }
0x7d: {  	[spmem:s1] =	stream.indirect.scatter.add.f32 [tilespmem:s14], [sflag:$0x1], $0x80, s22, s15, $0xb8;
	[tilespmem:$0x1D000] =	vst v63  }
0x7e: {  	s22 =	sadd.s32 $0x380, s23  }
0x7f: {  	[spmem:s1] =	stream.indirect.scatter.add.f32 [tilespmem:s14], [sflag:$0x1], $0x80, s22, s15, $0xb8;
	[tilespmem:$0x1D000] =	vst v63  }
0x80: {  	_ =	swait.ge [sflag:s16], $0x4000  }
0x81: {  	[sflag:s16] =	ssyncset.done $0x0  }
0x82: {  	[sflag:s16] =	ssyncadd.s32 $0xFFFFC000  }
0x83: {  	_ =	swait.ge [sflag:s16], $0x4000  }
0x84: {  	[sflag:s16] =	ssyncset.done $0x0  }
0x85: {  	[sflag:s16] =	ssyncadd.s32 $0xFFFFC000  }
0x86: {  	_ =	swait.ge [sflag:s16], $0x4000  }
0x87: {  	[sflag:s16] =	ssyncset.done $0x0  }
0x88: {  	[sflag:s16] =	ssyncadd.s32 $0xFFFFC000  }
0x89: {  	_ =	swait.ge [sflag:s16], $0x4000  }
0x8a: {  	[sflag:s16] =	ssyncset.done $0x0  }
0x8b: {  	[sflag:s16] =	ssyncadd.s32 $0xFFFFC000  }
0x8c: {  	_ =	swait.ge [sflag:s16], $0x4000  }
0x8d: {  	[sflag:s16] =	ssyncset.done $0x0  }
0x8e: {  	[sflag:s16] =	ssyncadd.s32 $0xFFFFC000  }
0x8f: {  	_ =	swait.ge [sflag:s16], $0x4000  }
0x90: {  	[sflag:s16] =	ssyncset.done $0x0  }
0x91: {  	[sflag:s16] =	ssyncadd.s32 $0xFFFFC000  }
.Ltmp2:
0x92: {  	_ =	swait.ge [sflag:s16], $0x4000;
	(pc) =	sbr.rel @p0 .LBB2_6-.Ltmp2, $4  }
0x93: {  	[sflag:s16] =	ssyncset.done $0x0  }
0x94: {  	[sflag:s16] =	ssyncadd.s32 $0xFFFFC000  }
0x95: {  	_ =	swait.ge [sflag:s16], $0x4000  }
0x96: {  	s21 =	sshra.s32 s21, $0x2;
	s22 =	smov.u32 s20;
	[sflag:s16] =	ssyncset.done $0x0  }
0x97: {  	s20 =	sadd.s32 s21, s10;
	[sflag:s16] =	ssyncadd.s32 $0xFFFFC000  }
0x98: {  	[spmem:s1] =	stream.indirect.scatter.add.f32 [tilespmem:s14], [sflag:$0x1], $0x80, s20, s15, $0xb8;
	[tilespmem:$0x1D000] =	vst v63  }
0x99: {  	s21 =	sadd.s32 $0x80, s20  }
0x9a: {  	[spmem:s1] =	stream.indirect.scatter.add.f32 [tilespmem:s14], [sflag:$0x1], $0x80, s21, s15, $0xb8;
	[tilespmem:$0x1D000] =	vst v63  }
0x9b: {  	s26 =	sadd.s32 $0x100, s20  }
0x9c: {  	[spmem:s1] =	stream.indirect.scatter.add.f32 [tilespmem:s14], [sflag:$0x1], $0x80, s26, s15, $0xb8;
	[tilespmem:$0x1D000] =	vst v63  }
0x9d: {  	s28 =	sadd.s32 $0x180, s20  }
0x9e: {  	[spmem:s1] =	stream.indirect.scatter.add.f32 [tilespmem:s14], [sflag:$0x1], $0x80, s28, s15, $0xb8;
	[tilespmem:$0x1D000] =	vst v63  }
0x9f: {  	s29 =	sadd.s32 $0x200, s20  }
0xa0: {  	[spmem:s1] =	stream.indirect.scatter.add.f32 [tilespmem:s14], [sflag:$0x1], $0x80, s29, s15, $0xb8;
	[tilespmem:$0x1D000] =	vst v63  }
0xa1: {  	s30 =	sadd.s32 $0x280, s20  }
0xa2: {  	[spmem:s1] =	stream.indirect.scatter.add.f32 [tilespmem:s14], [sflag:$0x1], $0x80, s30, s15, $0xb8;
	[tilespmem:$0x1D000] =	vst v63  }
0xa3: {  	s31 =	sadd.s32 $0x300, s20  }
0xa4: {  	[spmem:s1] =	stream.indirect.scatter.add.f32 [tilespmem:s14], [sflag:$0x1], $0x80, s31, s15, $0xb8;
	[tilespmem:$0x1D000] =	vst v63  }
0xa5: {  	s20 =	sadd.s32 $0x380, s20  }
0xa6: {  	[spmem:s1] =	stream.indirect.scatter.add.f32 [tilespmem:s14], [sflag:$0x1], $0x80, s20, s15, $0xb8;
	[tilespmem:$0x1D000] =	vst v63  }
0xa7: {  	_ =	swait.ge [sflag:s16], $0x4000  }
0xa8: {  	[sflag:s16] =	ssyncset.done $0x0  }
0xa9: {  	[sflag:s16] =	ssyncadd.s32 $0xFFFFC000  }
0xaa: {  	_ =	swait.ge [sflag:s16], $0x4000  }
0xab: {  	[sflag:s16] =	ssyncset.done $0x0  }
0xac: {  	[sflag:s16] =	ssyncadd.s32 $0xFFFFC000  }
0xad: {  	_ =	swait.ge [sflag:s16], $0x4000  }
0xae: {  	[sflag:s16] =	ssyncset.done $0x0  }
0xaf: {  	[sflag:s16] =	ssyncadd.s32 $0xFFFFC000  }
0xb0: {  	_ =	swait.ge [sflag:s16], $0x4000  }
0xb1: {  	[sflag:s16] =	ssyncset.done $0x0  }
0xb2: {  	[sflag:s16] =	ssyncadd.s32 $0xFFFFC000  }
0xb3: {  	_ =	swait.ge [sflag:s16], $0x4000  }
0xb4: {  	[sflag:s16] =	ssyncset.done $0x0  }
0xb5: {  	[sflag:s16] =	ssyncadd.s32 $0xFFFFC000  }
0xb6: {  	_ =	swait.ge [sflag:s16], $0x4000  }
0xb7: {  	[sflag:s16] =	ssyncset.done $0x0  }
0xb8: {  	[sflag:s16] =	ssyncadd.s32 $0xFFFFC000  }
0xb9: {  	_ =	swait.ge [sflag:s16], $0x4000  }
0xba: {  	[sflag:s16] =	ssyncset.done $0x0  }
0xbb: {  	[sflag:s16] =	ssyncadd.s32 $0xFFFFC000  }
0xbc: {  	_ =	swait.ge [sflag:s16], $0x4000  }
0xbd: {  	s19 =	sadd.s32 $0x1, s19;
	[sflag:s16] =	ssyncset.done $0x0  }
0xbe: {  	p0 =	sne.s32 s19, s12;
	[sflag:s16] =	ssyncadd.s32 $0xFFFFC000  }
.Ltmp3:
0xbf: {  	[bflag:$0x0] =	sbarrier.arrive $0xFFFF;
	(pc) =	sbr.rel @p0 .LBB2_1-.Ltmp3, $4  }
0xc0: {  	[hbm:s11], [sflag:s17] =	dma.local [spmem:s18], $0x2800  }
0xc1: {  	_ =	swait.ge [sflag:s13], $0x2800  }
0xc2: {  	[sflag:s13] =	ssyncset.done $0x0  }
0xc3: {  	[sflag:s13] =	ssyncadd.s32 $0xFFFFD800  }
0xc4: {  	_ =	sfence.sel $0x180000  }
0xc5: {  	[bflag:$0x0] =	sbarrier.arrive $0xFFFF  }
0xc6: {  	p0 =	sne.s32 s2, $0x0;
	_ =	strace $0x90000047  }
0xc7: {  	s0 =	sadd.s32 @!p0 $0x100000, s0;
	[bflag:$0x2] =	sbarrier.arrive $0xFFFF  }
0xc8: {  	[sflag:s0] =	ssyncadd.tile.s32 @!p0 $0x1;
	_ =	shalt  }
.Lfunc_end2:
_tile_overlayer_lowered:
.L_overlay_start_2:
0xc9: {  	(tag) =	ssettag $0x2  }
0xca: {  	s0 =	rddreg [dreg:$0x0];
	s2 =	stileid.u32  }
0xcb: {  	s1 =	rddreg [dreg:$0x1];
	p0 =	sne.s32 s2, $0x0  }
0xcc: {  	s3 =	rddreg [dreg:$0x2];
	[bflag:$0x3] =	sbarrier.arrive $0xFFFF;
	s2 =	simm.s32 @!p0 $0x1C02  }
0xcd: {  	[timem:s3], [sflag:s2] =	dma.local @!p0 [hbm:s0], s1  }
0xce: {  	s0 =	simm.s32 @!p0 $0x2  }
0xcf: {  	_ =	swait.ge @!p0 [sflag:s0], s1  }
0xd0: {  	s1 =	ssub.s32 @!p0 $0x0, s1;
	[sflag:s0] =	ssyncset.done @!p0 $0x0  }
0xd1: {  	[sflag:s0] =	ssyncadd.s32 @!p0 s1  }
0xd2: {  	[bflag:$0x3] =	sbarrier.arrive $0xFFFF  }
0xd3: {  	_ =	shalt  }

</sc_bundles>
